<compile_context>
chip_gen: v7x
topology: tpu7x:2x2x1
jax: 0.10.2.dev20260603
libtpu: 0.0.44.dev20260713+nightly
codegen_flags: <defaults>
</compile_context>

<pallas_src>
import functools
import jax
import jax.numpy as jnp
from jax import lax
from jax.experimental import pallas as pl
from jax.experimental.pallas import tpu as pltpu
from jax.experimental.pallas import tpu_sc as plsc

N = 10000
E = 320000
D = 128
H = 8
C = 8
OUT = 16
G = 64

NP = 10112
NW = 32
BE = 72
NCH = 140
NPAIR = NCH // 2
EPAD = NW * NCH * BE
RPW = NP // 16

_mesh = plsc.VectorSubcoreMesh(core_axis_name="c", subcore_axis_name="s")


def _lrelu(x):
    return jnp.maximum(x, 0.2 * x)


def _pre1_body(x_ref, w1_ref, as_ref, ad_ref, t_ref, td_ref, m_ref):
    h = jnp.dot(x_ref[...], w1_ref[...], preferred_element_type=jnp.float32)
    a_s = jnp.dot(h, as_ref[...], preferred_element_type=jnp.float32)
    a_d = jnp.dot(h, ad_ref[...], preferred_element_type=jnp.float32)
    t = jnp.concatenate([h, a_s, a_s,
                         jnp.zeros((N, 48), jnp.float32)], axis=1)
    t_ref[0:N, :] = t
    t_ref[N:NP, :] = jnp.zeros((NP - N, 128), jnp.float32)
    td_ref[0:N, :] = jnp.concatenate([a_d, a_d,
                                      jnp.zeros((N, 112), jnp.float32)], axis=1)
    td_ref[N:NP, :] = jnp.zeros((NP - N, 128), jnp.float32)
    m8 = _lrelu(jnp.max(a_s, axis=0) + jnp.max(a_d, axis=0))
    m_ref[...] = jnp.concatenate([m8, m8])[None, :]


def _pre1(x, W1cm, Ascm, Adcm):
    return pl.pallas_call(
        _pre1_body,
        out_shape=[
            jax.ShapeDtypeStruct((NP, 128), jnp.float32),
            jax.ShapeDtypeStruct((NP, 128), jnp.float32),
            jax.ShapeDtypeStruct((1, 16), jnp.float32),
        ],
    )(x, W1cm, Ascm, Adcm)


def _make_edge_pass(name, a_src_off, nblk):
    aw = 128
    kernel_kwargs = dict(
        mesh=_mesh,
        out_type=jax.ShapeDtypeStruct((2, NP, aw), jnp.float32),
        scratch_types=[
            pltpu.VMEM((2, BE), jnp.int32),
            pltpu.VMEM((2, BE), jnp.int32),
            pltpu.VMEM((BE, 128), jnp.float32),
            pltpu.VMEM((BE, 128), jnp.float32),
            pltpu.VMEM((BE, 128), jnp.float32),
            pltpu.VMEM((BE, 128), jnp.float32),
            pltpu.VMEM((BE, aw), jnp.float32),
            pltpu.VMEM((16,), jnp.float32),
            pltpu.VMEM_SHARED((NP, aw), jnp.float32),
            pltpu.SemaphoreType.DMA,
            pltpu.SemaphoreType.DMA,
        ],
    )

    def _edge(tsrc, tdst, sd, mvec, out, sdA, sdB, srowsA, drowsA, srowsB,
              drowsB, msg, mv, acc, semA, semB):
        c = lax.axis_index("c")
        s = lax.axis_index("s")
        wid = s * 2 + c

        pltpu.sync_copy(mvec.at[0], mv)

        def _zrow(i, _):
            zv = jnp.zeros((16,), jnp.float32)
            for k in range(8):
                msg[i, pl.ds(16 * k, 16)] = zv
            return 0

        lax.fori_loop(0, BE, _zrow, 0)
        base = s * RPW
        for st in list(range(0, RPW - BE, BE)) + [RPW - BE]:
            pltpu.sync_copy(msg, acc.at[pl.ds(base + st, BE)])
        plsc.subcore_barrier()

        def _fire(j, sdb, srows, drows, sem):
            pltpu.sync_copy(sd.at[wid, j], sdb)
            pltpu.async_copy(tsrc.at[sdb.at[0]], srows, sem)
            pltpu.async_copy(tdst.at[sdb.at[1]], drows, sem)

        def _drain(sdb, srows, drows, sem):
            pltpu.make_async_copy(tsrc.at[sdb.at[0]], srows, sem).wait()
            pltpu.make_async_copy(tdst.at[sdb.at[1]], drows, sem).wait()

        def _compute(sdb, srows, drows):
            mreg = mv[...]

            def _edge_i(b, _):
                e = srows[b, pl.ds(a_src_off, 16)] + drows[b, pl.ds(0, 16)]
                w = jnp.exp(_lrelu(e) - mreg)
                for k in range(nblk):
                    msg[b, pl.ds(16 * k, 16)] = srows[b, pl.ds(16 * k, 16)] * w
                msg[b, pl.ds(16 * nblk, 16)] = w
                return 0

            lax.fori_loop(0, BE, _edge_i, 0)
            pltpu.sync_copy(msg, acc.at[sdb.at[1]], add=True)

        _fire(0, sdA, srowsA, drowsA, semA)

        def _pair(jp, _):
            j0 = 2 * jp
            _fire(j0 + 1, sdB, srowsB, drowsB, semB)
            _drain(sdA, srowsA, drowsA, semA)
            _compute(sdA, srowsA, drowsA)
            _fire(jnp.minimum(j0 + 2, NCH - 1), sdA, srowsA, drowsA, semA)
            _drain(sdB, srowsB, drowsB, semB)
            _compute(sdB, srowsB, drowsB)
            return 0

        lax.fori_loop(0, NPAIR, _pair, 0)
        _drain(sdA, srowsA, drowsA, semA)
        plsc.subcore_barrier()
        pltpu.sync_copy(acc.at[pl.ds(base, RPW)], out.at[c, pl.ds(base, RPW)])

    _edge.__name__ = name
    _edge.__qualname__ = name
    return pl.kernel(_edge, **kernel_kwargs)


_edge1 = _make_edge_pass("_edge1", 64, 4)
_edge2 = _make_edge_pass("_edge2", 16, 1)


def _mid_body(p_ref, t1_ref, td1_ref, m1_ref, b1_ref, w2_ref, as2_ref,
              ad2_ref, r_ref, t2_ref, td2_ref, m2_ref):
    Rcm = r_ref[...]
    num = p_ref[0:NP, 0:64] + p_ref[NP:2 * NP, 0:64]
    den8 = p_ref[0:NP, 64:72] + p_ref[NP:2 * NP, 64:72]
    h1 = t1_ref[:, 0:64]
    a_s1 = t1_ref[:, 64:72]
    a_d1 = td1_ref[:, 0:8]
    m1 = m1_ref[0:1, 0:8]
    w_self = jnp.exp(_lrelu(a_s1 + a_d1) - m1)
    num = num + jnp.dot(w_self, Rcm, preferred_element_type=jnp.float32) * h1
    den = jnp.dot(den8 + w_self, Rcm, preferred_element_type=jnp.float32)
    o1 = num / (den + 1e-16) + b1_ref[...]
    o1 = jnp.where(o1 > 0, o1, jnp.exp(jnp.minimum(o1, 0.0)) - 1.0)
    rows = lax.broadcasted_iota(jnp.int32, (NP, 64), 0)
    o1 = jnp.where(rows < N, o1, 0.0)
    h2 = jnp.dot(o1, w2_ref[...], preferred_element_type=jnp.float32)
    asc = jnp.dot(h2, as2_ref[...], preferred_element_type=jnp.float32)
    adc = jnp.dot(h2, ad2_ref[...], preferred_element_type=jnp.float32)
    t2_ref[...] = jnp.concatenate(
        [h2, jnp.broadcast_to(asc, (NP, 16)), jnp.broadcast_to(adc, (NP, 16)),
         jnp.zeros((NP, 80), jnp.float32)], axis=1)
    td2_ref[...] = jnp.concatenate(
        [jnp.broadcast_to(adc, (NP, 16)), jnp.zeros((NP, 112), jnp.float32)],
        axis=1)
    m2 = _lrelu(jnp.max(asc) + jnp.max(adc))
    m2_ref[...] = jnp.full((1, 16), m2, jnp.float32)


def _mid(p1, t1, td1, m1, b1cm, W2cm, as2t, ad2t, Rcm):
    return pl.pallas_call(
        _mid_body,
        out_shape=[
            jax.ShapeDtypeStruct((NP, 128), jnp.float32),
            jax.ShapeDtypeStruct((NP, 128), jnp.float32),
            jax.ShapeDtypeStruct((1, 16), jnp.float32),
        ],
    )(p1, t1, td1, m1, b1cm, W2cm, as2t, ad2t, Rcm)


def _post_body(p_ref, t2_ref, m2_ref, b2_ref, batch_ref, out_ref):
    num2 = p_ref[0:NP, 0:16] + p_ref[NP:2 * NP, 0:16]
    den2 = p_ref[0:NP, 16:17] + p_ref[NP:2 * NP, 16:17]
    h2 = t2_ref[:, 0:16]
    asc = t2_ref[:, 16:17]
    adc = t2_ref[:, 32:33]
    w2 = jnp.exp(_lrelu(asc + adc) - m2_ref[0:1, 0:1])
    numf = num2 + w2 * h2
    denf = den2 + w2
    hout = numf / (denf + 1e-16) + b2_ref[...]
    hN = hout[0:N, :]
    cols = lax.broadcasted_iota(jnp.int32, (N, G), 1)
    onehot = (batch_ref[...] == cols).astype(jnp.float32)
    psum = lax.dot_general(onehot, hN, (((0,), (0,)), ((), ())),
                           preferred_element_type=jnp.float32)
    cnt = lax.dot_general(onehot, jnp.ones((N, 1), jnp.float32),
                          (((0,), (0,)), ((), ())),
                          preferred_element_type=jnp.float32)
    out_ref[...] = psum / jnp.maximum(cnt, 1.0)


def _post(p2, t2, m2, b2, batch2d):
    return pl.pallas_call(
        _post_body,
        out_shape=jax.ShapeDtypeStruct((G, OUT), jnp.float32),
    )(p2, t2, m2, b2, batch2d)


@jax.jit
def kernel(x, edge_index, batch, W1, att_src1, att_dst1, b1,
           W2, att_src2, att_dst2, b2):
    x = x.astype(jnp.float32)
    eye = jnp.eye(H, dtype=jnp.float32)
    W1cm = W1.reshape(D, H, C).transpose(0, 2, 1).reshape(D, H * C)
    Ascm = (att_src1.T[:, :, None] * eye[None, :, :]).reshape(C * H, H)
    Adcm = (att_dst1.T[:, :, None] * eye[None, :, :]).reshape(C * H, H)
    Rcm = jnp.tile(eye, (1, C))
    b1cm = b1.reshape(H, C).T.reshape(1, H * C)
    W2cm = W2.reshape(H, C, OUT).transpose(1, 0, 2).reshape(H * C, OUT)
    pad = jnp.full((EPAD - E,), N, jnp.int32)
    srcs = jnp.concatenate([edge_index[0].astype(jnp.int32), pad])
    dsts = jnp.concatenate([edge_index[1].astype(jnp.int32), pad])
    sd = jnp.stack([srcs.reshape(NW, NCH, BE),
                    dsts.reshape(NW, NCH, BE)], axis=2)

    t1, td1, m1 = _pre1(x, W1cm, Ascm, Adcm)
    p1 = _edge1(t1, td1, sd, m1)
    t2, td2, m2 = _mid(p1.reshape(2 * NP, 128), t1, td1, m1,
                       b1cm, W2cm, att_src2.T, att_dst2.T, Rcm)
    p2 = _edge2(t2, td2, sd, m2)
    pooled = _post(p2.reshape(2 * NP, 128), t2, m2, b2[None, :],
                   batch[:, None].astype(jnp.int32))
    return pooled

# --- scband reference (transcript-rebuilt; emitter-appended) ---
"""Pipeline reference for scband-gat-11673721111183 (READ-ONLY COPY).

The authoritative reference and input builder live on the scoring server;
editing this copy changes nothing except your own understanding.
"""

import jax, jax.numpy as jnp
import numpy as np

N = 10000
E = 320000
D = 128
H = 8
C = 8
OUT = 16
G = 64


def setup_inputs(seed: int = 0) -> dict:
    key = jax.random.key(seed)
    ks = jax.random.split(key, 12)
    s = 0.1
    x = jax.random.normal(ks[0], (N, D), dtype=jnp.float32)
    edge_index = jax.random.randint(ks[1], (2, E), 0, N, dtype=jnp.int32)
    batch = jnp.sort(jax.random.randint(ks[2], (N,), 0, G, dtype=jnp.int32))
    W1 = jax.random.normal(ks[3], (D, H * C), dtype=jnp.float32) * s
    att_src1 = jax.random.normal(ks[4], (H, C), dtype=jnp.float32) * s
    att_dst1 = jax.random.normal(ks[5], (H, C), dtype=jnp.float32) * s
    b1 = jnp.zeros((H * C,), dtype=jnp.float32)
    W2 = jax.random.normal(ks[6], (H * C, OUT), dtype=jnp.float32) * s
    att_src2 = jax.random.normal(ks[7], (1, OUT), dtype=jnp.float32) * s
    att_dst2 = jax.random.normal(ks[8], (1, OUT), dtype=jnp.float32) * s
    b2 = jnp.zeros((OUT,), dtype=jnp.float32)
    return {"x": x, "edge_index": edge_index, "batch": batch,
            "W1": W1, "att_src1": att_src1, "att_dst1": att_dst1, "b1": b1,
            "W2": W2, "att_src2": att_src2, "att_dst2": att_dst2, "b2": b2}


def _gat_conv(x, src, dst, W, att_src, att_dst, heads, ch, num_nodes):
    # PyG GATConv (eval mode: dropout inactive), self-loops already in (src, dst)
    h = (x @ W).reshape(num_nodes, heads, ch)
    a_src = jnp.sum(h * att_src[None, :, :], axis=-1)  # [N, H]
    a_dst = jnp.sum(h * att_dst[None, :, :], axis=-1)  # [N, H]
    e = a_src[src] + a_dst[dst]                        # [Etot, H]
    e = jax.nn.leaky_relu(e, negative_slope=0.2)
    # segment softmax over destination nodes
    e_max = jax.ops.segment_max(e, dst, num_segments=num_nodes)
    e_max = jnp.where(jnp.isfinite(e_max), e_max, 0.0)
    e_exp = jnp.exp(e - e_max[dst])
    denom = jax.ops.segment_sum(e_exp, dst, num_segments=num_nodes)
    alpha = e_exp / (denom[dst] + 1e-16)               # [Etot, H]
    msg = h[src] * alpha[:, :, None]                   # [Etot, H, C]
    out = jax.ops.segment_sum(msg, dst, num_segments=num_nodes)
    return out  # [N, H, C]


def reference(x, edge_index, batch, W1, att_src1, att_dst1, b1, W2, att_src2, att_dst2, b2):
    x = x.astype(jnp.float32)
    loop = jnp.arange(N, dtype=edge_index.dtype)
    src = jnp.concatenate([edge_index[0], loop])
    dst = jnp.concatenate([edge_index[1], loop])
    # conv1: heads=8, concat=True
    h1 = _gat_conv(x, src, dst, W1, att_src1, att_dst1, H, C, N)
    h1 = h1.reshape(N, H * C) + b1
    h1 = jax.nn.elu(h1)
    # conv2: heads=1, concat=False (mean over 1 head == squeeze)
    h2 = _gat_conv(h1, src, dst, W2, att_src2, att_dst2, 1, OUT, N)
    h2 = h2.reshape(N, OUT) + b2
    # global_mean_pool over batch assignment
    sums = jax.ops.segment_sum(h2, batch, num_segments=G)
    counts = jax.ops.segment_sum(jnp.ones((N, 1), dtype=jnp.float32), batch, num_segments=G)
    pooled = sums / jnp.maximum(counts, 1.0)
    return pooled

if __name__ == "__main__":
    import jax
    _d = setup_inputs()
    print(jax.jit(kernel)(*tuple(_d.values())))

</pallas_src>

<mosaic_0001>
#map = affine_map<(d0, d1) -> (0, 0)>
#map1 = affine_map<(d0, d1) -> (0, 0, 0, 0)>
#map2 = affine_map<(d0, d1) -> (0, 0, 0)>
module attributes {stable_mosaic.version = 14 : i64} {
  func.func @_edge2(%arg0: i32, %arg1: i32, %arg2: memref<10112x128xf32, #tpu.memory_space<hbm>>, %arg3: memref<10112x128xf32, #tpu.memory_space<hbm>>, %arg4: memref<32x140x2x72xi32, #tpu.memory_space<hbm>>, %arg5: memref<1x16xf32, #tpu.memory_space<hbm>>, %arg6: memref<2x10112x128xf32, #tpu.memory_space<hbm>>, %arg7: memref<2x72xi32, #tpu.memory_space<vmem>>, %arg8: memref<2x72xi32, #tpu.memory_space<vmem>>, %arg9: memref<72x128xf32, #tpu.memory_space<vmem>>, %arg10: memref<72x128xf32, #tpu.memory_space<vmem>>, %arg11: memref<72x128xf32, #tpu.memory_space<vmem>>, %arg12: memref<72x128xf32, #tpu.memory_space<vmem>>, %arg13: memref<72x128xf32, #tpu.memory_space<vmem>>, %arg14: memref<16xf32, #tpu.memory_space<vmem>>, %arg15: memref<10112x128xf32, #tpu.memory_space<vmem_shared>>, %arg16: memref<!tpu.dma_semaphore, #tpu.memory_space<semaphore_mem>>, %arg17: memref<!tpu.dma_semaphore, #tpu.memory_space<semaphore_mem>>) attributes {dimension_semantics = [#tpu.dimension_semantics<core_parallel>, #tpu.dimension_semantics<subcore_parallel>], iteration_bounds = array<i64: 2, 16>, scalar_prefetch = 0 : i64, scratch_operands = 11 : i64, tpu.core_type = #tpu.core_type<sc_vector_subcore>, window_params = [{transform_indices = #map}, {transform_indices = #map}, {transform_indices = #map1}, {transform_indices = #map}, {transform_indices = #map2}]} {
    %mul3A = arith.constant 2 : i32
    %mul3A_0 = arith.muli %arg1, %mul3A : i32
    %add3A = arith.addi %mul3A_0, %arg0 : i32
    %run_scoped3A = arith.constant 0 : i32
    "tpu.region"() ({
      %run_scoped3A_62 = tpu.sem_alloc : memref<!tpu.dma_semaphore, #tpu.memory_space<semaphore_mem>>
      %dma_start3A_63 = arith.constant 0 : i32
      %dma_start3A_64 = tpu.memref_slice %arg5[%run_scoped3A, %dma_start3A_63] : memref<1x16xf32, #tpu.memory_space<hbm>> -> memref<1x16xf32, #tpu.memory_space<hbm>>
      %dma_start3A_65 = tpu.memref_squeeze %dma_start3A_64 : memref<1x16xf32, #tpu.memory_space<hbm>> -> memref<16xf32, #tpu.memory_space<hbm>>
      %dma_start3A_66 = arith.constant 0 : i32
      %dma_start3A_67 = tpu.memref_slice %arg5[%run_scoped3A, %dma_start3A_66] : memref<1x16xf32, #tpu.memory_space<hbm>> -> memref<1x16xf32, #tpu.memory_space<hbm>>
      %dma_start3A_68 = tpu.memref_squeeze %dma_start3A_67 : memref<1x16xf32, #tpu.memory_space<hbm>> -> memref<16xf32, #tpu.memory_space<hbm>>
      tpu.enqueue_dma source(%dma_start3A_68 : memref<16xf32, #tpu.memory_space<hbm>>) target(%arg14 : memref<16xf32, #tpu.memory_space<vmem>>) target_semaphore(%run_scoped3A_62 : memref<!tpu.dma_semaphore, #tpu.memory_space<semaphore_mem>>)
      %dma_wait3A_69 = arith.constant 0 : i32
      %dma_wait3A_70 = tpu.memref_slice %arg5[%run_scoped3A, %dma_wait3A_69] : memref<1x16xf32, #tpu.memory_space<hbm>> -> memref<1x16xf32, #tpu.memory_space<hbm>>
      %dma_wait3A_71 = tpu.memref_squeeze %dma_wait3A_70 : memref<1x16xf32, #tpu.memory_space<hbm>> -> memref<16xf32, #tpu.memory_space<hbm>>
      %dma_wait3A_72 = arith.constant 0 : i32
      %dma_wait3A_73 = tpu.memref_slice %arg5[%run_scoped3A, %dma_wait3A_72] : memref<1x16xf32, #tpu.memory_space<hbm>> -> memref<1x16xf32, #tpu.memory_space<hbm>>
      %dma_wait3A_74 = tpu.memref_squeeze %dma_wait3A_73 : memref<1x16xf32, #tpu.memory_space<hbm>> -> memref<16xf32, #tpu.memory_space<hbm>>
      tpu.wait_dma2 semaphore(%run_scoped3A_62 : memref<!tpu.dma_semaphore, #tpu.memory_space<semaphore_mem>>) src(%dma_wait3A_74 : memref<16xf32, #tpu.memory_space<hbm>>) dst(%arg14 : memref<16xf32, #tpu.memory_space<vmem>>)
      tpu.yield
    }) : () -> ()
    %scan3A = arith.constant 0 : i32
    %scan3A_1 = arith.constant 0 : i32
    %scan3A_2 = arith.constant 72 : i32
    %scan3A_3 = arith.addi %scan3A_1, %scan3A_2 : i32
    %scan3A_4 = arith.constant 1 : i32
    %scan3A_5 = scf.for %scan3A_62 = %scan3A_1 to %scan3A_3 step %scan3A_4 iter_args(%scan3A_63 = %scan3A) -> (i32)  : i32 {
      %broadcast_in_dim3A = arith.constant 0.000000e+00 : f32
      %broadcast_in_dim3A_64 = vector.broadcast %broadcast_in_dim3A : f32 to vector<16xf32>
      %swap3A = arith.index_cast %scan3A_62 : i32 to index
      %swap3A_65 = arith.constant 0 : index
      %swap3A_66 = tpu.vector_load %arg13[%swap3A, %swap3A_65] {strides = array<i32>} : memref<72x128xf32, #tpu.memory_space<vmem>>, vector<1x16xf32>,
      %swap3A_67 = vector.shape_cast %swap3A_66 : vector<1x16xf32> to vector<16xf32>
      %swap3A_68 = vector.shape_cast %broadcast_in_dim3A_64 : vector<16xf32> to vector<1x16xf32>
      tpu.vector_store %arg13[%swap3A, %swap3A_65], %swap3A_68 {strides = array<i32>} : memref<72x128xf32, #tpu.memory_space<vmem>>, vector<1x16xf32>,
      %swap3A_69 = arith.index_cast %scan3A_62 : i32 to index
      %swap3A_70 = arith.constant 16 : index
      %swap3A_71 = tpu.vector_load %arg13[%swap3A_69, %swap3A_70] {strides = array<i32>} : memref<72x128xf32, #tpu.memory_space<vmem>>, vector<1x16xf32>,
      %swap3A_72 = vector.shape_cast %swap3A_71 : vector<1x16xf32> to vector<16xf32>
      %swap3A_73 = vector.shape_cast %broadcast_in_dim3A_64 : vector<16xf32> to vector<1x16xf32>
      tpu.vector_store %arg13[%swap3A_69, %swap3A_70], %swap3A_73 {strides = array<i32>} : memref<72x128xf32, #tpu.memory_space<vmem>>, vector<1x16xf32>,
      %swap3A_74 = arith.index_cast %scan3A_62 : i32 to index
      %swap3A_75 = arith.constant 32 : index
      %swap3A_76 = tpu.vector_load %arg13[%swap3A_74, %swap3A_75] {strides = array<i32>} : memref<72x128xf32, #tpu.memory_space<vmem>>, vector<1x16xf32>,
      %swap3A_77 = vector.shape_cast %swap3A_76 : vector<1x16xf32> to vector<16xf32>
      %swap3A_78 = vector.shape_cast %broadcast_in_dim3A_64 : vector<16xf32> to vector<1x16xf32>
      tpu.vector_store %arg13[%swap3A_74, %swap3A_75], %swap3A_78 {strides = array<i32>} : memref<72x128xf32, #tpu.memory_space<vmem>>, vector<1x16xf32>,
      %swap3A_79 = arith.index_cast %scan3A_62 : i32 to index
      %swap3A_80 = arith.constant 48 : index
      %swap3A_81 = tpu.vector_load %arg13[%swap3A_79, %swap3A_80] {strides = array<i32>} : memref<72x128xf32, #tpu.memory_space<vmem>>, vector<1x16xf32>,
      %swap3A_82 = vector.shape_cast %swap3A_81 : vector<1x16xf32> to vector<16xf32>
      %swap3A_83 = vector.shape_cast %broadcast_in_dim3A_64 : vector<16xf32> to vector<1x16xf32>
      tpu.vector_store %arg13[%swap3A_79, %swap3A_80], %swap3A_83 {strides = array<i32>} : memref<72x128xf32, #tpu.memory_space<vmem>>, vector<1x16xf32>,
      %swap3A_84 = arith.index_cast %scan3A_62 : i32 to index
      %swap3A_85 = arith.constant 64 : index
      %swap3A_86 = tpu.vector_load %arg13[%swap3A_84, %swap3A_85] {strides = array<i32>} : memref<72x128xf32, #tpu.memory_space<vmem>>, vector<1x16xf32>,
      %swap3A_87 = vector.shape_cast %swap3A_86 : vector<1x16xf32> to vector<16xf32>
      %swap3A_88 = vector.shape_cast %broadcast_in_dim3A_64 : vector<16xf32> to vector<1x16xf32>
      tpu.vector_store %arg13[%swap3A_84, %swap3A_85], %swap3A_88 {strides = array<i32>} : memref<72x128xf32, #tpu.memory_space<vmem>>, vector<1x16xf32>,
      %swap3A_89 = arith.index_cast %scan3A_62 : i32 to index
      %swap3A_90 = arith.constant 80 : index
      %swap3A_91 = tpu.vector_load %arg13[%swap3A_89, %swap3A_90] {strides = array<i32>} : memref<72x128xf32, #tpu.memory_space<vmem>>, vector<1x16xf32>,
      %swap3A_92 = vector.shape_cast %swap3A_91 : vector<1x16xf32> to vector<16xf32>
      %swap3A_93 = vector.shape_cast %broadcast_in_dim3A_64 : vector<16xf32> to vector<1x16xf32>
      tpu.vector_store %arg13[%swap3A_89, %swap3A_90], %swap3A_93 {strides = array<i32>} : memref<72x128xf32, #tpu.memory_space<vmem>>, vector<1x16xf32>,
      %swap3A_94 = arith.index_cast %scan3A_62 : i32 to index
      %swap3A_95 = arith.constant 96 : index
      %swap3A_96 = tpu.vector_load %arg13[%swap3A_94, %swap3A_95] {strides = array<i32>} : memref<72x128xf32, #tpu.memory_space<vmem>>, vector<1x16xf32>,
      %swap3A_97 = vector.shape_cast %swap3A_96 : vector<1x16xf32> to vector<16xf32>
      %swap3A_98 = vector.shape_cast %broadcast_in_dim3A_64 : vector<16xf32> to vector<1x16xf32>
      tpu.vector_store %arg13[%swap3A_94, %swap3A_95], %swap3A_98 {strides = array<i32>} : memref<72x128xf32, #tpu.memory_space<vmem>>, vector<1x16xf32>,
      %swap3A_99 = arith.index_cast %scan3A_62 : i32 to index
      %swap3A_100 = arith.constant 112 : index
      %swap3A_101 = tpu.vector_load %arg13[%swap3A_99, %swap3A_100] {strides = array<i32>} : memref<72x128xf32, #tpu.memory_space<vmem>>, vector<1x16xf32>,
      %swap3A_102 = vector.shape_cast %swap3A_101 : vector<1x16xf32> to vector<16xf32>
      %swap3A_103 = vector.shape_cast %broadcast_in_dim3A_64 : vector<16xf32> to vector<1x16xf32>
      tpu.vector_store %arg13[%swap3A_99, %swap3A_100], %swap3A_103 {strides = array<i32>} : memref<72x128xf32, #tpu.memory_space<vmem>>, vector<1x16xf32>,
      %scan3A_104 = arith.constant 0 : i32
      scf.yield %scan3A_104 : i32
    }
    %scan3A_6 = arith.constant 72 : i32
    %mul3A_7 = arith.constant 632 : i32
    %mul3A_8 = arith.muli %arg1, %mul3A_7 : i32
    %add3A_9 = arith.constant 0 : i32
    %add3A_10 = arith.addi %mul3A_8, %add3A_9 : i32
    "tpu.region"() ({
      %run_scoped3A_62 = tpu.sem_alloc : memref<!tpu.dma_semaphore, #tpu.memory_space<semaphore_mem>>
      %dma_start3A_63 = arith.constant 0 : i32
      %dma_start3A_64 = tpu.memref_slice %arg15[%add3A_10, %dma_start3A_63] : memref<10112x128xf32, #tpu.memory_space<vmem_shared>> -> memref<72x128xf32, #tpu.memory_space<vmem_shared>>
      %dma_start3A_65 = arith.constant 0 : i32
      %dma_start3A_66 = tpu.memref_slice %arg15[%add3A_10, %dma_start3A_65] : memref<10112x128xf32, #tpu.memory_space<vmem_shared>> -> memref<72x128xf32, #tpu.memory_space<vmem_shared>>
      tpu.enqueue_dma source(%arg13 : memref<72x128xf32, #tpu.memory_space<vmem>>) target(%dma_start3A_66 : memref<72x128xf32, #tpu.memory_space<vmem_shared>>) target_semaphore(%run_scoped3A_62 : memref<!tpu.dma_semaphore, #tpu.memory_space<semaphore_mem>>)
      %dma_wait3A_67 = arith.constant 0 : i32
      %dma_wait3A_68 = tpu.memref_slice %arg15[%add3A_10, %dma_wait3A_67] : memref<10112x128xf32, #tpu.memory_space<vmem_shared>> -> memref<72x128xf32, #tpu.memory_space<vmem_shared>>
      %dma_wait3A_69 = arith.constant 0 : i32
      %dma_wait3A_70 = tpu.memref_slice %arg15[%add3A_10, %dma_wait3A_69] : memref<10112x128xf32, #tpu.memory_space<vmem_shared>> -> memref<72x128xf32, #tpu.memory_space<vmem_shared>>
      tpu.wait_dma2 semaphore(%run_scoped3A_62 : memref<!tpu.dma_semaphore, #tpu.memory_space<semaphore_mem>>) src(%arg13 : memref<72x128xf32, #tpu.memory_space<vmem>>) dst(%dma_wait3A_70 : memref<72x128xf32, #tpu.memory_space<vmem_shared>>)
      tpu.yield
    }) : () -> ()
    %add3A_11 = arith.constant 72 : i32
    %add3A_12 = arith.addi %mul3A_8, %add3A_11 : i32
    "tpu.region"() ({
      %run_scoped3A_62 = tpu.sem_alloc : memref<!tpu.dma_semaphore, #tpu.memory_space<semaphore_mem>>
      %dma_start3A_63 = arith.constant 0 : i32
      %dma_start3A_64 = tpu.memref_slice %arg15[%add3A_12, %dma_start3A_63] : memref<10112x128xf32, #tpu.memory_space<vmem_shared>> -> memref<72x128xf32, #tpu.memory_space<vmem_shared>>
      %dma_start3A_65 = arith.constant 0 : i32
      %dma_start3A_66 = tpu.memref_slice %arg15[%add3A_12, %dma_start3A_65] : memref<10112x128xf32, #tpu.memory_space<vmem_shared>> -> memref<72x128xf32, #tpu.memory_space<vmem_shared>>
      tpu.enqueue_dma source(%arg13 : memref<72x128xf32, #tpu.memory_space<vmem>>) target(%dma_start3A_66 : memref<72x128xf32, #tpu.memory_space<vmem_shared>>) target_semaphore(%run_scoped3A_62 : memref<!tpu.dma_semaphore, #tpu.memory_space<semaphore_mem>>)
      %dma_wait3A_67 = arith.constant 0 : i32
      %dma_wait3A_68 = tpu.memref_slice %arg15[%add3A_12, %dma_wait3A_67] : memref<10112x128xf32, #tpu.memory_space<vmem_shared>> -> memref<72x128xf32, #tpu.memory_space<vmem_shared>>
      %dma_wait3A_69 = arith.constant 0 : i32
      %dma_wait3A_70 = tpu.memref_slice %arg15[%add3A_12, %dma_wait3A_69] : memref<10112x128xf32, #tpu.memory_space<vmem_shared>> -> memref<72x128xf32, #tpu.memory_space<vmem_shared>>
      tpu.wait_dma2 semaphore(%run_scoped3A_62 : memref<!tpu.dma_semaphore, #tpu.memory_space<semaphore_mem>>) src(%arg13 : memref<72x128xf32, #tpu.memory_space<vmem>>) dst(%dma_wait3A_70 : memref<72x128xf32, #tpu.memory_space<vmem_shared>>)
      tpu.yield
    }) : () -> ()
    %add3A_13 = arith.constant 144 : i32
    %add3A_14 = arith.addi %mul3A_8, %add3A_13 : i32
    "tpu.region"() ({
      %run_scoped3A_62 = tpu.sem_alloc : memref<!tpu.dma_semaphore, #tpu.memory_space<semaphore_mem>>
      %dma_start3A_63 = arith.constant 0 : i32
      %dma_start3A_64 = tpu.memref_slice %arg15[%add3A_14, %dma_start3A_63] : memref<10112x128xf32, #tpu.memory_space<vmem_shared>> -> memref<72x128xf32, #tpu.memory_space<vmem_shared>>
      %dma_start3A_65 = arith.constant 0 : i32
      %dma_start3A_66 = tpu.memref_slice %arg15[%add3A_14, %dma_start3A_65] : memref<10112x128xf32, #tpu.memory_space<vmem_shared>> -> memref<72x128xf32, #tpu.memory_space<vmem_shared>>
      tpu.enqueue_dma source(%arg13 : memref<72x128xf32, #tpu.memory_space<vmem>>) target(%dma_start3A_66 : memref<72x128xf32, #tpu.memory_space<vmem_shared>>) target_semaphore(%run_scoped3A_62 : memref<!tpu.dma_semaphore, #tpu.memory_space<semaphore_mem>>)
      %dma_wait3A_67 = arith.constant 0 : i32
      %dma_wait3A_68 = tpu.memref_slice %arg15[%add3A_14, %dma_wait3A_67] : memref<10112x128xf32, #tpu.memory_space<vmem_shared>> -> memref<72x128xf32, #tpu.memory_space<vmem_shared>>
      %dma_wait3A_69 = arith.constant 0 : i32
      %dma_wait3A_70 = tpu.memref_slice %arg15[%add3A_14, %dma_wait3A_69] : memref<10112x128xf32, #tpu.memory_space<vmem_shared>> -> memref<72x128xf32, #tpu.memory_space<vmem_shared>>
      tpu.wait_dma2 semaphore(%run_scoped3A_62 : memref<!tpu.dma_semaphore, #tpu.memory_space<semaphore_mem>>) src(%arg13 : memref<72x128xf32, #tpu.memory_space<vmem>>) dst(%dma_wait3A_70 : memref<72x128xf32, #tpu.memory_space<vmem_shared>>)
      tpu.yield
    }) : () -> ()
    %add3A_15 = arith.constant 216 : i32
    %add3A_16 = arith.addi %mul3A_8, %add3A_15 : i32
    "tpu.region"() ({
      %run_scoped3A_62 = tpu.sem_alloc : memref<!tpu.dma_semaphore, #tpu.memory_space<semaphore_mem>>
      %dma_start3A_63 = arith.constant 0 : i32
      %dma_start3A_64 = tpu.memref_slice %arg15[%add3A_16, %dma_start3A_63] : memref<10112x128xf32, #tpu.memory_space<vmem_shared>> -> memref<72x128xf32, #tpu.memory_space<vmem_shared>>
      %dma_start3A_65 = arith.constant 0 : i32
      %dma_start3A_66 = tpu.memref_slice %arg15[%add3A_16, %dma_start3A_65] : memref<10112x128xf32, #tpu.memory_space<vmem_shared>> -> memref<72x128xf32, #tpu.memory_space<vmem_shared>>
      tpu.enqueue_dma source(%arg13 : memref<72x128xf32, #tpu.memory_space<vmem>>) target(%dma_start3A_66 : memref<72x128xf32, #tpu.memory_space<vmem_shared>>) target_semaphore(%run_scoped3A_62 : memref<!tpu.dma_semaphore, #tpu.memory_space<semaphore_mem>>)
      %dma_wait3A_67 = arith.constant 0 : i32
      %dma_wait3A_68 = tpu.memref_slice %arg15[%add3A_16, %dma_wait3A_67] : memref<10112x128xf32, #tpu.memory_space<vmem_shared>> -> memref<72x128xf32, #tpu.memory_space<vmem_shared>>
      %dma_wait3A_69 = arith.constant 0 : i32
      %dma_wait3A_70 = tpu.memref_slice %arg15[%add3A_16, %dma_wait3A_69] : memref<10112x128xf32, #tpu.memory_space<vmem_shared>> -> memref<72x128xf32, #tpu.memory_space<vmem_shared>>
      tpu.wait_dma2 semaphore(%run_scoped3A_62 : memref<!tpu.dma_semaphore, #tpu.memory_space<semaphore_mem>>) src(%arg13 : memref<72x128xf32, #tpu.memory_space<vmem>>) dst(%dma_wait3A_70 : memref<72x128xf32, #tpu.memory_space<vmem_shared>>)
      tpu.yield
    }) : () -> ()
    %add3A_17 = arith.constant 288 : i32
    %add3A_18 = arith.addi %mul3A_8, %add3A_17 : i32
    "tpu.region"() ({
      %run_scoped3A_62 = tpu.sem_alloc : memref<!tpu.dma_semaphore, #tpu.memory_space<semaphore_mem>>
      %dma_start3A_63 = arith.constant 0 : i32
      %dma_start3A_64 = tpu.memref_slice %arg15[%add3A_18, %dma_start3A_63] : memref<10112x128xf32, #tpu.memory_space<vmem_shared>> -> memref<72x128xf32, #tpu.memory_space<vmem_shared>>
      %dma_start3A_65 = arith.constant 0 : i32
      %dma_start3A_66 = tpu.memref_slice %arg15[%add3A_18, %dma_start3A_65] : memref<10112x128xf32, #tpu.memory_space<vmem_shared>> -> memref<72x128xf32, #tpu.memory_space<vmem_shared>>
      tpu.enqueue_dma source(%arg13 : memref<72x128xf32, #tpu.memory_space<vmem>>) target(%dma_start3A_66 : memref<72x128xf32, #tpu.memory_space<vmem_shared>>) target_semaphore(%run_scoped3A_62 : memref<!tpu.dma_semaphore, #tpu.memory_space<semaphore_mem>>)
      %dma_wait3A_67 = arith.constant 0 : i32
      %dma_wait3A_68 = tpu.memref_slice %arg15[%add3A_18, %dma_wait3A_67] : memref<10112x128xf32, #tpu.memory_space<vmem_shared>> -> memref<72x128xf32, #tpu.memory_space<vmem_shared>>
      %dma_wait3A_69 = arith.constant 0 : i32
      %dma_wait3A_70 = tpu.memref_slice %arg15[%add3A_18, %dma_wait3A_69] : memref<10112x128xf32, #tpu.memory_space<vmem_shared>> -> memref<72x128xf32, #tpu.memory_space<vmem_shared>>
      tpu.wait_dma2 semaphore(%run_scoped3A_62 : memref<!tpu.dma_semaphore, #tpu.memory_space<semaphore_mem>>) src(%arg13 : memref<72x128xf32, #tpu.memory_space<vmem>>) dst(%dma_wait3A_70 : memref<72x128xf32, #tpu.memory_space<vmem_shared>>)
      tpu.yield
    }) : () -> ()
    %add3A_19 = arith.constant 360 : i32
    %add3A_20 = arith.addi %mul3A_8, %add3A_19 : i32
    "tpu.region"() ({
      %run_scoped3A_62 = tpu.sem_alloc : memref<!tpu.dma_semaphore, #tpu.memory_space<semaphore_mem>>
      %dma_start3A_63 = arith.constant 0 : i32
      %dma_start3A_64 = tpu.memref_slice %arg15[%add3A_20, %dma_start3A_63] : memref<10112x128xf32, #tpu.memory_space<vmem_shared>> -> memref<72x128xf32, #tpu.memory_space<vmem_shared>>
      %dma_start3A_65 = arith.constant 0 : i32
      %dma_start3A_66 = tpu.memref_slice %arg15[%add3A_20, %dma_start3A_65] : memref<10112x128xf32, #tpu.memory_space<vmem_shared>> -> memref<72x128xf32, #tpu.memory_space<vmem_shared>>
      tpu.enqueue_dma source(%arg13 : memref<72x128xf32, #tpu.memory_space<vmem>>) target(%dma_start3A_66 : memref<72x128xf32, #tpu.memory_space<vmem_shared>>) target_semaphore(%run_scoped3A_62 : memref<!tpu.dma_semaphore, #tpu.memory_space<semaphore_mem>>)
      %dma_wait3A_67 = arith.constant 0 : i32
      %dma_wait3A_68 = tpu.memref_slice %arg15[%add3A_20, %dma_wait3A_67] : memref<10112x128xf32, #tpu.memory_space<vmem_shared>> -> memref<72x128xf32, #tpu.memory_space<vmem_shared>>
      %dma_wait3A_69 = arith.constant 0 : i32
      %dma_wait3A_70 = tpu.memref_slice %arg15[%add3A_20, %dma_wait3A_69] : memref<10112x128xf32, #tpu.memory_space<vmem_shared>> -> memref<72x128xf32, #tpu.memory_space<vmem_shared>>
      tpu.wait_dma2 semaphore(%run_scoped3A_62 : memref<!tpu.dma_semaphore, #tpu.memory_space<semaphore_mem>>) src(%arg13 : memref<72x128xf32, #tpu.memory_space<vmem>>) dst(%dma_wait3A_70 : memref<72x128xf32, #tpu.memory_space<vmem_shared>>)
      tpu.yield
    }) : () -> ()
    %add3A_21 = arith.constant 432 : i32
    %add3A_22 = arith.addi %mul3A_8, %add3A_21 : i32
    "tpu.region"() ({
      %run_scoped3A_62 = tpu.sem_alloc : memref<!tpu.dma_semaphore, #tpu.memory_space<semaphore_mem>>
      %dma_start3A_63 = arith.constant 0 : i32
      %dma_start3A_64 = tpu.memref_slice %arg15[%add3A_22, %dma_start3A_63] : memref<10112x128xf32, #tpu.memory_space<vmem_shared>> -> memref<72x128xf32, #tpu.memory_space<vmem_shared>>
      %dma_start3A_65 = arith.constant 0 : i32
      %dma_start3A_66 = tpu.memref_slice %arg15[%add3A_22, %dma_start3A_65] : memref<10112x128xf32, #tpu.memory_space<vmem_shared>> -> memref<72x128xf32, #tpu.memory_space<vmem_shared>>
      tpu.enqueue_dma source(%arg13 : memref<72x128xf32, #tpu.memory_space<vmem>>) target(%dma_start3A_66 : memref<72x128xf32, #tpu.memory_space<vmem_shared>>) target_semaphore(%run_scoped3A_62 : memref<!tpu.dma_semaphore, #tpu.memory_space<semaphore_mem>>)
      %dma_wait3A_67 = arith.constant 0 : i32
      %dma_wait3A_68 = tpu.memref_slice %arg15[%add3A_22, %dma_wait3A_67] : memref<10112x128xf32, #tpu.memory_space<vmem_shared>> -> memref<72x128xf32, #tpu.memory_space<vmem_shared>>
      %dma_wait3A_69 = arith.constant 0 : i32
      %dma_wait3A_70 = tpu.memref_slice %arg15[%add3A_22, %dma_wait3A_69] : memref<10112x128xf32, #tpu.memory_space<vmem_shared>> -> memref<72x128xf32, #tpu.memory_space<vmem_shared>>
      tpu.wait_dma2 semaphore(%run_scoped3A_62 : memref<!tpu.dma_semaphore, #tpu.memory_space<semaphore_mem>>) src(%arg13 : memref<72x128xf32, #tpu.memory_space<vmem>>) dst(%dma_wait3A_70 : memref<72x128xf32, #tpu.memory_space<vmem_shared>>)
      tpu.yield
    }) : () -> ()
    %add3A_23 = arith.constant 504 : i32
    %add3A_24 = arith.addi %mul3A_8, %add3A_23 : i32
    "tpu.region"() ({
      %run_scoped3A_62 = tpu.sem_alloc : memref<!tpu.dma_semaphore, #tpu.memory_space<semaphore_mem>>
      %dma_start3A_63 = arith.constant 0 : i32
      %dma_start3A_64 = tpu.memref_slice %arg15[%add3A_24, %dma_start3A_63] : memref<10112x128xf32, #tpu.memory_space<vmem_shared>> -> memref<72x128xf32, #tpu.memory_space<vmem_shared>>
      %dma_start3A_65 = arith.constant 0 : i32
      %dma_start3A_66 = tpu.memref_slice %arg15[%add3A_24, %dma_start3A_65] : memref<10112x128xf32, #tpu.memory_space<vmem_shared>> -> memref<72x128xf32, #tpu.memory_space<vmem_shared>>
      tpu.enqueue_dma source(%arg13 : memref<72x128xf32, #tpu.memory_space<vmem>>) target(%dma_start3A_66 : memref<72x128xf32, #tpu.memory_space<vmem_shared>>) target_semaphore(%run_scoped3A_62 : memref<!tpu.dma_semaphore, #tpu.memory_space<semaphore_mem>>)
      %dma_wait3A_67 = arith.constant 0 : i32
      %dma_wait3A_68 = tpu.memref_slice %arg15[%add3A_24, %dma_wait3A_67] : memref<10112x128xf32, #tpu.memory_space<vmem_shared>> -> memref<72x128xf32, #tpu.memory_space<vmem_shared>>
      %dma_wait3A_69 = arith.constant 0 : i32
      %dma_wait3A_70 = tpu.memref_slice %arg15[%add3A_24, %dma_wait3A_69] : memref<10112x128xf32, #tpu.memory_space<vmem_shared>> -> memref<72x128xf32, #tpu.memory_space<vmem_shared>>
      tpu.wait_dma2 semaphore(%run_scoped3A_62 : memref<!tpu.dma_semaphore, #tpu.memory_space<semaphore_mem>>) src(%arg13 : memref<72x128xf32, #tpu.memory_space<vmem>>) dst(%dma_wait3A_70 : memref<72x128xf32, #tpu.memory_space<vmem_shared>>)
      tpu.yield
    }) : () -> ()
    %add3A_25 = arith.constant 560 : i32
    %add3A_26 = arith.addi %mul3A_8, %add3A_25 : i32
    "tpu.region"() ({
      %run_scoped3A_62 = tpu.sem_alloc : memref<!tpu.dma_semaphore, #tpu.memory_space<semaphore_mem>>
      %dma_start3A_63 = arith.constant 0 : i32
      %dma_start3A_64 = tpu.memref_slice %arg15[%add3A_26, %dma_start3A_63] : memref<10112x128xf32, #tpu.memory_space<vmem_shared>> -> memref<72x128xf32, #tpu.memory_space<vmem_shared>>
      %dma_start3A_65 = arith.constant 0 : i32
      %dma_start3A_66 = tpu.memref_slice %arg15[%add3A_26, %dma_start3A_65] : memref<10112x128xf32, #tpu.memory_space<vmem_shared>> -> memref<72x128xf32, #tpu.memory_space<vmem_shared>>
      tpu.enqueue_dma source(%arg13 : memref<72x128xf32, #tpu.memory_space<vmem>>) target(%dma_start3A_66 : memref<72x128xf32, #tpu.memory_space<vmem_shared>>) target_semaphore(%run_scoped3A_62 : memref<!tpu.dma_semaphore, #tpu.memory_space<semaphore_mem>>)
      %dma_wait3A_67 = arith.constant 0 : i32
      %dma_wait3A_68 = tpu.memref_slice %arg15[%add3A_26, %dma_wait3A_67] : memref<10112x128xf32, #tpu.memory_space<vmem_shared>> -> memref<72x128xf32, #tpu.memory_space<vmem_shared>>
      %dma_wait3A_69 = arith.constant 0 : i32
      %dma_wait3A_70 = tpu.memref_slice %arg15[%add3A_26, %dma_wait3A_69] : memref<10112x128xf32, #tpu.memory_space<vmem_shared>> -> memref<72x128xf32, #tpu.memory_space<vmem_shared>>
      tpu.wait_dma2 semaphore(%run_scoped3A_62 : memref<!tpu.dma_semaphore, #tpu.memory_space<semaphore_mem>>) src(%arg13 : memref<72x128xf32, #tpu.memory_space<vmem>>) dst(%dma_wait3A_70 : memref<72x128xf32, #tpu.memory_space<vmem_shared>>)
      tpu.yield
    }) : () -> ()
    %barrier3A = arith.constant 0 : index
    tpu.barrier barrier_id(%barrier3A)
    %run_scoped3A_27 = arith.constant 0 : i32
    "tpu.region"() ({
      %run_scoped3A_62 = tpu.sem_alloc : memref<!tpu.dma_semaphore, #tpu.memory_space<semaphore_mem>>
      %dma_start3A_63 = arith.constant 0 : i32
      %dma_start3A_64 = arith.constant 0 : i32
      %dma_start3A_65 = tpu.memref_slice %arg4[%add3A, %run_scoped3A_27, %dma_start3A_63, %dma_start3A_64] : memref<32x140x2x72xi32, #tpu.memory_space<hbm>> -> memref<1x1x2x72xi32, #tpu.memory_space<hbm>>
      %dma_start3A_66 = tpu.memref_squeeze %dma_start3A_65 : memref<1x1x2x72xi32, #tpu.memory_space<hbm>> -> memref<2x72xi32, #tpu.memory_space<hbm>>
      %dma_start3A_67 = arith.constant 0 : i32
      %dma_start3A_68 = arith.constant 0 : i32
      %dma_start3A_69 = tpu.memref_slice %arg4[%add3A, %run_scoped3A_27, %dma_start3A_67, %dma_start3A_68] : memref<32x140x2x72xi32, #tpu.memory_space<hbm>> -> memref<1x1x2x72xi32, #tpu.memory_space<hbm>>
      %dma_start3A_70 = tpu.memref_squeeze %dma_start3A_69 : memref<1x1x2x72xi32, #tpu.memory_space<hbm>> -> memref<2x72xi32, #tpu.memory_space<hbm>>
      tpu.enqueue_dma source(%dma_start3A_70 : memref<2x72xi32, #tpu.memory_space<hbm>>) target(%arg7 : memref<2x72xi32, #tpu.memory_space<vmem>>) target_semaphore(%run_scoped3A_62 : memref<!tpu.dma_semaphore, #tpu.memory_space<semaphore_mem>>)
      %dma_wait3A_71 = arith.constant 0 : i32
      %dma_wait3A_72 = arith.constant 0 : i32
      %dma_wait3A_73 = tpu.memref_slice %arg4[%add3A, %run_scoped3A_27, %dma_wait3A_71, %dma_wait3A_72] : memref<32x140x2x72xi32, #tpu.memory_space<hbm>> -> memref<1x1x2x72xi32, #tpu.memory_space<hbm>>
      %dma_wait3A_74 = tpu.memref_squeeze %dma_wait3A_73 : memref<1x1x2x72xi32, #tpu.memory_space<hbm>> -> memref<2x72xi32, #tpu.memory_space<hbm>>
      %dma_wait3A_75 = arith.constant 0 : i32
      %dma_wait3A_76 = arith.constant 0 : i32
      %dma_wait3A_77 = tpu.memref_slice %arg4[%add3A, %run_scoped3A_27, %dma_wait3A_75, %dma_wait3A_76] : memref<32x140x2x72xi32, #tpu.memory_space<hbm>> -> memref<1x1x2x72xi32, #tpu.memory_space<hbm>>
      %dma_wait3A_78 = tpu.memref_squeeze %dma_wait3A_77 : memref<1x1x2x72xi32, #tpu.memory_space<hbm>> -> memref<2x72xi32, #tpu.memory_space<hbm>>
      tpu.wait_dma2 semaphore(%run_scoped3A_62 : memref<!tpu.dma_semaphore, #tpu.memory_space<semaphore_mem>>) src(%dma_wait3A_78 : memref<2x72xi32, #tpu.memory_space<hbm>>) dst(%arg7 : memref<2x72xi32, #tpu.memory_space<vmem>>)
      tpu.yield
    }) : () -> ()
    %dma_start3A = arith.constant 0 : i32
    %dma_start3A_28 = arith.constant 0 : i32
    %dma_start3A_29 = tpu.memref_slice %arg7[%dma_start3A, %dma_start3A_28] : memref<2x72xi32, #tpu.memory_space<vmem>> -> memref<1x72xi32, #tpu.memory_space<vmem>>
    %dma_start3A_30 = tpu.memref_squeeze %dma_start3A_29 : memref<1x72xi32, #tpu.memory_space<vmem>> -> memref<72xi32, #tpu.memory_space<vmem>>
    %dma_start3A_31 = arith.constant 0 : i32
    %dma_start3A_32 = arith.constant 0 : i32
    %dma_start3A_33 = tpu.memref_slice %arg2[%dma_start3A_31, %dma_start3A_32] : memref<10112x128xf32, #tpu.memory_space<hbm>> -> memref<10112x128xf32, #tpu.memory_space<hbm>>
    tpu.enqueue_indirect_dma source(%dma_start3A_33 : memref<10112x128xf32, #tpu.memory_space<hbm>>) target(%arg9 : memref<72x128xf32, #tpu.memory_space<vmem>>) offsets(%dma_start3A_30 : memref<72xi32, #tpu.memory_space<vmem>>) semaphore(%arg16 : memref<!tpu.dma_semaphore, #tpu.memory_space<semaphore_mem>>)
    %dma_start3A_34 = arith.constant 1 : i32
    %dma_start3A_35 = arith.constant 0 : i32
    %dma_start3A_36 = tpu.memref_slice %arg7[%dma_start3A_34, %dma_start3A_35] : memref<2x72xi32, #tpu.memory_space<vmem>> -> memref<1x72xi32, #tpu.memory_space<vmem>>
    %dma_start3A_37 = tpu.memref_squeeze %dma_start3A_36 : memref<1x72xi32, #tpu.memory_space<vmem>> -> memref<72xi32, #tpu.memory_space<vmem>>
    %dma_start3A_38 = arith.constant 0 : i32
    %dma_start3A_39 = arith.constant 0 : i32
    %dma_start3A_40 = tpu.memref_slice %arg3[%dma_start3A_38, %dma_start3A_39] : memref<10112x128xf32, #tpu.memory_space<hbm>> -> memref<10112x128xf32, #tpu.memory_space<hbm>>
    tpu.enqueue_indirect_dma source(%dma_start3A_40 : memref<10112x128xf32, #tpu.memory_space<hbm>>) target(%arg10 : memref<72x128xf32, #tpu.memory_space<vmem>>) offsets(%dma_start3A_37 : memref<72xi32, #tpu.memory_space<vmem>>) semaphore(%arg16 : memref<!tpu.dma_semaphore, #tpu.memory_space<semaphore_mem>>)
    %scan3A_41 = arith.constant 0 : i32
    %scan3A_42 = arith.constant 0 : i32
    %scan3A_43 = arith.constant 70 : i32
    %scan3A_44 = arith.addi %scan3A_42, %scan3A_43 : i32
    %scan3A_45 = arith.constant 1 : i32
    %scan3A_46 = scf.for %scan3A_62 = %scan3A_42 to %scan3A_44 step %scan3A_45 iter_args(%scan3A_63 = %scan3A_41) -> (i32)  : i32 {
      %mul3A_64 = arith.constant 2 : i32
      %mul3A_65 = arith.muli %mul3A_64, %scan3A_62 : i32
      %add3A_66 = arith.constant 1 : i32
      %add3A_67 = arith.addi %mul3A_65, %add3A_66 : i32
      "tpu.region"() ({
        %run_scoped3A_149 = tpu.sem_alloc : memref<!tpu.dma_semaphore, #tpu.memory_space<semaphore_mem>>
        %dma_start3A_150 = arith.constant 0 : i32
        %dma_start3A_151 = arith.constant 0 : i32
        %dma_start3A_152 = tpu.memref_slice %arg4[%add3A, %add3A_67, %dma_start3A_150, %dma_start3A_151] : memref<32x140x2x72xi32, #tpu.memory_space<hbm>> -> memref<1x1x2x72xi32, #tpu.memory_space<hbm>>
        %dma_start3A_153 = tpu.memref_squeeze %dma_start3A_152 : memref<1x1x2x72xi32, #tpu.memory_space<hbm>> -> memref<2x72xi32, #tpu.memory_space<hbm>>
        %dma_start3A_154 = arith.constant 0 : i32
        %dma_start3A_155 = arith.constant 0 : i32
        %dma_start3A_156 = tpu.memref_slice %arg4[%add3A, %add3A_67, %dma_start3A_154, %dma_start3A_155] : memref<32x140x2x72xi32, #tpu.memory_space<hbm>> -> memref<1x1x2x72xi32, #tpu.memory_space<hbm>>
        %dma_start3A_157 = tpu.memref_squeeze %dma_start3A_156 : memref<1x1x2x72xi32, #tpu.memory_space<hbm>> -> memref<2x72xi32, #tpu.memory_space<hbm>>
        tpu.enqueue_dma source(%dma_start3A_157 : memref<2x72xi32, #tpu.memory_space<hbm>>) target(%arg8 : memref<2x72xi32, #tpu.memory_space<vmem>>) target_semaphore(%run_scoped3A_149 : memref<!tpu.dma_semaphore, #tpu.memory_space<semaphore_mem>>)
        %dma_wait3A_158 = arith.constant 0 : i32
        %dma_wait3A_159 = arith.constant 0 : i32
        %dma_wait3A_160 = tpu.memref_slice %arg4[%add3A, %add3A_67, %dma_wait3A_158, %dma_wait3A_159] : memref<32x140x2x72xi32, #tpu.memory_space<hbm>> -> memref<1x1x2x72xi32, #tpu.memory_space<hbm>>
        %dma_wait3A_161 = tpu.memref_squeeze %dma_wait3A_160 : memref<1x1x2x72xi32, #tpu.memory_space<hbm>> -> memref<2x72xi32, #tpu.memory_space<hbm>>
        %dma_wait3A_162 = arith.constant 0 : i32
        %dma_wait3A_163 = arith.constant 0 : i32
        %dma_wait3A_164 = tpu.memref_slice %arg4[%add3A, %add3A_67, %dma_wait3A_162, %dma_wait3A_163] : memref<32x140x2x72xi32, #tpu.memory_space<hbm>> -> memref<1x1x2x72xi32, #tpu.memory_space<hbm>>
        %dma_wait3A_165 = tpu.memref_squeeze %dma_wait3A_164 : memref<1x1x2x72xi32, #tpu.memory_space<hbm>> -> memref<2x72xi32, #tpu.memory_space<hbm>>
        tpu.wait_dma2 semaphore(%run_scoped3A_149 : memref<!tpu.dma_semaphore, #tpu.memory_space<semaphore_mem>>) src(%dma_wait3A_165 : memref<2x72xi32, #tpu.memory_space<hbm>>) dst(%arg8 : memref<2x72xi32, #tpu.memory_space<vmem>>)
        tpu.yield
      }) : () -> ()
      %dma_start3A_68 = arith.constant 0 : i32
      %dma_start3A_69 = arith.constant 0 : i32
      %dma_start3A_70 = tpu.memref_slice %arg8[%dma_start3A_68, %dma_start3A_69] : memref<2x72xi32, #tpu.memory_space<vmem>> -> memref<1x72xi32, #tpu.memory_space<vmem>>
      %dma_start3A_71 = tpu.memref_squeeze %dma_start3A_70 : memref<1x72xi32, #tpu.memory_space<vmem>> -> memref<72xi32, #tpu.memory_space<vmem>>
      %dma_start3A_72 = arith.constant 0 : i32
      %dma_start3A_73 = arith.constant 0 : i32
      %dma_start3A_74 = tpu.memref_slice %arg2[%dma_start3A_72, %dma_start3A_73] : memref<10112x128xf32, #tpu.memory_space<hbm>> -> memref<10112x128xf32, #tpu.memory_space<hbm>>
      tpu.enqueue_indirect_dma source(%dma_start3A_74 : memref<10112x128xf32, #tpu.memory_space<hbm>>) target(%arg11 : memref<72x128xf32, #tpu.memory_space<vmem>>) offsets(%dma_start3A_71 : memref<72xi32, #tpu.memory_space<vmem>>) semaphore(%arg17 : memref<!tpu.dma_semaphore, #tpu.memory_space<semaphore_mem>>)
      %dma_start3A_75 = arith.constant 1 : i32
      %dma_start3A_76 = arith.constant 0 : i32
      %dma_start3A_77 = tpu.memref_slice %arg8[%dma_start3A_75, %dma_start3A_76] : memref<2x72xi32, #tpu.memory_space<vmem>> -> memref<1x72xi32, #tpu.memory_space<vmem>>
      %dma_start3A_78 = tpu.memref_squeeze %dma_start3A_77 : memref<1x72xi32, #tpu.memory_space<vmem>> -> memref<72xi32, #tpu.memory_space<vmem>>
      %dma_start3A_79 = arith.constant 0 : i32
      %dma_start3A_80 = arith.constant 0 : i32
      %dma_start3A_81 = tpu.memref_slice %arg3[%dma_start3A_79, %dma_start3A_80] : memref<10112x128xf32, #tpu.memory_space<hbm>> -> memref<10112x128xf32, #tpu.memory_space<hbm>>
      tpu.enqueue_indirect_dma source(%dma_start3A_81 : memref<10112x128xf32, #tpu.memory_space<hbm>>) target(%arg12 : memref<72x128xf32, #tpu.memory_space<vmem>>) offsets(%dma_start3A_78 : memref<72xi32, #tpu.memory_space<vmem>>) semaphore(%arg17 : memref<!tpu.dma_semaphore, #tpu.memory_space<semaphore_mem>>)
      %dma_wait3A_82 = arith.constant 0 : i32
      %dma_wait3A_83 = arith.constant 0 : i32
      %dma_wait3A_84 = tpu.memref_slice %arg7[%dma_wait3A_82, %dma_wait3A_83] : memref<2x72xi32, #tpu.memory_space<vmem>> -> memref<1x72xi32, #tpu.memory_space<vmem>>
      %dma_wait3A_85 = tpu.memref_squeeze %dma_wait3A_84 : memref<1x72xi32, #tpu.memory_space<vmem>> -> memref<72xi32, #tpu.memory_space<vmem>>
      %dma_wait3A_86 = arith.constant 0 : i32
      %dma_wait3A_87 = arith.constant 0 : i32
      %dma_wait3A_88 = tpu.memref_slice %arg2[%dma_wait3A_86, %dma_wait3A_87] : memref<10112x128xf32, #tpu.memory_space<hbm>> -> memref<10112x128xf32, #tpu.memory_space<hbm>>
      tpu.wait_indirect_dma semaphore(%arg16 : memref<!tpu.dma_semaphore, #tpu.memory_space<semaphore_mem>>) src(%dma_wait3A_88 : memref<10112x128xf32, #tpu.memory_space<hbm>>) dst(%arg9 : memref<72x128xf32, #tpu.memory_space<vmem>>)
      %dma_wait3A_89 = arith.constant 1 : i32
      %dma_wait3A_90 = arith.constant 0 : i32
      %dma_wait3A_91 = tpu.memref_slice %arg7[%dma_wait3A_89, %dma_wait3A_90] : memref<2x72xi32, #tpu.memory_space<vmem>> -> memref<1x72xi32, #tpu.memory_space<vmem>>
      %dma_wait3A_92 = tpu.memref_squeeze %dma_wait3A_91 : memref<1x72xi32, #tpu.memory_space<vmem>> -> memref<72xi32, #tpu.memory_space<vmem>>
      %dma_wait3A_93 = arith.constant 0 : i32
      %dma_wait3A_94 = arith.constant 0 : i32
      %dma_wait3A_95 = tpu.memref_slice %arg3[%dma_wait3A_93, %dma_wait3A_94] : memref<10112x128xf32, #tpu.memory_space<hbm>> -> memref<10112x128xf32, #tpu.memory_space<hbm>>
      tpu.wait_indirect_dma semaphore(%arg16 : memref<!tpu.dma_semaphore, #tpu.memory_space<semaphore_mem>>) src(%dma_wait3A_95 : memref<10112x128xf32, #tpu.memory_space<hbm>>) dst(%arg10 : memref<72x128xf32, #tpu.memory_space<vmem>>)
      %get3A = arith.constant 0 : index
      %get3A_96 = tpu.vector_load %arg14[%get3A] {strides = array<i32>} : memref<16xf32, #tpu.memory_space<vmem>>, vector<16xf32>,
      %get3A_97 = vector.shape_cast %get3A_96 : vector<16xf32> to vector<16xf32>
      %scan3A_98 = arith.constant 0 : i32
      %scan3A_99 = arith.constant 0 : i32
      %scan3A_100 = arith.constant 72 : i32
      %scan3A_101 = arith.addi %scan3A_99, %scan3A_100 : i32
      %scan3A_102 = arith.constant 1 : i32
      %scan3A_103 = scf.for %scan3A_149 = %scan3A_99 to %scan3A_101 step %scan3A_102 iter_args(%scan3A_150 = %scan3A_98) -> (i32)  : i32 {
        %get3A_151 = arith.index_cast %scan3A_149 : i32 to index
        %get3A_152 = arith.constant 16 : index
        %get3A_153 = tpu.vector_load %arg9[%get3A_151, %get3A_152] {strides = array<i32>} : memref<72x128xf32, #tpu.memory_space<vmem>>, vector<1x16xf32>,
        %get3A_154 = vector.shape_cast %get3A_153 : vector<1x16xf32> to vector<16xf32>
        %get3A_155 = arith.index_cast %scan3A_149 : i32 to index
        %get3A_156 = arith.constant 0 : index
        %get3A_157 = tpu.vector_load %arg10[%get3A_155, %get3A_156] {strides = array<i32>} : memref<72x128xf32, #tpu.memory_space<vmem>>, vector<1x16xf32>,
        %get3A_158 = vector.shape_cast %get3A_157 : vector<1x16xf32> to vector<16xf32>
        %add3A_159 = arith.addf %get3A_154, %get3A_158 : vector<16xf32>
        %mul3A_160 = arith.constant 2.000000e-01 : f32
        %mul3A_161 = vector.broadcast %mul3A_160 : f32 to vector<16xf32>
        %mul3A_162 = arith.mulf %mul3A_161, %add3A_159 : vector<16xf32>
        %max3A = arith.maximumf %add3A_159, %mul3A_162 : vector<16xf32>
        %sub3A = arith.subf %max3A, %get3A_97 : vector<16xf32>
        %exp3A = math.exp %sub3A : vector<16xf32>
        %get3A_163 = arith.index_cast %scan3A_149 : i32 to index
        %get3A_164 = arith.constant 0 : index
        %get3A_165 = tpu.vector_load %arg9[%get3A_163, %get3A_164] {strides = array<i32>} : memref<72x128xf32, #tpu.memory_space<vmem>>, vector<1x16xf32>,
        %get3A_166 = vector.shape_cast %get3A_165 : vector<1x16xf32> to vector<16xf32>
        %mul3A_167 = arith.mulf %get3A_166, %exp3A : vector<16xf32>
        %swap3A = arith.index_cast %scan3A_149 : i32 to index
        %swap3A_168 = arith.constant 0 : index
        %swap3A_169 = tpu.vector_load %arg13[%swap3A, %swap3A_168] {strides = array<i32>} : memref<72x128xf32, #tpu.memory_space<vmem>>, vector<1x16xf32>,
        %swap3A_170 = vector.shape_cast %swap3A_169 : vector<1x16xf32> to vector<16xf32>
        %swap3A_171 = vector.shape_cast %mul3A_167 : vector<16xf32> to vector<1x16xf32>
        tpu.vector_store %arg13[%swap3A, %swap3A_168], %swap3A_171 {strides = array<i32>} : memref<72x128xf32, #tpu.memory_space<vmem>>, vector<1x16xf32>,
        %swap3A_172 = arith.index_cast %scan3A_149 : i32 to index
        %swap3A_173 = arith.constant 16 : index
        %swap3A_174 = tpu.vector_load %arg13[%swap3A_172, %swap3A_173] {strides = array<i32>} : memref<72x128xf32, #tpu.memory_space<vmem>>, vector<1x16xf32>,
        %swap3A_175 = vector.shape_cast %swap3A_174 : vector<1x16xf32> to vector<16xf32>
        %swap3A_176 = vector.shape_cast %exp3A : vector<16xf32> to vector<1x16xf32>
        tpu.vector_store %arg13[%swap3A_172, %swap3A_173], %swap3A_176 {strides = array<i32>} : memref<72x128xf32, #tpu.memory_space<vmem>>, vector<1x16xf32>,
        %scan3A_177 = arith.constant 0 : i32
        scf.yield %scan3A_177 : i32
      }
      %scan3A_104 = arith.constant 72 : i32
      %run_scoped3A_105 = arith.constant 1 : i32
      "tpu.region"() ({
        %run_scoped3A_149 = tpu.sem_alloc : memref<!tpu.dma_semaphore, #tpu.memory_space<semaphore_mem>>
        %dma_start3A_150 = arith.constant 0 : i32
        %dma_start3A_151 = tpu.memref_slice %arg7[%run_scoped3A_105, %dma_start3A_150] : memref<2x72xi32, #tpu.memory_space<vmem>> -> memref<1x72xi32, #tpu.memory_space<vmem>>
        %dma_start3A_152 = tpu.memref_squeeze %dma_start3A_151 : memref<1x72xi32, #tpu.memory_space<vmem>> -> memref<72xi32, #tpu.memory_space<vmem>>
        %dma_start3A_153 = arith.constant 0 : i32
        %dma_start3A_154 = arith.constant 0 : i32
        %dma_start3A_155 = tpu.memref_slice %arg15[%dma_start3A_153, %dma_start3A_154] : memref<10112x128xf32, #tpu.memory_space<vmem_shared>> -> memref<10112x128xf32, #tpu.memory_space<vmem_shared>>
        tpu.enqueue_indirect_dma source(%arg13 : memref<72x128xf32, #tpu.memory_space<vmem>>) target(%dma_start3A_155 : memref<10112x128xf32, #tpu.memory_space<vmem_shared>>) offsets(%dma_start3A_152 : memref<72xi32, #tpu.memory_space<vmem>>) semaphore(%run_scoped3A_149 : memref<!tpu.dma_semaphore, #tpu.memory_space<semaphore_mem>>) {add = true}
        %dma_wait3A_156 = arith.constant 0 : i32
        %dma_wait3A_157 = tpu.memref_slice %arg7[%run_scoped3A_105, %dma_wait3A_156] : memref<2x72xi32, #tpu.memory_space<vmem>> -> memref<1x72xi32, #tpu.memory_space<vmem>>
        %dma_wait3A_158 = tpu.memref_squeeze %dma_wait3A_157 : memref<1x72xi32, #tpu.memory_space<vmem>> -> memref<72xi32, #tpu.memory_space<vmem>>
        %dma_wait3A_159 = arith.constant 0 : i32
        %dma_wait3A_160 = arith.constant 0 : i32
        %dma_wait3A_161 = tpu.memref_slice %arg15[%dma_wait3A_159, %dma_wait3A_160] : memref<10112x128xf32, #tpu.memory_space<vmem_shared>> -> memref<10112x128xf32, #tpu.memory_space<vmem_shared>>
        tpu.wait_indirect_dma semaphore(%run_scoped3A_149 : memref<!tpu.dma_semaphore, #tpu.memory_space<semaphore_mem>>) src(%arg13 : memref<72x128xf32, #tpu.memory_space<vmem>>) dst(%dma_wait3A_161 : memref<10112x128xf32, #tpu.memory_space<vmem_shared>>)
        tpu.yield
      }) : () -> ()
      %add3A_106 = arith.constant 2 : i32
      %add3A_107 = arith.addi %mul3A_65, %add3A_106 : i32
      %min3A = arith.constant 139 : i32
      %min3A_108 = arith.minsi %add3A_107, %min3A : i32
      "tpu.region"() ({
        %run_scoped3A_149 = tpu.sem_alloc : memref<!tpu.dma_semaphore, #tpu.memory_space<semaphore_mem>>
        %dma_start3A_150 = arith.constant 0 : i32
        %dma_start3A_151 = arith.constant 0 : i32
        %dma_start3A_152 = tpu.memref_slice %arg4[%add3A, %min3A_108, %dma_start3A_150, %dma_start3A_151] : memref<32x140x2x72xi32, #tpu.memory_space<hbm>> -> memref<1x1x2x72xi32, #tpu.memory_space<hbm>>
        %dma_start3A_153 = tpu.memref_squeeze %dma_start3A_152 : memref<1x1x2x72xi32, #tpu.memory_space<hbm>> -> memref<2x72xi32, #tpu.memory_space<hbm>>
        %dma_start3A_154 = arith.constant 0 : i32
        %dma_start3A_155 = arith.constant 0 : i32
        %dma_start3A_156 = tpu.memref_slice %arg4[%add3A, %min3A_108, %dma_start3A_154, %dma_start3A_155] : memref<32x140x2x72xi32, #tpu.memory_space<hbm>> -> memref<1x1x2x72xi32, #tpu.memory_space<hbm>>
        %dma_start3A_157 = tpu.memref_squeeze %dma_start3A_156 : memref<1x1x2x72xi32, #tpu.memory_space<hbm>> -> memref<2x72xi32, #tpu.memory_space<hbm>>
        tpu.enqueue_dma source(%dma_start3A_157 : memref<2x72xi32, #tpu.memory_space<hbm>>) target(%arg7 : memref<2x72xi32, #tpu.memory_space<vmem>>) target_semaphore(%run_scoped3A_149 : memref<!tpu.dma_semaphore, #tpu.memory_space<semaphore_mem>>)
        %dma_wait3A_158 = arith.constant 0 : i32
        %dma_wait3A_159 = arith.constant 0 : i32
        %dma_wait3A_160 = tpu.memref_slice %arg4[%add3A, %min3A_108, %dma_wait3A_158, %dma_wait3A_159] : memref<32x140x2x72xi32, #tpu.memory_space<hbm>> -> memref<1x1x2x72xi32, #tpu.memory_space<hbm>>
        %dma_wait3A_161 = tpu.memref_squeeze %dma_wait3A_160 : memref<1x1x2x72xi32, #tpu.memory_space<hbm>> -> memref<2x72xi32, #tpu.memory_space<hbm>>
        %dma_wait3A_162 = arith.constant 0 : i32
        %dma_wait3A_163 = arith.constant 0 : i32
        %dma_wait3A_164 = tpu.memref_slice %arg4[%add3A, %min3A_108, %dma_wait3A_162, %dma_wait3A_163] : memref<32x140x2x72xi32, #tpu.memory_space<hbm>> -> memref<1x1x2x72xi32, #tpu.memory_space<hbm>>
        %dma_wait3A_165 = tpu.memref_squeeze %dma_wait3A_164 : memref<1x1x2x72xi32, #tpu.memory_space<hbm>> -> memref<2x72xi32, #tpu.memory_space<hbm>>
        tpu.wait_dma2 semaphore(%run_scoped3A_149 : memref<!tpu.dma_semaphore, #tpu.memory_space<semaphore_mem>>) src(%dma_wait3A_165 : memref<2x72xi32, #tpu.memory_space<hbm>>) dst(%arg7 : memref<2x72xi32, #tpu.memory_space<vmem>>)
        tpu.yield
      }) : () -> ()
      %dma_start3A_109 = arith.constant 0 : i32
      %dma_start3A_110 = arith.constant 0 : i32
      %dma_start3A_111 = tpu.memref_slice %arg7[%dma_start3A_109, %dma_start3A_110] : memref<2x72xi32, #tpu.memory_space<vmem>> -> memref<1x72xi32, #tpu.memory_space<vmem>>
      %dma_start3A_112 = tpu.memref_squeeze %dma_start3A_111 : memref<1x72xi32, #tpu.memory_space<vmem>> -> memref<72xi32, #tpu.memory_space<vmem>>
      %dma_start3A_113 = arith.constant 0 : i32
      %dma_start3A_114 = arith.constant 0 : i32
      %dma_start3A_115 = tpu.memref_slice %arg2[%dma_start3A_113, %dma_start3A_114] : memref<10112x128xf32, #tpu.memory_space<hbm>> -> memref<10112x128xf32, #tpu.memory_space<hbm>>
      tpu.enqueue_indirect_dma source(%dma_start3A_115 : memref<10112x128xf32, #tpu.memory_space<hbm>>) target(%arg9 : memref<72x128xf32, #tpu.memory_space<vmem>>) offsets(%dma_start3A_112 : memref<72xi32, #tpu.memory_space<vmem>>) semaphore(%arg16 : memref<!tpu.dma_semaphore, #tpu.memory_space<semaphore_mem>>)
      %dma_start3A_116 = arith.constant 1 : i32
      %dma_start3A_117 = arith.constant 0 : i32
      %dma_start3A_118 = tpu.memref_slice %arg7[%dma_start3A_116, %dma_start3A_117] : memref<2x72xi32, #tpu.memory_space<vmem>> -> memref<1x72xi32, #tpu.memory_space<vmem>>
      %dma_start3A_119 = tpu.memref_squeeze %dma_start3A_118 : memref<1x72xi32, #tpu.memory_space<vmem>> -> memref<72xi32, #tpu.memory_space<vmem>>
      %dma_start3A_120 = arith.constant 0 : i32
      %dma_start3A_121 = arith.constant 0 : i32
      %dma_start3A_122 = tpu.memref_slice %arg3[%dma_start3A_120, %dma_start3A_121] : memref<10112x128xf32, #tpu.memory_space<hbm>> -> memref<10112x128xf32, #tpu.memory_space<hbm>>
      tpu.enqueue_indirect_dma source(%dma_start3A_122 : memref<10112x128xf32, #tpu.memory_space<hbm>>) target(%arg10 : memref<72x128xf32, #tpu.memory_space<vmem>>) offsets(%dma_start3A_119 : memref<72xi32, #tpu.memory_space<vmem>>) semaphore(%arg16 : memref<!tpu.dma_semaphore, #tpu.memory_space<semaphore_mem>>)
      %dma_wait3A_123 = arith.constant 0 : i32
      %dma_wait3A_124 = arith.constant 0 : i32
      %dma_wait3A_125 = tpu.memref_slice %arg8[%dma_wait3A_123, %dma_wait3A_124] : memref<2x72xi32, #tpu.memory_space<vmem>> -> memref<1x72xi32, #tpu.memory_space<vmem>>
      %dma_wait3A_126 = tpu.memref_squeeze %dma_wait3A_125 : memref<1x72xi32, #tpu.memory_space<vmem>> -> memref<72xi32, #tpu.memory_space<vmem>>
      %dma_wait3A_127 = arith.constant 0 : i32
      %dma_wait3A_128 = arith.constant 0 : i32
      %dma_wait3A_129 = tpu.memref_slice %arg2[%dma_wait3A_127, %dma_wait3A_128] : memref<10112x128xf32, #tpu.memory_space<hbm>> -> memref<10112x128xf32, #tpu.memory_space<hbm>>
      tpu.wait_indirect_dma semaphore(%arg17 : memref<!tpu.dma_semaphore, #tpu.memory_space<semaphore_mem>>) src(%dma_wait3A_129 : memref<10112x128xf32, #tpu.memory_space<hbm>>) dst(%arg11 : memref<72x128xf32, #tpu.memory_space<vmem>>)
      %dma_wait3A_130 = arith.constant 1 : i32
      %dma_wait3A_131 = arith.constant 0 : i32
      %dma_wait3A_132 = tpu.memref_slice %arg8[%dma_wait3A_130, %dma_wait3A_131] : memref<2x72xi32, #tpu.memory_space<vmem>> -> memref<1x72xi32, #tpu.memory_space<vmem>>
      %dma_wait3A_133 = tpu.memref_squeeze %dma_wait3A_132 : memref<1x72xi32, #tpu.memory_space<vmem>> -> memref<72xi32, #tpu.memory_space<vmem>>
      %dma_wait3A_134 = arith.constant 0 : i32
      %dma_wait3A_135 = arith.constant 0 : i32
      %dma_wait3A_136 = tpu.memref_slice %arg3[%dma_wait3A_134, %dma_wait3A_135] : memref<10112x128xf32, #tpu.memory_space<hbm>> -> memref<10112x128xf32, #tpu.memory_space<hbm>>
      tpu.wait_indirect_dma semaphore(%arg17 : memref<!tpu.dma_semaphore, #tpu.memory_space<semaphore_mem>>) src(%dma_wait3A_136 : memref<10112x128xf32, #tpu.memory_space<hbm>>) dst(%arg12 : memref<72x128xf32, #tpu.memory_space<vmem>>)
      %get3A_137 = arith.constant 0 : index
      %get3A_138 = tpu.vector_load %arg14[%get3A_137] {strides = array<i32>} : memref<16xf32, #tpu.memory_space<vmem>>, vector<16xf32>,
      %get3A_139 = vector.shape_cast %get3A_138 : vector<16xf32> to vector<16xf32>
      %scan3A_140 = arith.constant 0 : i32
      %scan3A_141 = arith.constant 0 : i32
      %scan3A_142 = arith.constant 72 : i32
      %scan3A_143 = arith.addi %scan3A_141, %scan3A_142 : i32
      %scan3A_144 = arith.constant 1 : i32
      %scan3A_145 = scf.for %scan3A_149 = %scan3A_141 to %scan3A_143 step %scan3A_144 iter_args(%scan3A_150 = %scan3A_140) -> (i32)  : i32 {
        %get3A_151 = arith.index_cast %scan3A_149 : i32 to index
        %get3A_152 = arith.constant 16 : index
        %get3A_153 = tpu.vector_load %arg11[%get3A_151, %get3A_152] {strides = array<i32>} : memref<72x128xf32, #tpu.memory_space<vmem>>, vector<1x16xf32>,
        %get3A_154 = vector.shape_cast %get3A_153 : vector<1x16xf32> to vector<16xf32>
        %get3A_155 = arith.index_cast %scan3A_149 : i32 to index
        %get3A_156 = arith.constant 0 : index
        %get3A_157 = tpu.vector_load %arg12[%get3A_155, %get3A_156] {strides = array<i32>} : memref<72x128xf32, #tpu.memory_space<vmem>>, vector<1x16xf32>,
        %get3A_158 = vector.shape_cast %get3A_157 : vector<1x16xf32> to vector<16xf32>
        %add3A_159 = arith.addf %get3A_154, %get3A_158 : vector<16xf32>
        %mul3A_160 = arith.constant 2.000000e-01 : f32
        %mul3A_161 = vector.broadcast %mul3A_160 : f32 to vector<16xf32>
        %mul3A_162 = arith.mulf %mul3A_161, %add3A_159 : vector<16xf32>
        %max3A = arith.maximumf %add3A_159, %mul3A_162 : vector<16xf32>
        %sub3A = arith.subf %max3A, %get3A_139 : vector<16xf32>
        %exp3A = math.exp %sub3A : vector<16xf32>
        %get3A_163 = arith.index_cast %scan3A_149 : i32 to index
        %get3A_164 = arith.constant 0 : index
        %get3A_165 = tpu.vector_load %arg11[%get3A_163, %get3A_164] {strides = array<i32>} : memref<72x128xf32, #tpu.memory_space<vmem>>, vector<1x16xf32>,
        %get3A_166 = vector.shape_cast %get3A_165 : vector<1x16xf32> to vector<16xf32>
        %mul3A_167 = arith.mulf %get3A_166, %exp3A : vector<16xf32>
        %swap3A = arith.index_cast %scan3A_149 : i32 to index
        %swap3A_168 = arith.constant 0 : index
        %swap3A_169 = tpu.vector_load %arg13[%swap3A, %swap3A_168] {strides = array<i32>} : memref<72x128xf32, #tpu.memory_space<vmem>>, vector<1x16xf32>,
        %swap3A_170 = vector.shape_cast %swap3A_169 : vector<1x16xf32> to vector<16xf32>
        %swap3A_171 = vector.shape_cast %mul3A_167 : vector<16xf32> to vector<1x16xf32>
        tpu.vector_store %arg13[%swap3A, %swap3A_168], %swap3A_171 {strides = array<i32>} : memref<72x128xf32, #tpu.memory_space<vmem>>, vector<1x16xf32>,
        %swap3A_172 = arith.index_cast %scan3A_149 : i32 to index
        %swap3A_173 = arith.constant 16 : index
        %swap3A_174 = tpu.vector_load %arg13[%swap3A_172, %swap3A_173] {strides = array<i32>} : memref<72x128xf32, #tpu.memory_space<vmem>>, vector<1x16xf32>,
        %swap3A_175 = vector.shape_cast %swap3A_174 : vector<1x16xf32> to vector<16xf32>
        %swap3A_176 = vector.shape_cast %exp3A : vector<16xf32> to vector<1x16xf32>
        tpu.vector_store %arg13[%swap3A_172, %swap3A_173], %swap3A_176 {strides = array<i32>} : memref<72x128xf32, #tpu.memory_space<vmem>>, vector<1x16xf32>,
        %scan3A_177 = arith.constant 0 : i32
        scf.yield %scan3A_177 : i32
      }
      %scan3A_146 = arith.constant 72 : i32
      %run_scoped3A_147 = arith.constant 1 : i32
      "tpu.region"() ({
        %run_scoped3A_149 = tpu.sem_alloc : memref<!tpu.dma_semaphore, #tpu.memory_space<semaphore_mem>>
        %dma_start3A_150 = arith.constant 0 : i32
        %dma_start3A_151 = tpu.memref_slice %arg8[%run_scoped3A_147, %dma_start3A_150] : memref<2x72xi32, #tpu.memory_space<vmem>> -> memref<1x72xi32, #tpu.memory_space<vmem>>
        %dma_start3A_152 = tpu.memref_squeeze %dma_start3A_151 : memref<1x72xi32, #tpu.memory_space<vmem>> -> memref<72xi32, #tpu.memory_space<vmem>>
        %dma_start3A_153 = arith.constant 0 : i32
        %dma_start3A_154 = arith.constant 0 : i32
        %dma_start3A_155 = tpu.memref_slice %arg15[%dma_start3A_153, %dma_start3A_154] : memref<10112x128xf32, #tpu.memory_space<vmem_shared>> -> memref<10112x128xf32, #tpu.memory_space<vmem_shared>>
        tpu.enqueue_indirect_dma source(%arg13 : memref<72x128xf32, #tpu.memory_space<vmem>>) target(%dma_start3A_155 : memref<10112x128xf32, #tpu.memory_space<vmem_shared>>) offsets(%dma_start3A_152 : memref<72xi32, #tpu.memory_space<vmem>>) semaphore(%run_scoped3A_149 : memref<!tpu.dma_semaphore, #tpu.memory_space<semaphore_mem>>) {add = true}
        %dma_wait3A_156 = arith.constant 0 : i32
        %dma_wait3A_157 = tpu.memref_slice %arg8[%run_scoped3A_147, %dma_wait3A_156] : memref<2x72xi32, #tpu.memory_space<vmem>> -> memref<1x72xi32, #tpu.memory_space<vmem>>
        %dma_wait3A_158 = tpu.memref_squeeze %dma_wait3A_157 : memref<1x72xi32, #tpu.memory_space<vmem>> -> memref<72xi32, #tpu.memory_space<vmem>>
        %dma_wait3A_159 = arith.constant 0 : i32
        %dma_wait3A_160 = arith.constant 0 : i32
        %dma_wait3A_161 = tpu.memref_slice %arg15[%dma_wait3A_159, %dma_wait3A_160] : memref<10112x128xf32, #tpu.memory_space<vmem_shared>> -> memref<10112x128xf32, #tpu.memory_space<vmem_shared>>
        tpu.wait_indirect_dma semaphore(%run_scoped3A_149 : memref<!tpu.dma_semaphore, #tpu.memory_space<semaphore_mem>>) src(%arg13 : memref<72x128xf32, #tpu.memory_space<vmem>>) dst(%dma_wait3A_161 : memref<10112x128xf32, #tpu.memory_space<vmem_shared>>)
        tpu.yield
      }) : () -> ()
      %scan3A_148 = arith.constant 0 : i32
      scf.yield %scan3A_148 : i32
    }
    %scan3A_47 = arith.constant 70 : i32
    %dma_wait3A = arith.constant 0 : i32
    %dma_wait3A_48 = arith.constant 0 : i32
    %dma_wait3A_49 = tpu.memref_slice %arg7[%dma_wait3A, %dma_wait3A_48] : memref<2x72xi32, #tpu.memory_space<vmem>> -> memref<1x72xi32, #tpu.memory_space<vmem>>
    %dma_wait3A_50 = tpu.memref_squeeze %dma_wait3A_49 : memref<1x72xi32, #tpu.memory_space<vmem>> -> memref<72xi32, #tpu.memory_space<vmem>>
    %dma_wait3A_51 = arith.constant 0 : i32
    %dma_wait3A_52 = arith.constant 0 : i32
    %dma_wait3A_53 = tpu.memref_slice %arg2[%dma_wait3A_51, %dma_wait3A_52] : memref<10112x128xf32, #tpu.memory_space<hbm>> -> memref<10112x128xf32, #tpu.memory_space<hbm>>
    tpu.wait_indirect_dma semaphore(%arg16 : memref<!tpu.dma_semaphore, #tpu.memory_space<semaphore_mem>>) src(%dma_wait3A_53 : memref<10112x128xf32, #tpu.memory_space<hbm>>) dst(%arg9 : memref<72x128xf32, #tpu.memory_space<vmem>>)
    %dma_wait3A_54 = arith.constant 1 : i32
    %dma_wait3A_55 = arith.constant 0 : i32
    %dma_wait3A_56 = tpu.memref_slice %arg7[%dma_wait3A_54, %dma_wait3A_55] : memref<2x72xi32, #tpu.memory_space<vmem>> -> memref<1x72xi32, #tpu.memory_space<vmem>>
    %dma_wait3A_57 = tpu.memref_squeeze %dma_wait3A_56 : memref<1x72xi32, #tpu.memory_space<vmem>> -> memref<72xi32, #tpu.memory_space<vmem>>
    %dma_wait3A_58 = arith.constant 0 : i32
    %dma_wait3A_59 = arith.constant 0 : i32
    %dma_wait3A_60 = tpu.memref_slice %arg3[%dma_wait3A_58, %dma_wait3A_59] : memref<10112x128xf32, #tpu.memory_space<hbm>> -> memref<10112x128xf32, #tpu.memory_space<hbm>>
    tpu.wait_indirect_dma semaphore(%arg16 : memref<!tpu.dma_semaphore, #tpu.memory_space<semaphore_mem>>) src(%dma_wait3A_60 : memref<10112x128xf32, #tpu.memory_space<hbm>>) dst(%arg10 : memref<72x128xf32, #tpu.memory_space<vmem>>)
    %barrier3A_61 = arith.constant 0 : index
    tpu.barrier barrier_id(%barrier3A_61)
    "tpu.region"() ({
      %run_scoped3A_62 = tpu.sem_alloc : memref<!tpu.dma_semaphore, #tpu.memory_space<semaphore_mem>>
      %dma_start3A_63 = arith.constant 0 : i32
      %dma_start3A_64 = tpu.memref_slice %arg6[%arg0, %mul3A_8, %dma_start3A_63] : memref<2x10112x128xf32, #tpu.memory_space<hbm>> -> memref<1x632x128xf32, #tpu.memory_space<hbm>>
      %dma_start3A_65 = tpu.memref_squeeze %dma_start3A_64 : memref<1x632x128xf32, #tpu.memory_space<hbm>> -> memref<632x128xf32, #tpu.memory_space<hbm>>
      %dma_start3A_66 = arith.constant 0 : i32
      %dma_start3A_67 = tpu.memref_slice %arg15[%mul3A_8, %dma_start3A_66] : memref<10112x128xf32, #tpu.memory_space<vmem_shared>> -> memref<632x128xf32, #tpu.memory_space<vmem_shared>>
      tpu.enqueue_dma source(%dma_start3A_67 : memref<632x128xf32, #tpu.memory_space<vmem_shared>>) target(%dma_start3A_65 : memref<632x128xf32, #tpu.memory_space<hbm>>) target_semaphore(%run_scoped3A_62 : memref<!tpu.dma_semaphore, #tpu.memory_space<semaphore_mem>>)
      %dma_wait3A_68 = arith.constant 0 : i32
      %dma_wait3A_69 = tpu.memref_slice %arg6[%arg0, %mul3A_8, %dma_wait3A_68] : memref<2x10112x128xf32, #tpu.memory_space<hbm>> -> memref<1x632x128xf32, #tpu.memory_space<hbm>>
      %dma_wait3A_70 = tpu.memref_squeeze %dma_wait3A_69 : memref<1x632x128xf32, #tpu.memory_space<hbm>> -> memref<632x128xf32, #tpu.memory_space<hbm>>
      %dma_wait3A_71 = arith.constant 0 : i32
      %dma_wait3A_72 = tpu.memref_slice %arg15[%mul3A_8, %dma_wait3A_71] : memref<10112x128xf32, #tpu.memory_space<vmem_shared>> -> memref<632x128xf32, #tpu.memory_space<vmem_shared>>
      tpu.wait_dma2 semaphore(%run_scoped3A_62 : memref<!tpu.dma_semaphore, #tpu.memory_space<semaphore_mem>>) src(%dma_wait3A_72 : memref<632x128xf32, #tpu.memory_space<vmem_shared>>) dst(%dma_wait3A_70 : memref<632x128xf32, #tpu.memory_space<hbm>>)
      tpu.yield
    }) : () -> ()
    return
  }
}

#map = affine_map<(d0, d1) -> (0, 0)>
#map1 = affine_map<(d0, d1) -> (0, 0, 0, 0)>
#map2 = affine_map<(d0, d1) -> (0, 0, 0)>
module attributes {stable_mosaic.version = 14 : i64} {
  func.func @_edge1(%arg0: i32, %arg1: i32, %arg2: memref<10112x128xf32, #tpu.memory_space<hbm>>, %arg3: memref<10112x128xf32, #tpu.memory_space<hbm>>, %arg4: memref<32x140x2x72xi32, #tpu.memory_space<hbm>>, %arg5: memref<1x16xf32, #tpu.memory_space<hbm>>, %arg6: memref<2x10112x128xf32, #tpu.memory_space<hbm>>, %arg7: memref<2x72xi32, #tpu.memory_space<vmem>>, %arg8: memref<2x72xi32, #tpu.memory_space<vmem>>, %arg9: memref<72x128xf32, #tpu.memory_space<vmem>>, %arg10: memref<72x128xf32, #tpu.memory_space<vmem>>, %arg11: memref<72x128xf32, #tpu.memory_space<vmem>>, %arg12: memref<72x128xf32, #tpu.memory_space<vmem>>, %arg13: memref<72x128xf32, #tpu.memory_space<vmem>>, %arg14: memref<16xf32, #tpu.memory_space<vmem>>, %arg15: memref<10112x128xf32, #tpu.memory_space<vmem_shared>>, %arg16: memref<!tpu.dma_semaphore, #tpu.memory_space<semaphore_mem>>, %arg17: memref<!tpu.dma_semaphore, #tpu.memory_space<semaphore_mem>>) attributes {dimension_semantics = [#tpu.dimension_semantics<core_parallel>, #tpu.dimension_semantics<subcore_parallel>], iteration_bounds = array<i64: 2, 16>, scalar_prefetch = 0 : i64, scratch_operands = 11 : i64, tpu.core_type = #tpu.core_type<sc_vector_subcore>, window_params = [{transform_indices = #map}, {transform_indices = #map}, {transform_indices = #map1}, {transform_indices = #map}, {transform_indices = #map2}]} {
    %mul3A = arith.constant 2 : i32
    %mul3A_0 = arith.muli %arg1, %mul3A : i32
    %add3A = arith.addi %mul3A_0, %arg0 : i32
    %run_scoped3A = arith.constant 0 : i32
    "tpu.region"() ({
      %run_scoped3A_62 = tpu.sem_alloc : memref<!tpu.dma_semaphore, #tpu.memory_space<semaphore_mem>>
      %dma_start3A_63 = arith.constant 0 : i32
      %dma_start3A_64 = tpu.memref_slice %arg5[%run_scoped3A, %dma_start3A_63] : memref<1x16xf32, #tpu.memory_space<hbm>> -> memref<1x16xf32, #tpu.memory_space<hbm>>
      %dma_start3A_65 = tpu.memref_squeeze %dma_start3A_64 : memref<1x16xf32, #tpu.memory_space<hbm>> -> memref<16xf32, #tpu.memory_space<hbm>>
      %dma_start3A_66 = arith.constant 0 : i32
      %dma_start3A_67 = tpu.memref_slice %arg5[%run_scoped3A, %dma_start3A_66] : memref<1x16xf32, #tpu.memory_space<hbm>> -> memref<1x16xf32, #tpu.memory_space<hbm>>
      %dma_start3A_68 = tpu.memref_squeeze %dma_start3A_67 : memref<1x16xf32, #tpu.memory_space<hbm>> -> memref<16xf32, #tpu.memory_space<hbm>>
      tpu.enqueue_dma source(%dma_start3A_68 : memref<16xf32, #tpu.memory_space<hbm>>) target(%arg14 : memref<16xf32, #tpu.memory_space<vmem>>) target_semaphore(%run_scoped3A_62 : memref<!tpu.dma_semaphore, #tpu.memory_space<semaphore_mem>>)
      %dma_wait3A_69 = arith.constant 0 : i32
      %dma_wait3A_70 = tpu.memref_slice %arg5[%run_scoped3A, %dma_wait3A_69] : memref<1x16xf32, #tpu.memory_space<hbm>> -> memref<1x16xf32, #tpu.memory_space<hbm>>
      %dma_wait3A_71 = tpu.memref_squeeze %dma_wait3A_70 : memref<1x16xf32, #tpu.memory_space<hbm>> -> memref<16xf32, #tpu.memory_space<hbm>>
      %dma_wait3A_72 = arith.constant 0 : i32
      %dma_wait3A_73 = tpu.memref_slice %arg5[%run_scoped3A, %dma_wait3A_72] : memref<1x16xf32, #tpu.memory_space<hbm>> -> memref<1x16xf32, #tpu.memory_space<hbm>>
      %dma_wait3A_74 = tpu.memref_squeeze %dma_wait3A_73 : memref<1x16xf32, #tpu.memory_space<hbm>> -> memref<16xf32, #tpu.memory_space<hbm>>
      tpu.wait_dma2 semaphore(%run_scoped3A_62 : memref<!tpu.dma_semaphore, #tpu.memory_space<semaphore_mem>>) src(%dma_wait3A_74 : memref<16xf32, #tpu.memory_space<hbm>>) dst(%arg14 : memref<16xf32, #tpu.memory_space<vmem>>)
      tpu.yield
    }) : () -> ()
    %scan3A = arith.constant 0 : i32
    %scan3A_1 = arith.constant 0 : i32
    %scan3A_2 = arith.constant 72 : i32
    %scan3A_3 = arith.addi %scan3A_1, %scan3A_2 : i32
    %scan3A_4 = arith.constant 1 : i32
    %scan3A_5 = scf.for %scan3A_62 = %scan3A_1 to %scan3A_3 step %scan3A_4 iter_args(%scan3A_63 = %scan3A) -> (i32)  : i32 {
      %broadcast_in_dim3A = arith.constant 0.000000e+00 : f32
      %broadcast_in_dim3A_64 = vector.broadcast %broadcast_in_dim3A : f32 to vector<16xf32>
      %swap3A = arith.index_cast %scan3A_62 : i32 to index
      %swap3A_65 = arith.constant 0 : index
      %swap3A_66 = tpu.vector_load %arg13[%swap3A, %swap3A_65] {strides = array<i32>} : memref<72x128xf32, #tpu.memory_space<vmem>>, vector<1x16xf32>,
      %swap3A_67 = vector.shape_cast %swap3A_66 : vector<1x16xf32> to vector<16xf32>
      %swap3A_68 = vector.shape_cast %broadcast_in_dim3A_64 : vector<16xf32> to vector<1x16xf32>
      tpu.vector_store %arg13[%swap3A, %swap3A_65], %swap3A_68 {strides = array<i32>} : memref<72x128xf32, #tpu.memory_space<vmem>>, vector<1x16xf32>,
      %swap3A_69 = arith.index_cast %scan3A_62 : i32 to index
      %swap3A_70 = arith.constant 16 : index
      %swap3A_71 = tpu.vector_load %arg13[%swap3A_69, %swap3A_70] {strides = array<i32>} : memref<72x128xf32, #tpu.memory_space<vmem>>, vector<1x16xf32>,
      %swap3A_72 = vector.shape_cast %swap3A_71 : vector<1x16xf32> to vector<16xf32>
      %swap3A_73 = vector.shape_cast %broadcast_in_dim3A_64 : vector<16xf32> to vector<1x16xf32>
      tpu.vector_store %arg13[%swap3A_69, %swap3A_70], %swap3A_73 {strides = array<i32>} : memref<72x128xf32, #tpu.memory_space<vmem>>, vector<1x16xf32>,
      %swap3A_74 = arith.index_cast %scan3A_62 : i32 to index
      %swap3A_75 = arith.constant 32 : index
      %swap3A_76 = tpu.vector_load %arg13[%swap3A_74, %swap3A_75] {strides = array<i32>} : memref<72x128xf32, #tpu.memory_space<vmem>>, vector<1x16xf32>,
      %swap3A_77 = vector.shape_cast %swap3A_76 : vector<1x16xf32> to vector<16xf32>
      %swap3A_78 = vector.shape_cast %broadcast_in_dim3A_64 : vector<16xf32> to vector<1x16xf32>
      tpu.vector_store %arg13[%swap3A_74, %swap3A_75], %swap3A_78 {strides = array<i32>} : memref<72x128xf32, #tpu.memory_space<vmem>>, vector<1x16xf32>,
      %swap3A_79 = arith.index_cast %scan3A_62 : i32 to index
      %swap3A_80 = arith.constant 48 : index
      %swap3A_81 = tpu.vector_load %arg13[%swap3A_79, %swap3A_80] {strides = array<i32>} : memref<72x128xf32, #tpu.memory_space<vmem>>, vector<1x16xf32>,
      %swap3A_82 = vector.shape_cast %swap3A_81 : vector<1x16xf32> to vector<16xf32>
      %swap3A_83 = vector.shape_cast %broadcast_in_dim3A_64 : vector<16xf32> to vector<1x16xf32>
      tpu.vector_store %arg13[%swap3A_79, %swap3A_80], %swap3A_83 {strides = array<i32>} : memref<72x128xf32, #tpu.memory_space<vmem>>, vector<1x16xf32>,
      %swap3A_84 = arith.index_cast %scan3A_62 : i32 to index
      %swap3A_85 = arith.constant 64 : index
      %swap3A_86 = tpu.vector_load %arg13[%swap3A_84, %swap3A_85] {strides = array<i32>} : memref<72x128xf32, #tpu.memory_space<vmem>>, vector<1x16xf32>,
      %swap3A_87 = vector.shape_cast %swap3A_86 : vector<1x16xf32> to vector<16xf32>
      %swap3A_88 = vector.shape_cast %broadcast_in_dim3A_64 : vector<16xf32> to vector<1x16xf32>
      tpu.vector_store %arg13[%swap3A_84, %swap3A_85], %swap3A_88 {strides = array<i32>} : memref<72x128xf32, #tpu.memory_space<vmem>>, vector<1x16xf32>,
      %swap3A_89 = arith.index_cast %scan3A_62 : i32 to index
      %swap3A_90 = arith.constant 80 : index
      %swap3A_91 = tpu.vector_load %arg13[%swap3A_89, %swap3A_90] {strides = array<i32>} : memref<72x128xf32, #tpu.memory_space<vmem>>, vector<1x16xf32>,
      %swap3A_92 = vector.shape_cast %swap3A_91 : vector<1x16xf32> to vector<16xf32>
      %swap3A_93 = vector.shape_cast %broadcast_in_dim3A_64 : vector<16xf32> to vector<1x16xf32>
      tpu.vector_store %arg13[%swap3A_89, %swap3A_90], %swap3A_93 {strides = array<i32>} : memref<72x128xf32, #tpu.memory_space<vmem>>, vector<1x16xf32>,
      %swap3A_94 = arith.index_cast %scan3A_62 : i32 to index
      %swap3A_95 = arith.constant 96 : index
      %swap3A_96 = tpu.vector_load %arg13[%swap3A_94, %swap3A_95] {strides = array<i32>} : memref<72x128xf32, #tpu.memory_space<vmem>>, vector<1x16xf32>,
      %swap3A_97 = vector.shape_cast %swap3A_96 : vector<1x16xf32> to vector<16xf32>
      %swap3A_98 = vector.shape_cast %broadcast_in_dim3A_64 : vector<16xf32> to vector<1x16xf32>
      tpu.vector_store %arg13[%swap3A_94, %swap3A_95], %swap3A_98 {strides = array<i32>} : memref<72x128xf32, #tpu.memory_space<vmem>>, vector<1x16xf32>,
      %swap3A_99 = arith.index_cast %scan3A_62 : i32 to index
      %swap3A_100 = arith.constant 112 : index
      %swap3A_101 = tpu.vector_load %arg13[%swap3A_99, %swap3A_100] {strides = array<i32>} : memref<72x128xf32, #tpu.memory_space<vmem>>, vector<1x16xf32>,
      %swap3A_102 = vector.shape_cast %swap3A_101 : vector<1x16xf32> to vector<16xf32>
      %swap3A_103 = vector.shape_cast %broadcast_in_dim3A_64 : vector<16xf32> to vector<1x16xf32>
      tpu.vector_store %arg13[%swap3A_99, %swap3A_100], %swap3A_103 {strides = array<i32>} : memref<72x128xf32, #tpu.memory_space<vmem>>, vector<1x16xf32>,
      %scan3A_104 = arith.constant 0 : i32
      scf.yield %scan3A_104 : i32
    }
    %scan3A_6 = arith.constant 72 : i32
    %mul3A_7 = arith.constant 632 : i32
    %mul3A_8 = arith.muli %arg1, %mul3A_7 : i32
    %add3A_9 = arith.constant 0 : i32
    %add3A_10 = arith.addi %mul3A_8, %add3A_9 : i32
    "tpu.region"() ({
      %run_scoped3A_62 = tpu.sem_alloc : memref<!tpu.dma_semaphore, #tpu.memory_space<semaphore_mem>>
      %dma_start3A_63 = arith.constant 0 : i32
      %dma_start3A_64 = tpu.memref_slice %arg15[%add3A_10, %dma_start3A_63] : memref<10112x128xf32, #tpu.memory_space<vmem_shared>> -> memref<72x128xf32, #tpu.memory_space<vmem_shared>>
      %dma_start3A_65 = arith.constant 0 : i32
      %dma_start3A_66 = tpu.memref_slice %arg15[%add3A_10, %dma_start3A_65] : memref<10112x128xf32, #tpu.memory_space<vmem_shared>> -> memref<72x128xf32, #tpu.memory_space<vmem_shared>>
      tpu.enqueue_dma source(%arg13 : memref<72x128xf32, #tpu.memory_space<vmem>>) target(%dma_start3A_66 : memref<72x128xf32, #tpu.memory_space<vmem_shared>>) target_semaphore(%run_scoped3A_62 : memref<!tpu.dma_semaphore, #tpu.memory_space<semaphore_mem>>)
      %dma_wait3A_67 = arith.constant 0 : i32
      %dma_wait3A_68 = tpu.memref_slice %arg15[%add3A_10, %dma_wait3A_67] : memref<10112x128xf32, #tpu.memory_space<vmem_shared>> -> memref<72x128xf32, #tpu.memory_space<vmem_shared>>
      %dma_wait3A_69 = arith.constant 0 : i32
      %dma_wait3A_70 = tpu.memref_slice %arg15[%add3A_10, %dma_wait3A_69] : memref<10112x128xf32, #tpu.memory_space<vmem_shared>> -> memref<72x128xf32, #tpu.memory_space<vmem_shared>>
      tpu.wait_dma2 semaphore(%run_scoped3A_62 : memref<!tpu.dma_semaphore, #tpu.memory_space<semaphore_mem>>) src(%arg13 : memref<72x128xf32, #tpu.memory_space<vmem>>) dst(%dma_wait3A_70 : memref<72x128xf32, #tpu.memory_space<vmem_shared>>)
      tpu.yield
    }) : () -> ()
    %add3A_11 = arith.constant 72 : i32
    %add3A_12 = arith.addi %mul3A_8, %add3A_11 : i32
    "tpu.region"() ({
      %run_scoped3A_62 = tpu.sem_alloc : memref<!tpu.dma_semaphore, #tpu.memory_space<semaphore_mem>>
      %dma_start3A_63 = arith.constant 0 : i32
      %dma_start3A_64 = tpu.memref_slice %arg15[%add3A_12, %dma_start3A_63] : memref<10112x128xf32, #tpu.memory_space<vmem_shared>> -> memref<72x128xf32, #tpu.memory_space<vmem_shared>>
      %dma_start3A_65 = arith.constant 0 : i32
      %dma_start3A_66 = tpu.memref_slice %arg15[%add3A_12, %dma_start3A_65] : memref<10112x128xf32, #tpu.memory_space<vmem_shared>> -> memref<72x128xf32, #tpu.memory_space<vmem_shared>>
      tpu.enqueue_dma source(%arg13 : memref<72x128xf32, #tpu.memory_space<vmem>>) target(%dma_start3A_66 : memref<72x128xf32, #tpu.memory_space<vmem_shared>>) target_semaphore(%run_scoped3A_62 : memref<!tpu.dma_semaphore, #tpu.memory_space<semaphore_mem>>)
      %dma_wait3A_67 = arith.constant 0 : i32
      %dma_wait3A_68 = tpu.memref_slice %arg15[%add3A_12, %dma_wait3A_67] : memref<10112x128xf32, #tpu.memory_space<vmem_shared>> -> memref<72x128xf32, #tpu.memory_space<vmem_shared>>
      %dma_wait3A_69 = arith.constant 0 : i32
      %dma_wait3A_70 = tpu.memref_slice %arg15[%add3A_12, %dma_wait3A_69] : memref<10112x128xf32, #tpu.memory_space<vmem_shared>> -> memref<72x128xf32, #tpu.memory_space<vmem_shared>>
      tpu.wait_dma2 semaphore(%run_scoped3A_62 : memref<!tpu.dma_semaphore, #tpu.memory_space<semaphore_mem>>) src(%arg13 : memref<72x128xf32, #tpu.memory_space<vmem>>) dst(%dma_wait3A_70 : memref<72x128xf32, #tpu.memory_space<vmem_shared>>)
      tpu.yield
    }) : () -> ()
    %add3A_13 = arith.constant 144 : i32
    %add3A_14 = arith.addi %mul3A_8, %add3A_13 : i32
    "tpu.region"() ({
      %run_scoped3A_62 = tpu.sem_alloc : memref<!tpu.dma_semaphore, #tpu.memory_space<semaphore_mem>>
      %dma_start3A_63 = arith.constant 0 : i32
      %dma_start3A_64 = tpu.memref_slice %arg15[%add3A_14, %dma_start3A_63] : memref<10112x128xf32, #tpu.memory_space<vmem_shared>> -> memref<72x128xf32, #tpu.memory_space<vmem_shared>>
      %dma_start3A_65 = arith.constant 0 : i32
      %dma_start3A_66 = tpu.memref_slice %arg15[%add3A_14, %dma_start3A_65] : memref<10112x128xf32, #tpu.memory_space<vmem_shared>> -> memref<72x128xf32, #tpu.memory_space<vmem_shared>>
      tpu.enqueue_dma source(%arg13 : memref<72x128xf32, #tpu.memory_space<vmem>>) target(%dma_start3A_66 : memref<72x128xf32, #tpu.memory_space<vmem_shared>>) target_semaphore(%run_scoped3A_62 : memref<!tpu.dma_semaphore, #tpu.memory_space<semaphore_mem>>)
      %dma_wait3A_67 = arith.constant 0 : i32
      %dma_wait3A_68 = tpu.memref_slice %arg15[%add3A_14, %dma_wait3A_67] : memref<10112x128xf32, #tpu.memory_space<vmem_shared>> -> memref<72x128xf32, #tpu.memory_space<vmem_shared>>
      %dma_wait3A_69 = arith.constant 0 : i32
      %dma_wait3A_70 = tpu.memref_slice %arg15[%add3A_14, %dma_wait3A_69] : memref<10112x128xf32, #tpu.memory_space<vmem_shared>> -> memref<72x128xf32, #tpu.memory_space<vmem_shared>>
      tpu.wait_dma2 semaphore(%run_scoped3A_62 : memref<!tpu.dma_semaphore, #tpu.memory_space<semaphore_mem>>) src(%arg13 : memref<72x128xf32, #tpu.memory_space<vmem>>) dst(%dma_wait3A_70 : memref<72x128xf32, #tpu.memory_space<vmem_shared>>)
      tpu.yield
    }) : () -> ()
    %add3A_15 = arith.constant 216 : i32
    %add3A_16 = arith.addi %mul3A_8, %add3A_15 : i32
    "tpu.region"() ({
      %run_scoped3A_62 = tpu.sem_alloc : memref<!tpu.dma_semaphore, #tpu.memory_space<semaphore_mem>>
      %dma_start3A_63 = arith.constant 0 : i32
      %dma_start3A_64 = tpu.memref_slice %arg15[%add3A_16, %dma_start3A_63] : memref<10112x128xf32, #tpu.memory_space<vmem_shared>> -> memref<72x128xf32, #tpu.memory_space<vmem_shared>>
      %dma_start3A_65 = arith.constant 0 : i32
      %dma_start3A_66 = tpu.memref_slice %arg15[%add3A_16, %dma_start3A_65] : memref<10112x128xf32, #tpu.memory_space<vmem_shared>> -> memref<72x128xf32, #tpu.memory_space<vmem_shared>>
      tpu.enqueue_dma source(%arg13 : memref<72x128xf32, #tpu.memory_space<vmem>>) target(%dma_start3A_66 : memref<72x128xf32, #tpu.memory_space<vmem_shared>>) target_semaphore(%run_scoped3A_62 : memref<!tpu.dma_semaphore, #tpu.memory_space<semaphore_mem>>)
      %dma_wait3A_67 = arith.constant 0 : i32
      %dma_wait3A_68 = tpu.memref_slice %arg15[%add3A_16, %dma_wait3A_67] : memref<10112x128xf32, #tpu.memory_space<vmem_shared>> -> memref<72x128xf32, #tpu.memory_space<vmem_shared>>
      %dma_wait3A_69 = arith.constant 0 : i32
      %dma_wait3A_70 = tpu.memref_slice %arg15[%add3A_16, %dma_wait3A_69] : memref<10112x128xf32, #tpu.memory_space<vmem_shared>> -> memref<72x128xf32, #tpu.memory_space<vmem_shared>>
      tpu.wait_dma2 semaphore(%run_scoped3A_62 : memref<!tpu.dma_semaphore, #tpu.memory_space<semaphore_mem>>) src(%arg13 : memref<72x128xf32, #tpu.memory_space<vmem>>) dst(%dma_wait3A_70 : memref<72x128xf32, #tpu.memory_space<vmem_shared>>)
      tpu.yield
    }) : () -> ()
    %add3A_17 = arith.constant 288 : i32
    %add3A_18 = arith.addi %mul3A_8, %add3A_17 : i32
    "tpu.region"() ({
      %run_scoped3A_62 = tpu.sem_alloc : memref<!tpu.dma_semaphore, #tpu.memory_space<semaphore_mem>>
      %dma_start3A_63 = arith.constant 0 : i32
      %dma_start3A_64 = tpu.memref_slice %arg15[%add3A_18, %dma_start3A_63] : memref<10112x128xf32, #tpu.memory_space<vmem_shared>> -> memref<72x128xf32, #tpu.memory_space<vmem_shared>>
      %dma_start3A_65 = arith.constant 0 : i32
      %dma_start3A_66 = tpu.memref_slice %arg15[%add3A_18, %dma_start3A_65] : memref<10112x128xf32, #tpu.memory_space<vmem_shared>> -> memref<72x128xf32, #tpu.memory_space<vmem_shared>>
      tpu.enqueue_dma source(%arg13 : memref<72x128xf32, #tpu.memory_space<vmem>>) target(%dma_start3A_66 : memref<72x128xf32, #tpu.memory_space<vmem_shared>>) target_semaphore(%run_scoped3A_62 : memref<!tpu.dma_semaphore, #tpu.memory_space<semaphore_mem>>)
      %dma_wait3A_67 = arith.constant 0 : i32
      %dma_wait3A_68 = tpu.memref_slice %arg15[%add3A_18, %dma_wait3A_67] : memref<10112x128xf32, #tpu.memory_space<vmem_shared>> -> memref<72x128xf32, #tpu.memory_space<vmem_shared>>
      %dma_wait3A_69 = arith.constant 0 : i32
      %dma_wait3A_70 = tpu.memref_slice %arg15[%add3A_18, %dma_wait3A_69] : memref<10112x128xf32, #tpu.memory_space<vmem_shared>> -> memref<72x128xf32, #tpu.memory_space<vmem_shared>>
      tpu.wait_dma2 semaphore(%run_scoped3A_62 : memref<!tpu.dma_semaphore, #tpu.memory_space<semaphore_mem>>) src(%arg13 : memref<72x128xf32, #tpu.memory_space<vmem>>) dst(%dma_wait3A_70 : memref<72x128xf32, #tpu.memory_space<vmem_shared>>)
      tpu.yield
    }) : () -> ()
    %add3A_19 = arith.constant 360 : i32
    %add3A_20 = arith.addi %mul3A_8, %add3A_19 : i32
    "tpu.region"() ({
      %run_scoped3A_62 = tpu.sem_alloc : memref<!tpu.dma_semaphore, #tpu.memory_space<semaphore_mem>>
      %dma_start3A_63 = arith.constant 0 : i32
      %dma_start3A_64 = tpu.memref_slice %arg15[%add3A_20, %dma_start3A_63] : memref<10112x128xf32, #tpu.memory_space<vmem_shared>> -> memref<72x128xf32, #tpu.memory_space<vmem_shared>>
      %dma_start3A_65 = arith.constant 0 : i32
      %dma_start3A_66 = tpu.memref_slice %arg15[%add3A_20, %dma_start3A_65] : memref<10112x128xf32, #tpu.memory_space<vmem_shared>> -> memref<72x128xf32, #tpu.memory_space<vmem_shared>>
      tpu.enqueue_dma source(%arg13 : memref<72x128xf32, #tpu.memory_space<vmem>>) target(%dma_start3A_66 : memref<72x128xf32, #tpu.memory_space<vmem_shared>>) target_semaphore(%run_scoped3A_62 : memref<!tpu.dma_semaphore, #tpu.memory_space<semaphore_mem>>)
      %dma_wait3A_67 = arith.constant 0 : i32
      %dma_wait3A_68 = tpu.memref_slice %arg15[%add3A_20, %dma_wait3A_67] : memref<10112x128xf32, #tpu.memory_space<vmem_shared>> -> memref<72x128xf32, #tpu.memory_space<vmem_shared>>
      %dma_wait3A_69 = arith.constant 0 : i32
      %dma_wait3A_70 = tpu.memref_slice %arg15[%add3A_20, %dma_wait3A_69] : memref<10112x128xf32, #tpu.memory_space<vmem_shared>> -> memref<72x128xf32, #tpu.memory_space<vmem_shared>>
      tpu.wait_dma2 semaphore(%run_scoped3A_62 : memref<!tpu.dma_semaphore, #tpu.memory_space<semaphore_mem>>) src(%arg13 : memref<72x128xf32, #tpu.memory_space<vmem>>) dst(%dma_wait3A_70 : memref<72x128xf32, #tpu.memory_space<vmem_shared>>)
      tpu.yield
    }) : () -> ()
    %add3A_21 = arith.constant 432 : i32
    %add3A_22 = arith.addi %mul3A_8, %add3A_21 : i32
    "tpu.region"() ({
      %run_scoped3A_62 = tpu.sem_alloc : memref<!tpu.dma_semaphore, #tpu.memory_space<semaphore_mem>>
      %dma_start3A_63 = arith.constant 0 : i32
      %dma_start3A_64 = tpu.memref_slice %arg15[%add3A_22, %dma_start3A_63] : memref<10112x128xf32, #tpu.memory_space<vmem_shared>> -> memref<72x128xf32, #tpu.memory_space<vmem_shared>>
      %dma_start3A_65 = arith.constant 0 : i32
      %dma_start3A_66 = tpu.memref_slice %arg15[%add3A_22, %dma_start3A_65] : memref<10112x128xf32, #tpu.memory_space<vmem_shared>> -> memref<72x128xf32, #tpu.memory_space<vmem_shared>>
      tpu.enqueue_dma source(%arg13 : memref<72x128xf32, #tpu.memory_space<vmem>>) target(%dma_start3A_66 : memref<72x128xf32, #tpu.memory_space<vmem_shared>>) target_semaphore(%run_scoped3A_62 : memref<!tpu.dma_semaphore, #tpu.memory_space<semaphore_mem>>)
      %dma_wait3A_67 = arith.constant 0 : i32
      %dma_wait3A_68 = tpu.memref_slice %arg15[%add3A_22, %dma_wait3A_67] : memref<10112x128xf32, #tpu.memory_space<vmem_shared>> -> memref<72x128xf32, #tpu.memory_space<vmem_shared>>
      %dma_wait3A_69 = arith.constant 0 : i32
      %dma_wait3A_70 = tpu.memref_slice %arg15[%add3A_22, %dma_wait3A_69] : memref<10112x128xf32, #tpu.memory_space<vmem_shared>> -> memref<72x128xf32, #tpu.memory_space<vmem_shared>>
      tpu.wait_dma2 semaphore(%run_scoped3A_62 : memref<!tpu.dma_semaphore, #tpu.memory_space<semaphore_mem>>) src(%arg13 : memref<72x128xf32, #tpu.memory_space<vmem>>) dst(%dma_wait3A_70 : memref<72x128xf32, #tpu.memory_space<vmem_shared>>)
      tpu.yield
    }) : () -> ()
    %add3A_23 = arith.constant 504 : i32
    %add3A_24 = arith.addi %mul3A_8, %add3A_23 : i32
    "tpu.region"() ({
      %run_scoped3A_62 = tpu.sem_alloc : memref<!tpu.dma_semaphore, #tpu.memory_space<semaphore_mem>>
      %dma_start3A_63 = arith.constant 0 : i32
      %dma_start3A_64 = tpu.memref_slice %arg15[%add3A_24, %dma_start3A_63] : memref<10112x128xf32, #tpu.memory_space<vmem_shared>> -> memref<72x128xf32, #tpu.memory_space<vmem_shared>>
      %dma_start3A_65 = arith.constant 0 : i32
      %dma_start3A_66 = tpu.memref_slice %arg15[%add3A_24, %dma_start3A_65] : memref<10112x128xf32, #tpu.memory_space<vmem_shared>> -> memref<72x128xf32, #tpu.memory_space<vmem_shared>>
      tpu.enqueue_dma source(%arg13 : memref<72x128xf32, #tpu.memory_space<vmem>>) target(%dma_start3A_66 : memref<72x128xf32, #tpu.memory_space<vmem_shared>>) target_semaphore(%run_scoped3A_62 : memref<!tpu.dma_semaphore, #tpu.memory_space<semaphore_mem>>)
      %dma_wait3A_67 = arith.constant 0 : i32
      %dma_wait3A_68 = tpu.memref_slice %arg15[%add3A_24, %dma_wait3A_67] : memref<10112x128xf32, #tpu.memory_space<vmem_shared>> -> memref<72x128xf32, #tpu.memory_space<vmem_shared>>
      %dma_wait3A_69 = arith.constant 0 : i32
      %dma_wait3A_70 = tpu.memref_slice %arg15[%add3A_24, %dma_wait3A_69] : memref<10112x128xf32, #tpu.memory_space<vmem_shared>> -> memref<72x128xf32, #tpu.memory_space<vmem_shared>>
      tpu.wait_dma2 semaphore(%run_scoped3A_62 : memref<!tpu.dma_semaphore, #tpu.memory_space<semaphore_mem>>) src(%arg13 : memref<72x128xf32, #tpu.memory_space<vmem>>) dst(%dma_wait3A_70 : memref<72x128xf32, #tpu.memory_space<vmem_shared>>)
      tpu.yield
    }) : () -> ()
    %add3A_25 = arith.constant 560 : i32
    %add3A_26 = arith.addi %mul3A_8, %add3A_25 : i32
    "tpu.region"() ({
      %run_scoped3A_62 = tpu.sem_alloc : memref<!tpu.dma_semaphore, #tpu.memory_space<semaphore_mem>>
      %dma_start3A_63 = arith.constant 0 : i32
      %dma_start3A_64 = tpu.memref_slice %arg15[%add3A_26, %dma_start3A_63] : memref<10112x128xf32, #tpu.memory_space<vmem_shared>> -> memref<72x128xf32, #tpu.memory_space<vmem_shared>>
      %dma_start3A_65 = arith.constant 0 : i32
      %dma_start3A_66 = tpu.memref_slice %arg15[%add3A_26, %dma_start3A_65] : memref<10112x128xf32, #tpu.memory_space<vmem_shared>> -> memref<72x128xf32, #tpu.memory_space<vmem_shared>>
      tpu.enqueue_dma source(%arg13 : memref<72x128xf32, #tpu.memory_space<vmem>>) target(%dma_start3A_66 : memref<72x128xf32, #tpu.memory_space<vmem_shared>>) target_semaphore(%run_scoped3A_62 : memref<!tpu.dma_semaphore, #tpu.memory_space<semaphore_mem>>)
      %dma_wait3A_67 = arith.constant 0 : i32
      %dma_wait3A_68 = tpu.memref_slice %arg15[%add3A_26, %dma_wait3A_67] : memref<10112x128xf32, #tpu.memory_space<vmem_shared>> -> memref<72x128xf32, #tpu.memory_space<vmem_shared>>
      %dma_wait3A_69 = arith.constant 0 : i32
      %dma_wait3A_70 = tpu.memref_slice %arg15[%add3A_26, %dma_wait3A_69] : memref<10112x128xf32, #tpu.memory_space<vmem_shared>> -> memref<72x128xf32, #tpu.memory_space<vmem_shared>>
      tpu.wait_dma2 semaphore(%run_scoped3A_62 : memref<!tpu.dma_semaphore, #tpu.memory_space<semaphore_mem>>) src(%arg13 : memref<72x128xf32, #tpu.memory_space<vmem>>) dst(%dma_wait3A_70 : memref<72x128xf32, #tpu.memory_space<vmem_shared>>)
      tpu.yield
    }) : () -> ()
    %barrier3A = arith.constant 0 : index
    tpu.barrier barrier_id(%barrier3A)
    %run_scoped3A_27 = arith.constant 0 : i32
    "tpu.region"() ({
      %run_scoped3A_62 = tpu.sem_alloc : memref<!tpu.dma_semaphore, #tpu.memory_space<semaphore_mem>>
      %dma_start3A_63 = arith.constant 0 : i32
      %dma_start3A_64 = arith.constant 0 : i32
      %dma_start3A_65 = tpu.memref_slice %arg4[%add3A, %run_scoped3A_27, %dma_start3A_63, %dma_start3A_64] : memref<32x140x2x72xi32, #tpu.memory_space<hbm>> -> memref<1x1x2x72xi32, #tpu.memory_space<hbm>>
      %dma_start3A_66 = tpu.memref_squeeze %dma_start3A_65 : memref<1x1x2x72xi32, #tpu.memory_space<hbm>> -> memref<2x72xi32, #tpu.memory_space<hbm>>
      %dma_start3A_67 = arith.constant 0 : i32
      %dma_start3A_68 = arith.constant 0 : i32
      %dma_start3A_69 = tpu.memref_slice %arg4[%add3A, %run_scoped3A_27, %dma_start3A_67, %dma_start3A_68] : memref<32x140x2x72xi32, #tpu.memory_space<hbm>> -> memref<1x1x2x72xi32, #tpu.memory_space<hbm>>
      %dma_start3A_70 = tpu.memref_squeeze %dma_start3A_69 : memref<1x1x2x72xi32, #tpu.memory_space<hbm>> -> memref<2x72xi32, #tpu.memory_space<hbm>>
      tpu.enqueue_dma source(%dma_start3A_70 : memref<2x72xi32, #tpu.memory_space<hbm>>) target(%arg7 : memref<2x72xi32, #tpu.memory_space<vmem>>) target_semaphore(%run_scoped3A_62 : memref<!tpu.dma_semaphore, #tpu.memory_space<semaphore_mem>>)
      %dma_wait3A_71 = arith.constant 0 : i32
      %dma_wait3A_72 = arith.constant 0 : i32
      %dma_wait3A_73 = tpu.memref_slice %arg4[%add3A, %run_scoped3A_27, %dma_wait3A_71, %dma_wait3A_72] : memref<32x140x2x72xi32, #tpu.memory_space<hbm>> -> memref<1x1x2x72xi32, #tpu.memory_space<hbm>>
      %dma_wait3A_74 = tpu.memref_squeeze %dma_wait3A_73 : memref<1x1x2x72xi32, #tpu.memory_space<hbm>> -> memref<2x72xi32, #tpu.memory_space<hbm>>
      %dma_wait3A_75 = arith.constant 0 : i32
      %dma_wait3A_76 = arith.constant 0 : i32
      %dma_wait3A_77 = tpu.memref_slice %arg4[%add3A, %run_scoped3A_27, %dma_wait3A_75, %dma_wait3A_76] : memref<32x140x2x72xi32, #tpu.memory_space<hbm>> -> memref<1x1x2x72xi32, #tpu.memory_space<hbm>>
      %dma_wait3A_78 = tpu.memref_squeeze %dma_wait3A_77 : memref<1x1x2x72xi32, #tpu.memory_space<hbm>> -> memref<2x72xi32, #tpu.memory_space<hbm>>
      tpu.wait_dma2 semaphore(%run_scoped3A_62 : memref<!tpu.dma_semaphore, #tpu.memory_space<semaphore_mem>>) src(%dma_wait3A_78 : memref<2x72xi32, #tpu.memory_space<hbm>>) dst(%arg7 : memref<2x72xi32, #tpu.memory_space<vmem>>)
      tpu.yield
    }) : () -> ()
    %dma_start3A = arith.constant 0 : i32
    %dma_start3A_28 = arith.constant 0 : i32
    %dma_start3A_29 = tpu.memref_slice %arg7[%dma_start3A, %dma_start3A_28] : memref<2x72xi32, #tpu.memory_space<vmem>> -> memref<1x72xi32, #tpu.memory_space<vmem>>
    %dma_start3A_30 = tpu.memref_squeeze %dma_start3A_29 : memref<1x72xi32, #tpu.memory_space<vmem>> -> memref<72xi32, #tpu.memory_space<vmem>>
    %dma_start3A_31 = arith.constant 0 : i32
    %dma_start3A_32 = arith.constant 0 : i32
    %dma_start3A_33 = tpu.memref_slice %arg2[%dma_start3A_31, %dma_start3A_32] : memref<10112x128xf32, #tpu.memory_space<hbm>> -> memref<10112x128xf32, #tpu.memory_space<hbm>>
    tpu.enqueue_indirect_dma source(%dma_start3A_33 : memref<10112x128xf32, #tpu.memory_space<hbm>>) target(%arg9 : memref<72x128xf32, #tpu.memory_space<vmem>>) offsets(%dma_start3A_30 : memref<72xi32, #tpu.memory_space<vmem>>) semaphore(%arg16 : memref<!tpu.dma_semaphore, #tpu.memory_space<semaphore_mem>>)
    %dma_start3A_34 = arith.constant 1 : i32
    %dma_start3A_35 = arith.constant 0 : i32
    %dma_start3A_36 = tpu.memref_slice %arg7[%dma_start3A_34, %dma_start3A_35] : memref<2x72xi32, #tpu.memory_space<vmem>> -> memref<1x72xi32, #tpu.memory_space<vmem>>
    %dma_start3A_37 = tpu.memref_squeeze %dma_start3A_36 : memref<1x72xi32, #tpu.memory_space<vmem>> -> memref<72xi32, #tpu.memory_space<vmem>>
    %dma_start3A_38 = arith.constant 0 : i32
    %dma_start3A_39 = arith.constant 0 : i32
    %dma_start3A_40 = tpu.memref_slice %arg3[%dma_start3A_38, %dma_start3A_39] : memref<10112x128xf32, #tpu.memory_space<hbm>> -> memref<10112x128xf32, #tpu.memory_space<hbm>>
    tpu.enqueue_indirect_dma source(%dma_start3A_40 : memref<10112x128xf32, #tpu.memory_space<hbm>>) target(%arg10 : memref<72x128xf32, #tpu.memory_space<vmem>>) offsets(%dma_start3A_37 : memref<72xi32, #tpu.memory_space<vmem>>) semaphore(%arg16 : memref<!tpu.dma_semaphore, #tpu.memory_space<semaphore_mem>>)
    %scan3A_41 = arith.constant 0 : i32
    %scan3A_42 = arith.constant 0 : i32
    %scan3A_43 = arith.constant 70 : i32
    %scan3A_44 = arith.addi %scan3A_42, %scan3A_43 : i32
    %scan3A_45 = arith.constant 1 : i32
    %scan3A_46 = scf.for %scan3A_62 = %scan3A_42 to %scan3A_44 step %scan3A_45 iter_args(%scan3A_63 = %scan3A_41) -> (i32)  : i32 {
      %mul3A_64 = arith.constant 2 : i32
      %mul3A_65 = arith.muli %mul3A_64, %scan3A_62 : i32
      %add3A_66 = arith.constant 1 : i32
      %add3A_67 = arith.addi %mul3A_65, %add3A_66 : i32
      "tpu.region"() ({
        %run_scoped3A_149 = tpu.sem_alloc : memref<!tpu.dma_semaphore, #tpu.memory_space<semaphore_mem>>
        %dma_start3A_150 = arith.constant 0 : i32
        %dma_start3A_151 = arith.constant 0 : i32
        %dma_start3A_152 = tpu.memref_slice %arg4[%add3A, %add3A_67, %dma_start3A_150, %dma_start3A_151] : memref<32x140x2x72xi32, #tpu.memory_space<hbm>> -> memref<1x1x2x72xi32, #tpu.memory_space<hbm>>
        %dma_start3A_153 = tpu.memref_squeeze %dma_start3A_152 : memref<1x1x2x72xi32, #tpu.memory_space<hbm>> -> memref<2x72xi32, #tpu.memory_space<hbm>>
        %dma_start3A_154 = arith.constant 0 : i32
        %dma_start3A_155 = arith.constant 0 : i32
        %dma_start3A_156 = tpu.memref_slice %arg4[%add3A, %add3A_67, %dma_start3A_154, %dma_start3A_155] : memref<32x140x2x72xi32, #tpu.memory_space<hbm>> -> memref<1x1x2x72xi32, #tpu.memory_space<hbm>>
        %dma_start3A_157 = tpu.memref_squeeze %dma_start3A_156 : memref<1x1x2x72xi32, #tpu.memory_space<hbm>> -> memref<2x72xi32, #tpu.memory_space<hbm>>
        tpu.enqueue_dma source(%dma_start3A_157 : memref<2x72xi32, #tpu.memory_space<hbm>>) target(%arg8 : memref<2x72xi32, #tpu.memory_space<vmem>>) target_semaphore(%run_scoped3A_149 : memref<!tpu.dma_semaphore, #tpu.memory_space<semaphore_mem>>)
        %dma_wait3A_158 = arith.constant 0 : i32
        %dma_wait3A_159 = arith.constant 0 : i32
        %dma_wait3A_160 = tpu.memref_slice %arg4[%add3A, %add3A_67, %dma_wait3A_158, %dma_wait3A_159] : memref<32x140x2x72xi32, #tpu.memory_space<hbm>> -> memref<1x1x2x72xi32, #tpu.memory_space<hbm>>
        %dma_wait3A_161 = tpu.memref_squeeze %dma_wait3A_160 : memref<1x1x2x72xi32, #tpu.memory_space<hbm>> -> memref<2x72xi32, #tpu.memory_space<hbm>>
        %dma_wait3A_162 = arith.constant 0 : i32
        %dma_wait3A_163 = arith.constant 0 : i32
        %dma_wait3A_164 = tpu.memref_slice %arg4[%add3A, %add3A_67, %dma_wait3A_162, %dma_wait3A_163] : memref<32x140x2x72xi32, #tpu.memory_space<hbm>> -> memref<1x1x2x72xi32, #tpu.memory_space<hbm>>
        %dma_wait3A_165 = tpu.memref_squeeze %dma_wait3A_164 : memref<1x1x2x72xi32, #tpu.memory_space<hbm>> -> memref<2x72xi32, #tpu.memory_space<hbm>>
        tpu.wait_dma2 semaphore(%run_scoped3A_149 : memref<!tpu.dma_semaphore, #tpu.memory_space<semaphore_mem>>) src(%dma_wait3A_165 : memref<2x72xi32, #tpu.memory_space<hbm>>) dst(%arg8 : memref<2x72xi32, #tpu.memory_space<vmem>>)
        tpu.yield
      }) : () -> ()
      %dma_start3A_68 = arith.constant 0 : i32
      %dma_start3A_69 = arith.constant 0 : i32
      %dma_start3A_70 = tpu.memref_slice %arg8[%dma_start3A_68, %dma_start3A_69] : memref<2x72xi32, #tpu.memory_space<vmem>> -> memref<1x72xi32, #tpu.memory_space<vmem>>
      %dma_start3A_71 = tpu.memref_squeeze %dma_start3A_70 : memref<1x72xi32, #tpu.memory_space<vmem>> -> memref<72xi32, #tpu.memory_space<vmem>>
      %dma_start3A_72 = arith.constant 0 : i32
      %dma_start3A_73 = arith.constant 0 : i32
      %dma_start3A_74 = tpu.memref_slice %arg2[%dma_start3A_72, %dma_start3A_73] : memref<10112x128xf32, #tpu.memory_space<hbm>> -> memref<10112x128xf32, #tpu.memory_space<hbm>>
      tpu.enqueue_indirect_dma source(%dma_start3A_74 : memref<10112x128xf32, #tpu.memory_space<hbm>>) target(%arg11 : memref<72x128xf32, #tpu.memory_space<vmem>>) offsets(%dma_start3A_71 : memref<72xi32, #tpu.memory_space<vmem>>) semaphore(%arg17 : memref<!tpu.dma_semaphore, #tpu.memory_space<semaphore_mem>>)
      %dma_start3A_75 = arith.constant 1 : i32
      %dma_start3A_76 = arith.constant 0 : i32
      %dma_start3A_77 = tpu.memref_slice %arg8[%dma_start3A_75, %dma_start3A_76] : memref<2x72xi32, #tpu.memory_space<vmem>> -> memref<1x72xi32, #tpu.memory_space<vmem>>
      %dma_start3A_78 = tpu.memref_squeeze %dma_start3A_77 : memref<1x72xi32, #tpu.memory_space<vmem>> -> memref<72xi32, #tpu.memory_space<vmem>>
      %dma_start3A_79 = arith.constant 0 : i32
      %dma_start3A_80 = arith.constant 0 : i32
      %dma_start3A_81 = tpu.memref_slice %arg3[%dma_start3A_79, %dma_start3A_80] : memref<10112x128xf32, #tpu.memory_space<hbm>> -> memref<10112x128xf32, #tpu.memory_space<hbm>>
      tpu.enqueue_indirect_dma source(%dma_start3A_81 : memref<10112x128xf32, #tpu.memory_space<hbm>>) target(%arg12 : memref<72x128xf32, #tpu.memory_space<vmem>>) offsets(%dma_start3A_78 : memref<72xi32, #tpu.memory_space<vmem>>) semaphore(%arg17 : memref<!tpu.dma_semaphore, #tpu.memory_space<semaphore_mem>>)
      %dma_wait3A_82 = arith.constant 0 : i32
      %dma_wait3A_83 = arith.constant 0 : i32
      %dma_wait3A_84 = tpu.memref_slice %arg7[%dma_wait3A_82, %dma_wait3A_83] : memref<2x72xi32, #tpu.memory_space<vmem>> -> memref<1x72xi32, #tpu.memory_space<vmem>>
      %dma_wait3A_85 = tpu.memref_squeeze %dma_wait3A_84 : memref<1x72xi32, #tpu.memory_space<vmem>> -> memref<72xi32, #tpu.memory_space<vmem>>
      %dma_wait3A_86 = arith.constant 0 : i32
      %dma_wait3A_87 = arith.constant 0 : i32
      %dma_wait3A_88 = tpu.memref_slice %arg2[%dma_wait3A_86, %dma_wait3A_87] : memref<10112x128xf32, #tpu.memory_space<hbm>> -> memref<10112x128xf32, #tpu.memory_space<hbm>>
      tpu.wait_indirect_dma semaphore(%arg16 : memref<!tpu.dma_semaphore, #tpu.memory_space<semaphore_mem>>) src(%dma_wait3A_88 : memref<10112x128xf32, #tpu.memory_space<hbm>>) dst(%arg9 : memref<72x128xf32, #tpu.memory_space<vmem>>)
      %dma_wait3A_89 = arith.constant 1 : i32
      %dma_wait3A_90 = arith.constant 0 : i32
      %dma_wait3A_91 = tpu.memref_slice %arg7[%dma_wait3A_89, %dma_wait3A_90] : memref<2x72xi32, #tpu.memory_space<vmem>> -> memref<1x72xi32, #tpu.memory_space<vmem>>
      %dma_wait3A_92 = tpu.memref_squeeze %dma_wait3A_91 : memref<1x72xi32, #tpu.memory_space<vmem>> -> memref<72xi32, #tpu.memory_space<vmem>>
      %dma_wait3A_93 = arith.constant 0 : i32
      %dma_wait3A_94 = arith.constant 0 : i32
      %dma_wait3A_95 = tpu.memref_slice %arg3[%dma_wait3A_93, %dma_wait3A_94] : memref<10112x128xf32, #tpu.memory_space<hbm>> -> memref<10112x128xf32, #tpu.memory_space<hbm>>
      tpu.wait_indirect_dma semaphore(%arg16 : memref<!tpu.dma_semaphore, #tpu.memory_space<semaphore_mem>>) src(%dma_wait3A_95 : memref<10112x128xf32, #tpu.memory_space<hbm>>) dst(%arg10 : memref<72x128xf32, #tpu.memory_space<vmem>>)
      %get3A = arith.constant 0 : index
      %get3A_96 = tpu.vector_load %arg14[%get3A] {strides = array<i32>} : memref<16xf32, #tpu.memory_space<vmem>>, vector<16xf32>,
      %get3A_97 = vector.shape_cast %get3A_96 : vector<16xf32> to vector<16xf32>
      %scan3A_98 = arith.constant 0 : i32
      %scan3A_99 = arith.constant 0 : i32
      %scan3A_100 = arith.constant 72 : i32
      %scan3A_101 = arith.addi %scan3A_99, %scan3A_100 : i32
      %scan3A_102 = arith.constant 1 : i32
      %scan3A_103 = scf.for %scan3A_149 = %scan3A_99 to %scan3A_101 step %scan3A_102 iter_args(%scan3A_150 = %scan3A_98) -> (i32)  : i32 {
        %get3A_151 = arith.index_cast %scan3A_149 : i32 to index
        %get3A_152 = arith.constant 64 : index
        %get3A_153 = tpu.vector_load %arg9[%get3A_151, %get3A_152] {strides = array<i32>} : memref<72x128xf32, #tpu.memory_space<vmem>>, vector<1x16xf32>,
        %get3A_154 = vector.shape_cast %get3A_153 : vector<1x16xf32> to vector<16xf32>
        %get3A_155 = arith.index_cast %scan3A_149 : i32 to index
        %get3A_156 = arith.constant 0 : index
        %get3A_157 = tpu.vector_load %arg10[%get3A_155, %get3A_156] {strides = array<i32>} : memref<72x128xf32, #tpu.memory_space<vmem>>, vector<1x16xf32>,
        %get3A_158 = vector.shape_cast %get3A_157 : vector<1x16xf32> to vector<16xf32>
        %add3A_159 = arith.addf %get3A_154, %get3A_158 : vector<16xf32>
        %mul3A_160 = arith.constant 2.000000e-01 : f32
        %mul3A_161 = vector.broadcast %mul3A_160 : f32 to vector<16xf32>
        %mul3A_162 = arith.mulf %mul3A_161, %add3A_159 : vector<16xf32>
        %max3A = arith.maximumf %add3A_159, %mul3A_162 : vector<16xf32>
        %sub3A = arith.subf %max3A, %get3A_97 : vector<16xf32>
        %exp3A = math.exp %sub3A : vector<16xf32>
        %get3A_163 = arith.index_cast %scan3A_149 : i32 to index
        %get3A_164 = arith.constant 0 : index
        %get3A_165 = tpu.vector_load %arg9[%get3A_163, %get3A_164] {strides = array<i32>} : memref<72x128xf32, #tpu.memory_space<vmem>>, vector<1x16xf32>,
        %get3A_166 = vector.shape_cast %get3A_165 : vector<1x16xf32> to vector<16xf32>
        %mul3A_167 = arith.mulf %get3A_166, %exp3A : vector<16xf32>
        %swap3A = arith.index_cast %scan3A_149 : i32 to index
        %swap3A_168 = arith.constant 0 : index
        %swap3A_169 = tpu.vector_load %arg13[%swap3A, %swap3A_168] {strides = array<i32>} : memref<72x128xf32, #tpu.memory_space<vmem>>, vector<1x16xf32>,
        %swap3A_170 = vector.shape_cast %swap3A_169 : vector<1x16xf32> to vector<16xf32>
        %swap3A_171 = vector.shape_cast %mul3A_167 : vector<16xf32> to vector<1x16xf32>
        tpu.vector_store %arg13[%swap3A, %swap3A_168], %swap3A_171 {strides = array<i32>} : memref<72x128xf32, #tpu.memory_space<vmem>>, vector<1x16xf32>,
        %get3A_172 = arith.index_cast %scan3A_149 : i32 to index
        %get3A_173 = arith.constant 16 : index
        %get3A_174 = tpu.vector_load %arg9[%get3A_172, %get3A_173] {strides = array<i32>} : memref<72x128xf32, #tpu.memory_space<vmem>>, vector<1x16xf32>,
        %get3A_175 = vector.shape_cast %get3A_174 : vector<1x16xf32> to vector<16xf32>
        %mul3A_176 = arith.mulf %get3A_175, %exp3A : vector<16xf32>
        %swap3A_177 = arith.index_cast %scan3A_149 : i32 to index
        %swap3A_178 = arith.constant 16 : index
        %swap3A_179 = tpu.vector_load %arg13[%swap3A_177, %swap3A_178] {strides = array<i32>} : memref<72x128xf32, #tpu.memory_space<vmem>>, vector<1x16xf32>,
        %swap3A_180 = vector.shape_cast %swap3A_179 : vector<1x16xf32> to vector<16xf32>
        %swap3A_181 = vector.shape_cast %mul3A_176 : vector<16xf32> to vector<1x16xf32>
        tpu.vector_store %arg13[%swap3A_177, %swap3A_178], %swap3A_181 {strides = array<i32>} : memref<72x128xf32, #tpu.memory_space<vmem>>, vector<1x16xf32>,
        %get3A_182 = arith.index_cast %scan3A_149 : i32 to index
        %get3A_183 = arith.constant 32 : index
        %get3A_184 = tpu.vector_load %arg9[%get3A_182, %get3A_183] {strides = array<i32>} : memref<72x128xf32, #tpu.memory_space<vmem>>, vector<1x16xf32>,
        %get3A_185 = vector.shape_cast %get3A_184 : vector<1x16xf32> to vector<16xf32>
        %mul3A_186 = arith.mulf %get3A_185, %exp3A : vector<16xf32>
        %swap3A_187 = arith.index_cast %scan3A_149 : i32 to index
        %swap3A_188 = arith.constant 32 : index
        %swap3A_189 = tpu.vector_load %arg13[%swap3A_187, %swap3A_188] {strides = array<i32>} : memref<72x128xf32, #tpu.memory_space<vmem>>, vector<1x16xf32>,
        %swap3A_190 = vector.shape_cast %swap3A_189 : vector<1x16xf32> to vector<16xf32>
        %swap3A_191 = vector.shape_cast %mul3A_186 : vector<16xf32> to vector<1x16xf32>
        tpu.vector_store %arg13[%swap3A_187, %swap3A_188], %swap3A_191 {strides = array<i32>} : memref<72x128xf32, #tpu.memory_space<vmem>>, vector<1x16xf32>,
        %get3A_192 = arith.index_cast %scan3A_149 : i32 to index
        %get3A_193 = arith.constant 48 : index
        %get3A_194 = tpu.vector_load %arg9[%get3A_192, %get3A_193] {strides = array<i32>} : memref<72x128xf32, #tpu.memory_space<vmem>>, vector<1x16xf32>,
        %get3A_195 = vector.shape_cast %get3A_194 : vector<1x16xf32> to vector<16xf32>
        %mul3A_196 = arith.mulf %get3A_195, %exp3A : vector<16xf32>
        %swap3A_197 = arith.index_cast %scan3A_149 : i32 to index
        %swap3A_198 = arith.constant 48 : index
        %swap3A_199 = tpu.vector_load %arg13[%swap3A_197, %swap3A_198] {strides = array<i32>} : memref<72x128xf32, #tpu.memory_space<vmem>>, vector<1x16xf32>,
        %swap3A_200 = vector.shape_cast %swap3A_199 : vector<1x16xf32> to vector<16xf32>
        %swap3A_201 = vector.shape_cast %mul3A_196 : vector<16xf32> to vector<1x16xf32>
        tpu.vector_store %arg13[%swap3A_197, %swap3A_198], %swap3A_201 {strides = array<i32>} : memref<72x128xf32, #tpu.memory_space<vmem>>, vector<1x16xf32>,
        %swap3A_202 = arith.index_cast %scan3A_149 : i32 to index
        %swap3A_203 = arith.constant 64 : index
        %swap3A_204 = tpu.vector_load %arg13[%swap3A_202, %swap3A_203] {strides = array<i32>} : memref<72x128xf32, #tpu.memory_space<vmem>>, vector<1x16xf32>,
        %swap3A_205 = vector.shape_cast %swap3A_204 : vector<1x16xf32> to vector<16xf32>
        %swap3A_206 = vector.shape_cast %exp3A : vector<16xf32> to vector<1x16xf32>
        tpu.vector_store %arg13[%swap3A_202, %swap3A_203], %swap3A_206 {strides = array<i32>} : memref<72x128xf32, #tpu.memory_space<vmem>>, vector<1x16xf32>,
        %scan3A_207 = arith.constant 0 : i32
        scf.yield %scan3A_207 : i32
      }
      %scan3A_104 = arith.constant 72 : i32
      %run_scoped3A_105 = arith.constant 1 : i32
      "tpu.region"() ({
        %run_scoped3A_149 = tpu.sem_alloc : memref<!tpu.dma_semaphore, #tpu.memory_space<semaphore_mem>>
        %dma_start3A_150 = arith.constant 0 : i32
        %dma_start3A_151 = tpu.memref_slice %arg7[%run_scoped3A_105, %dma_start3A_150] : memref<2x72xi32, #tpu.memory_space<vmem>> -> memref<1x72xi32, #tpu.memory_space<vmem>>
        %dma_start3A_152 = tpu.memref_squeeze %dma_start3A_151 : memref<1x72xi32, #tpu.memory_space<vmem>> -> memref<72xi32, #tpu.memory_space<vmem>>
        %dma_start3A_153 = arith.constant 0 : i32
        %dma_start3A_154 = arith.constant 0 : i32
        %dma_start3A_155 = tpu.memref_slice %arg15[%dma_start3A_153, %dma_start3A_154] : memref<10112x128xf32, #tpu.memory_space<vmem_shared>> -> memref<10112x128xf32, #tpu.memory_space<vmem_shared>>
        tpu.enqueue_indirect_dma source(%arg13 : memref<72x128xf32, #tpu.memory_space<vmem>>) target(%dma_start3A_155 : memref<10112x128xf32, #tpu.memory_space<vmem_shared>>) offsets(%dma_start3A_152 : memref<72xi32, #tpu.memory_space<vmem>>) semaphore(%run_scoped3A_149 : memref<!tpu.dma_semaphore, #tpu.memory_space<semaphore_mem>>) {add = true}
        %dma_wait3A_156 = arith.constant 0 : i32
        %dma_wait3A_157 = tpu.memref_slice %arg7[%run_scoped3A_105, %dma_wait3A_156] : memref<2x72xi32, #tpu.memory_space<vmem>> -> memref<1x72xi32, #tpu.memory_space<vmem>>
        %dma_wait3A_158 = tpu.memref_squeeze %dma_wait3A_157 : memref<1x72xi32, #tpu.memory_space<vmem>> -> memref<72xi32, #tpu.memory_space<vmem>>
        %dma_wait3A_159 = arith.constant 0 : i32
        %dma_wait3A_160 = arith.constant 0 : i32
        %dma_wait3A_161 = tpu.memref_slice %arg15[%dma_wait3A_159, %dma_wait3A_160] : memref<10112x128xf32, #tpu.memory_space<vmem_shared>> -> memref<10112x128xf32, #tpu.memory_space<vmem_shared>>
        tpu.wait_indirect_dma semaphore(%run_scoped3A_149 : memref<!tpu.dma_semaphore, #tpu.memory_space<semaphore_mem>>) src(%arg13 : memref<72x128xf32, #tpu.memory_space<vmem>>) dst(%dma_wait3A_161 : memref<10112x128xf32, #tpu.memory_space<vmem_shared>>)
        tpu.yield
      }) : () -> ()
      %add3A_106 = arith.constant 2 : i32
      %add3A_107 = arith.addi %mul3A_65, %add3A_106 : i32
      %min3A = arith.constant 139 : i32
      %min3A_108 = arith.minsi %add3A_107, %min3A : i32
      "tpu.region"() ({
        %run_scoped3A_149 = tpu.sem_alloc : memref<!tpu.dma_semaphore, #tpu.memory_space<semaphore_mem>>
        %dma_start3A_150 = arith.constant 0 : i32
        %dma_start3A_151 = arith.constant 0 : i32
        %dma_start3A_152 = tpu.memref_slice %arg4[%add3A, %min3A_108, %dma_start3A_150, %dma_start3A_151] : memref<32x140x2x72xi32, #tpu.memory_space<hbm>> -> memref<1x1x2x72xi32, #tpu.memory_space<hbm>>
        %dma_start3A_153 = tpu.memref_squeeze %dma_start3A_152 : memref<1x1x2x72xi32, #tpu.memory_space<hbm>> -> memref<2x72xi32, #tpu.memory_space<hbm>>
        %dma_start3A_154 = arith.constant 0 : i32
        %dma_start3A_155 = arith.constant 0 : i32
        %dma_start3A_156 = tpu.memref_slice %arg4[%add3A, %min3A_108, %dma_start3A_154, %dma_start3A_155] : memref<32x140x2x72xi32, #tpu.memory_space<hbm>> -> memref<1x1x2x72xi32, #tpu.memory_space<hbm>>
        %dma_start3A_157 = tpu.memref_squeeze %dma_start3A_156 : memref<1x1x2x72xi32, #tpu.memory_space<hbm>> -> memref<2x72xi32, #tpu.memory_space<hbm>>
        tpu.enqueue_dma source(%dma_start3A_157 : memref<2x72xi32, #tpu.memory_space<hbm>>) target(%arg7 : memref<2x72xi32, #tpu.memory_space<vmem>>) target_semaphore(%run_scoped3A_149 : memref<!tpu.dma_semaphore, #tpu.memory_space<semaphore_mem>>)
        %dma_wait3A_158 = arith.constant 0 : i32
        %dma_wait3A_159 = arith.constant 0 : i32
        %dma_wait3A_160 = tpu.memref_slice %arg4[%add3A, %min3A_108, %dma_wait3A_158, %dma_wait3A_159] : memref<32x140x2x72xi32, #tpu.memory_space<hbm>> -> memref<1x1x2x72xi32, #tpu.memory_space<hbm>>
        %dma_wait3A_161 = tpu.memref_squeeze %dma_wait3A_160 : memref<1x1x2x72xi32, #tpu.memory_space<hbm>> -> memref<2x72xi32, #tpu.memory_space<hbm>>
        %dma_wait3A_162 = arith.constant 0 : i32
        %dma_wait3A_163 = arith.constant 0 : i32
        %dma_wait3A_164 = tpu.memref_slice %arg4[%add3A, %min3A_108, %dma_wait3A_162, %dma_wait3A_163] : memref<32x140x2x72xi32, #tpu.memory_space<hbm>> -> memref<1x1x2x72xi32, #tpu.memory_space<hbm>>
        %dma_wait3A_165 = tpu.memref_squeeze %dma_wait3A_164 : memref<1x1x2x72xi32, #tpu.memory_space<hbm>> -> memref<2x72xi32, #tpu.memory_space<hbm>>
        tpu.wait_dma2 semaphore(%run_scoped3A_149 : memref<!tpu.dma_semaphore, #tpu.memory_space<semaphore_mem>>) src(%dma_wait3A_165 : memref<2x72xi32, #tpu.memory_space<hbm>>) dst(%arg7 : memref<2x72xi32, #tpu.memory_space<vmem>>)
        tpu.yield
      }) : () -> ()
      %dma_start3A_109 = arith.constant 0 : i32
      %dma_start3A_110 = arith.constant 0 : i32
      %dma_start3A_111 = tpu.memref_slice %arg7[%dma_start3A_109, %dma_start3A_110] : memref<2x72xi32, #tpu.memory_space<vmem>> -> memref<1x72xi32, #tpu.memory_space<vmem>>
      %dma_start3A_112 = tpu.memref_squeeze %dma_start3A_111 : memref<1x72xi32, #tpu.memory_space<vmem>> -> memref<72xi32, #tpu.memory_space<vmem>>
      %dma_start3A_113 = arith.constant 0 : i32
      %dma_start3A_114 = arith.constant 0 : i32
      %dma_start3A_115 = tpu.memref_slice %arg2[%dma_start3A_113, %dma_start3A_114] : memref<10112x128xf32, #tpu.memory_space<hbm>> -> memref<10112x128xf32, #tpu.memory_space<hbm>>
      tpu.enqueue_indirect_dma source(%dma_start3A_115 : memref<10112x128xf32, #tpu.memory_space<hbm>>) target(%arg9 : memref<72x128xf32, #tpu.memory_space<vmem>>) offsets(%dma_start3A_112 : memref<72xi32, #tpu.memory_space<vmem>>) semaphore(%arg16 : memref<!tpu.dma_semaphore, #tpu.memory_space<semaphore_mem>>)
      %dma_start3A_116 = arith.constant 1 : i32
      %dma_start3A_117 = arith.constant 0 : i32
      %dma_start3A_118 = tpu.memref_slice %arg7[%dma_start3A_116, %dma_start3A_117] : memref<2x72xi32, #tpu.memory_space<vmem>> -> memref<1x72xi32, #tpu.memory_space<vmem>>
      %dma_start3A_119 = tpu.memref_squeeze %dma_start3A_118 : memref<1x72xi32, #tpu.memory_space<vmem>> -> memref<72xi32, #tpu.memory_space<vmem>>
      %dma_start3A_120 = arith.constant 0 : i32
      %dma_start3A_121 = arith.constant 0 : i32
      %dma_start3A_122 = tpu.memref_slice %arg3[%dma_start3A_120, %dma_start3A_121] : memref<10112x128xf32, #tpu.memory_space<hbm>> -> memref<10112x128xf32, #tpu.memory_space<hbm>>
      tpu.enqueue_indirect_dma source(%dma_start3A_122 : memref<10112x128xf32, #tpu.memory_space<hbm>>) target(%arg10 : memref<72x128xf32, #tpu.memory_space<vmem>>) offsets(%dma_start3A_119 : memref<72xi32, #tpu.memory_space<vmem>>) semaphore(%arg16 : memref<!tpu.dma_semaphore, #tpu.memory_space<semaphore_mem>>)
      %dma_wait3A_123 = arith.constant 0 : i32
      %dma_wait3A_124 = arith.constant 0 : i32
      %dma_wait3A_125 = tpu.memref_slice %arg8[%dma_wait3A_123, %dma_wait3A_124] : memref<2x72xi32, #tpu.memory_space<vmem>> -> memref<1x72xi32, #tpu.memory_space<vmem>>
      %dma_wait3A_126 = tpu.memref_squeeze %dma_wait3A_125 : memref<1x72xi32, #tpu.memory_space<vmem>> -> memref<72xi32, #tpu.memory_space<vmem>>
      %dma_wait3A_127 = arith.constant 0 : i32
      %dma_wait3A_128 = arith.constant 0 : i32
      %dma_wait3A_129 = tpu.memref_slice %arg2[%dma_wait3A_127, %dma_wait3A_128] : memref<10112x128xf32, #tpu.memory_space<hbm>> -> memref<10112x128xf32, #tpu.memory_space<hbm>>
      tpu.wait_indirect_dma semaphore(%arg17 : memref<!tpu.dma_semaphore, #tpu.memory_space<semaphore_mem>>) src(%dma_wait3A_129 : memref<10112x128xf32, #tpu.memory_space<hbm>>) dst(%arg11 : memref<72x128xf32, #tpu.memory_space<vmem>>)
      %dma_wait3A_130 = arith.constant 1 : i32
      %dma_wait3A_131 = arith.constant 0 : i32
      %dma_wait3A_132 = tpu.memref_slice %arg8[%dma_wait3A_130, %dma_wait3A_131] : memref<2x72xi32, #tpu.memory_space<vmem>> -> memref<1x72xi32, #tpu.memory_space<vmem>>
      %dma_wait3A_133 = tpu.memref_squeeze %dma_wait3A_132 : memref<1x72xi32, #tpu.memory_space<vmem>> -> memref<72xi32, #tpu.memory_space<vmem>>
      %dma_wait3A_134 = arith.constant 0 : i32
      %dma_wait3A_135 = arith.constant 0 : i32
      %dma_wait3A_136 = tpu.memref_slice %arg3[%dma_wait3A_134, %dma_wait3A_135] : memref<10112x128xf32, #tpu.memory_space<hbm>> -> memref<10112x128xf32, #tpu.memory_space<hbm>>
      tpu.wait_indirect_dma semaphore(%arg17 : memref<!tpu.dma_semaphore, #tpu.memory_space<semaphore_mem>>) src(%dma_wait3A_136 : memref<10112x128xf32, #tpu.memory_space<hbm>>) dst(%arg12 : memref<72x128xf32, #tpu.memory_space<vmem>>)
      %get3A_137 = arith.constant 0 : index
      %get3A_138 = tpu.vector_load %arg14[%get3A_137] {strides = array<i32>} : memref<16xf32, #tpu.memory_space<vmem>>, vector<16xf32>,
      %get3A_139 = vector.shape_cast %get3A_138 : vector<16xf32> to vector<16xf32>
      %scan3A_140 = arith.constant 0 : i32
      %scan3A_141 = arith.constant 0 : i32
      %scan3A_142 = arith.constant 72 : i32
      %scan3A_143 = arith.addi %scan3A_141, %scan3A_142 : i32
      %scan3A_144 = arith.constant 1 : i32
      %scan3A_145 = scf.for %scan3A_149 = %scan3A_141 to %scan3A_143 step %scan3A_144 iter_args(%scan3A_150 = %scan3A_140) -> (i32)  : i32 {
        %get3A_151 = arith.index_cast %scan3A_149 : i32 to index
        %get3A_152 = arith.constant 64 : index
        %get3A_153 = tpu.vector_load %arg11[%get3A_151, %get3A_152] {strides = array<i32>} : memref<72x128xf32, #tpu.memory_space<vmem>>, vector<1x16xf32>,
        %get3A_154 = vector.shape_cast %get3A_153 : vector<1x16xf32> to vector<16xf32>
        %get3A_155 = arith.index_cast %scan3A_149 : i32 to index
        %get3A_156 = arith.constant 0 : index
        %get3A_157 = tpu.vector_load %arg12[%get3A_155, %get3A_156] {strides = array<i32>} : memref<72x128xf32, #tpu.memory_space<vmem>>, vector<1x16xf32>,
        %get3A_158 = vector.shape_cast %get3A_157 : vector<1x16xf32> to vector<16xf32>
        %add3A_159 = arith.addf %get3A_154, %get3A_158 : vector<16xf32>
        %mul3A_160 = arith.constant 2.000000e-01 : f32
        %mul3A_161 = vector.broadcast %mul3A_160 : f32 to vector<16xf32>
        %mul3A_162 = arith.mulf %mul3A_161, %add3A_159 : vector<16xf32>
        %max3A = arith.maximumf %add3A_159, %mul3A_162 : vector<16xf32>
        %sub3A = arith.subf %max3A, %get3A_139 : vector<16xf32>
        %exp3A = math.exp %sub3A : vector<16xf32>
        %get3A_163 = arith.index_cast %scan3A_149 : i32 to index
        %get3A_164 = arith.constant 0 : index
        %get3A_165 = tpu.vector_load %arg11[%get3A_163, %get3A_164] {strides = array<i32>} : memref<72x128xf32, #tpu.memory_space<vmem>>, vector<1x16xf32>,
        %get3A_166 = vector.shape_cast %get3A_165 : vector<1x16xf32> to vector<16xf32>
        %mul3A_167 = arith.mulf %get3A_166, %exp3A : vector<16xf32>
        %swap3A = arith.index_cast %scan3A_149 : i32 to index
        %swap3A_168 = arith.constant 0 : index
        %swap3A_169 = tpu.vector_load %arg13[%swap3A, %swap3A_168] {strides = array<i32>} : memref<72x128xf32, #tpu.memory_space<vmem>>, vector<1x16xf32>,
        %swap3A_170 = vector.shape_cast %swap3A_169 : vector<1x16xf32> to vector<16xf32>
        %swap3A_171 = vector.shape_cast %mul3A_167 : vector<16xf32> to vector<1x16xf32>
        tpu.vector_store %arg13[%swap3A, %swap3A_168], %swap3A_171 {strides = array<i32>} : memref<72x128xf32, #tpu.memory_space<vmem>>, vector<1x16xf32>,
        %get3A_172 = arith.index_cast %scan3A_149 : i32 to index
        %get3A_173 = arith.constant 16 : index
        %get3A_174 = tpu.vector_load %arg11[%get3A_172, %get3A_173] {strides = array<i32>} : memref<72x128xf32, #tpu.memory_space<vmem>>, vector<1x16xf32>,
        %get3A_175 = vector.shape_cast %get3A_174 : vector<1x16xf32> to vector<16xf32>
        %mul3A_176 = arith.mulf %get3A_175, %exp3A : vector<16xf32>
        %swap3A_177 = arith.index_cast %scan3A_149 : i32 to index
        %swap3A_178 = arith.constant 16 : index
        %swap3A_179 = tpu.vector_load %arg13[%swap3A_177, %swap3A_178] {strides = array<i32>} : memref<72x128xf32, #tpu.memory_space<vmem>>, vector<1x16xf32>,
        %swap3A_180 = vector.shape_cast %swap3A_179 : vector<1x16xf32> to vector<16xf32>
        %swap3A_181 = vector.shape_cast %mul3A_176 : vector<16xf32> to vector<1x16xf32>
        tpu.vector_store %arg13[%swap3A_177, %swap3A_178], %swap3A_181 {strides = array<i32>} : memref<72x128xf32, #tpu.memory_space<vmem>>, vector<1x16xf32>,
        %get3A_182 = arith.index_cast %scan3A_149 : i32 to index
        %get3A_183 = arith.constant 32 : index
        %get3A_184 = tpu.vector_load %arg11[%get3A_182, %get3A_183] {strides = array<i32>} : memref<72x128xf32, #tpu.memory_space<vmem>>, vector<1x16xf32>,
        %get3A_185 = vector.shape_cast %get3A_184 : vector<1x16xf32> to vector<16xf32>
        %mul3A_186 = arith.mulf %get3A_185, %exp3A : vector<16xf32>
        %swap3A_187 = arith.index_cast %scan3A_149 : i32 to index
        %swap3A_188 = arith.constant 32 : index
        %swap3A_189 = tpu.vector_load %arg13[%swap3A_187, %swap3A_188] {strides = array<i32>} : memref<72x128xf32, #tpu.memory_space<vmem>>, vector<1x16xf32>,
        %swap3A_190 = vector.shape_cast %swap3A_189 : vector<1x16xf32> to vector<16xf32>
        %swap3A_191 = vector.shape_cast %mul3A_186 : vector<16xf32> to vector<1x16xf32>
        tpu.vector_store %arg13[%swap3A_187, %swap3A_188], %swap3A_191 {strides = array<i32>} : memref<72x128xf32, #tpu.memory_space<vmem>>, vector<1x16xf32>,
        %get3A_192 = arith.index_cast %scan3A_149 : i32 to index
        %get3A_193 = arith.constant 48 : index
        %get3A_194 = tpu.vector_load %arg11[%get3A_192, %get3A_193] {strides = array<i32>} : memref<72x128xf32, #tpu.memory_space<vmem>>, vector<1x16xf32>,
        %get3A_195 = vector.shape_cast %get3A_194 : vector<1x16xf32> to vector<16xf32>
        %mul3A_196 = arith.mulf %get3A_195, %exp3A : vector<16xf32>
        %swap3A_197 = arith.index_cast %scan3A_149 : i32 to index
        %swap3A_198 = arith.constant 48 : index
        %swap3A_199 = tpu.vector_load %arg13[%swap3A_197, %swap3A_198] {strides = array<i32>} : memref<72x128xf32, #tpu.memory_space<vmem>>, vector<1x16xf32>,
        %swap3A_200 = vector.shape_cast %swap3A_199 : vector<1x16xf32> to vector<16xf32>
        %swap3A_201 = vector.shape_cast %mul3A_196 : vector<16xf32> to vector<1x16xf32>
        tpu.vector_store %arg13[%swap3A_197, %swap3A_198], %swap3A_201 {strides = array<i32>} : memref<72x128xf32, #tpu.memory_space<vmem>>, vector<1x16xf32>,
        %swap3A_202 = arith.index_cast %scan3A_149 : i32 to index
        %swap3A_203 = arith.constant 64 : index
        %swap3A_204 = tpu.vector_load %arg13[%swap3A_202, %swap3A_203] {strides = array<i32>} : memref<72x128xf32, #tpu.memory_space<vmem>>, vector<1x16xf32>,
        %swap3A_205 = vector.shape_cast %swap3A_204 : vector<1x16xf32> to vector<16xf32>
        %swap3A_206 = vector.shape_cast %exp3A : vector<16xf32> to vector<1x16xf32>
        tpu.vector_store %arg13[%swap3A_202, %swap3A_203], %swap3A_206 {strides = array<i32>} : memref<72x128xf32, #tpu.memory_space<vmem>>, vector<1x16xf32>,
        %scan3A_207 = arith.constant 0 : i32
        scf.yield %scan3A_207 : i32
      }
      %scan3A_146 = arith.constant 72 : i32
      %run_scoped3A_147 = arith.constant 1 : i32
      "tpu.region"() ({
        %run_scoped3A_149 = tpu.sem_alloc : memref<!tpu.dma_semaphore, #tpu.memory_space<semaphore_mem>>
        %dma_start3A_150 = arith.constant 0 : i32
        %dma_start3A_151 = tpu.memref_slice %arg8[%run_scoped3A_147, %dma_start3A_150] : memref<2x72xi32, #tpu.memory_space<vmem>> -> memref<1x72xi32, #tpu.memory_space<vmem>>
        %dma_start3A_152 = tpu.memref_squeeze %dma_start3A_151 : memref<1x72xi32, #tpu.memory_space<vmem>> -> memref<72xi32, #tpu.memory_space<vmem>>
        %dma_start3A_153 = arith.constant 0 : i32
        %dma_start3A_154 = arith.constant 0 : i32
        %dma_start3A_155 = tpu.memref_slice %arg15[%dma_start3A_153, %dma_start3A_154] : memref<10112x128xf32, #tpu.memory_space<vmem_shared>> -> memref<10112x128xf32, #tpu.memory_space<vmem_shared>>
        tpu.enqueue_indirect_dma source(%arg13 : memref<72x128xf32, #tpu.memory_space<vmem>>) target(%dma_start3A_155 : memref<10112x128xf32, #tpu.memory_space<vmem_shared>>) offsets(%dma_start3A_152 : memref<72xi32, #tpu.memory_space<vmem>>) semaphore(%run_scoped3A_149 : memref<!tpu.dma_semaphore, #tpu.memory_space<semaphore_mem>>) {add = true}
        %dma_wait3A_156 = arith.constant 0 : i32
        %dma_wait3A_157 = tpu.memref_slice %arg8[%run_scoped3A_147, %dma_wait3A_156] : memref<2x72xi32, #tpu.memory_space<vmem>> -> memref<1x72xi32, #tpu.memory_space<vmem>>
        %dma_wait3A_158 = tpu.memref_squeeze %dma_wait3A_157 : memref<1x72xi32, #tpu.memory_space<vmem>> -> memref<72xi32, #tpu.memory_space<vmem>>
        %dma_wait3A_159 = arith.constant 0 : i32
        %dma_wait3A_160 = arith.constant 0 : i32
        %dma_wait3A_161 = tpu.memref_slice %arg15[%dma_wait3A_159, %dma_wait3A_160] : memref<10112x128xf32, #tpu.memory_space<vmem_shared>> -> memref<10112x128xf32, #tpu.memory_space<vmem_shared>>
        tpu.wait_indirect_dma semaphore(%run_scoped3A_149 : memref<!tpu.dma_semaphore, #tpu.memory_space<semaphore_mem>>) src(%arg13 : memref<72x128xf32, #tpu.memory_space<vmem>>) dst(%dma_wait3A_161 : memref<10112x128xf32, #tpu.memory_space<vmem_shared>>)
        tpu.yield
      }) : () -> ()
      %scan3A_148 = arith.constant 0 : i32
      scf.yield %scan3A_148 : i32
    }
    %scan3A_47 = arith.constant 70 : i32
    %dma_wait3A = arith.constant 0 : i32
    %dma_wait3A_48 = arith.constant 0 : i32
    %dma_wait3A_49 = tpu.memref_slice %arg7[%dma_wait3A, %dma_wait3A_48] : memref<2x72xi32, #tpu.memory_space<vmem>> -> memref<1x72xi32, #tpu.memory_space<vmem>>
    %dma_wait3A_50 = tpu.memref_squeeze %dma_wait3A_49 : memref<1x72xi32, #tpu.memory_space<vmem>> -> memref<72xi32, #tpu.memory_space<vmem>>
    %dma_wait3A_51 = arith.constant 0 : i32
    %dma_wait3A_52 = arith.constant 0 : i32
    %dma_wait3A_53 = tpu.memref_slice %arg2[%dma_wait3A_51, %dma_wait3A_52] : memref<10112x128xf32, #tpu.memory_space<hbm>> -> memref<10112x128xf32, #tpu.memory_space<hbm>>
    tpu.wait_indirect_dma semaphore(%arg16 : memref<!tpu.dma_semaphore, #tpu.memory_space<semaphore_mem>>) src(%dma_wait3A_53 : memref<10112x128xf32, #tpu.memory_space<hbm>>) dst(%arg9 : memref<72x128xf32, #tpu.memory_space<vmem>>)
    %dma_wait3A_54 = arith.constant 1 : i32
    %dma_wait3A_55 = arith.constant 0 : i32
    %dma_wait3A_56 = tpu.memref_slice %arg7[%dma_wait3A_54, %dma_wait3A_55] : memref<2x72xi32, #tpu.memory_space<vmem>> -> memref<1x72xi32, #tpu.memory_space<vmem>>
    %dma_wait3A_57 = tpu.memref_squeeze %dma_wait3A_56 : memref<1x72xi32, #tpu.memory_space<vmem>> -> memref<72xi32, #tpu.memory_space<vmem>>
    %dma_wait3A_58 = arith.constant 0 : i32
    %dma_wait3A_59 = arith.constant 0 : i32
    %dma_wait3A_60 = tpu.memref_slice %arg3[%dma_wait3A_58, %dma_wait3A_59] : memref<10112x128xf32, #tpu.memory_space<hbm>> -> memref<10112x128xf32, #tpu.memory_space<hbm>>
    tpu.wait_indirect_dma semaphore(%arg16 : memref<!tpu.dma_semaphore, #tpu.memory_space<semaphore_mem>>) src(%dma_wait3A_60 : memref<10112x128xf32, #tpu.memory_space<hbm>>) dst(%arg10 : memref<72x128xf32, #tpu.memory_space<vmem>>)
    %barrier3A_61 = arith.constant 0 : index
    tpu.barrier barrier_id(%barrier3A_61)
    "tpu.region"() ({
      %run_scoped3A_62 = tpu.sem_alloc : memref<!tpu.dma_semaphore, #tpu.memory_space<semaphore_mem>>
      %dma_start3A_63 = arith.constant 0 : i32
      %dma_start3A_64 = tpu.memref_slice %arg6[%arg0, %mul3A_8, %dma_start3A_63] : memref<2x10112x128xf32, #tpu.memory_space<hbm>> -> memref<1x632x128xf32, #tpu.memory_space<hbm>>
      %dma_start3A_65 = tpu.memref_squeeze %dma_start3A_64 : memref<1x632x128xf32, #tpu.memory_space<hbm>> -> memref<632x128xf32, #tpu.memory_space<hbm>>
      %dma_start3A_66 = arith.constant 0 : i32
      %dma_start3A_67 = tpu.memref_slice %arg15[%mul3A_8, %dma_start3A_66] : memref<10112x128xf32, #tpu.memory_space<vmem_shared>> -> memref<632x128xf32, #tpu.memory_space<vmem_shared>>
      tpu.enqueue_dma source(%dma_start3A_67 : memref<632x128xf32, #tpu.memory_space<vmem_shared>>) target(%dma_start3A_65 : memref<632x128xf32, #tpu.memory_space<hbm>>) target_semaphore(%run_scoped3A_62 : memref<!tpu.dma_semaphore, #tpu.memory_space<semaphore_mem>>)
      %dma_wait3A_68 = arith.constant 0 : i32
      %dma_wait3A_69 = tpu.memref_slice %arg6[%arg0, %mul3A_8, %dma_wait3A_68] : memref<2x10112x128xf32, #tpu.memory_space<hbm>> -> memref<1x632x128xf32, #tpu.memory_space<hbm>>
      %dma_wait3A_70 = tpu.memref_squeeze %dma_wait3A_69 : memref<1x632x128xf32, #tpu.memory_space<hbm>> -> memref<632x128xf32, #tpu.memory_space<hbm>>
      %dma_wait3A_71 = arith.constant 0 : i32
      %dma_wait3A_72 = tpu.memref_slice %arg15[%mul3A_8, %dma_wait3A_71] : memref<10112x128xf32, #tpu.memory_space<vmem_shared>> -> memref<632x128xf32, #tpu.memory_space<vmem_shared>>
      tpu.wait_dma2 semaphore(%run_scoped3A_62 : memref<!tpu.dma_semaphore, #tpu.memory_space<semaphore_mem>>) src(%dma_wait3A_72 : memref<632x128xf32, #tpu.memory_space<vmem_shared>>) dst(%dma_wait3A_70 : memref<632x128xf32, #tpu.memory_space<hbm>>)
      tpu.yield
    }) : () -> ()
    return
  }
}

module attributes {stable_mosaic.version = 14 : i64} {
  func.func @_pre1_body(%arg0: memref<10000x128xf32, #tpu.memory_space<vmem>>, %arg1: memref<128x64xf32, #tpu.memory_space<vmem>>, %arg2: memref<64x8xf32, #tpu.memory_space<vmem>>, %arg3: memref<64x8xf32, #tpu.memory_space<vmem>>, %arg4: memref<10112x128xf32, #tpu.memory_space<vmem>>, %arg5: memref<10112x128xf32, #tpu.memory_space<vmem>>, %arg6: memref<1x16xf32, #tpu.memory_space<vmem>>) attributes {dimension_semantics = [], scalar_prefetch = 0 : i64, scratch_operands = 0 : i64, tpu.core_type = #tpu.core_type<tc>} {
    %get3A = arith.constant 0 : index
    %get3A_0 = arith.constant 0 : index
    %get3A_1 = vector.load %arg0[%get3A, %get3A_0] : memref<10000x128xf32, #tpu.memory_space<vmem>>, vector<10000x128xf32>
    %get3A_2 = arith.constant 0 : index
    %get3A_3 = arith.constant 0 : index
    %get3A_4 = vector.load %arg1[%get3A_2, %get3A_3] : memref<128x64xf32, #tpu.memory_space<vmem>>, vector<128x64xf32>
    %dot_general3A = arith.constant dense<0.000000e+00> : vector<10000x64xf32>
    %dot_general3A_5 = tpu.matmul %get3A_1, %get3A_4, %dot_general3A {dimension_numbers = #tpu.dot_dimension_numbers<[1], [0], [0], [1], [0, 0, 1, 1], [], []>, transpose_lhs_hint = false} : vector<10000x128xf32>, vector<128x64xf32>, vector<10000x64xf32> -> vector<10000x64xf32>
    %get3A_6 = arith.constant 0 : index
    %get3A_7 = arith.constant 0 : index
    %get3A_8 = vector.load %arg2[%get3A_6, %get3A_7] : memref<64x8xf32, #tpu.memory_space<vmem>>, vector<64x8xf32>
    %dot_general3A_9 = arith.constant dense<0.000000e+00> : vector<10000x8xf32>
    %dot_general3A_10 = tpu.matmul %dot_general3A_5, %get3A_8, %dot_general3A_9 {dimension_numbers = #tpu.dot_dimension_numbers<[1], [0], [0], [1], [0, 0, 1, 1], [], []>, transpose_lhs_hint = false} : vector<10000x64xf32>, vector<64x8xf32>, vector<10000x8xf32> -> vector<10000x8xf32>
    %get3A_11 = arith.constant 0 : index
    %get3A_12 = arith.constant 0 : index
    %get3A_13 = vector.load %arg3[%get3A_11, %get3A_12] : memref<64x8xf32, #tpu.memory_space<vmem>>, vector<64x8xf32>
    %dot_general3A_14 = arith.constant dense<0.000000e+00> : vector<10000x8xf32>
    %dot_general3A_15 = tpu.matmul %dot_general3A_5, %get3A_13, %dot_general3A_14 {dimension_numbers = #tpu.dot_dimension_numbers<[1], [0], [0], [1], [0, 0, 1, 1], [], []>, transpose_lhs_hint = false} : vector<10000x64xf32>, vector<64x8xf32>, vector<10000x8xf32> -> vector<10000x8xf32>
    %broadcast_in_dim3A = arith.constant 0.000000e+00 : f32
    %broadcast_in_dim3A_16 = vector.broadcast %broadcast_in_dim3A : f32 to vector<10000x48xf32>
    %concatenate3A = tpu.concatenate %dot_general3A_5, %dot_general3A_10, %dot_general3A_10, %broadcast_in_dim3A_16 in 1 : vector<10000x64xf32>, vector<10000x8xf32>, vector<10000x8xf32>, vector<10000x48xf32> -> vector<10000x128xf32>
    %swap3A = arith.constant 0 : index
    %swap3A_17 = arith.constant 0 : index
    %swap3A_18 = vector.load %arg4[%swap3A, %swap3A_17] : memref<10112x128xf32, #tpu.memory_space<vmem>>, vector<10000x128xf32>
    tpu.vector_store %arg4[%swap3A, %swap3A_17], %concatenate3A {strides = array<i32>} : memref<10112x128xf32, #tpu.memory_space<vmem>>, vector<10000x128xf32>,
    %broadcast_in_dim3A_19 = arith.constant 0.000000e+00 : f32
    %broadcast_in_dim3A_20 = vector.broadcast %broadcast_in_dim3A_19 : f32 to vector<112x128xf32>
    %swap3A_21 = arith.constant 10000 : index
    %swap3A_22 = arith.constant 0 : index
    %swap3A_23 = vector.load %arg4[%swap3A_21, %swap3A_22] : memref<10112x128xf32, #tpu.memory_space<vmem>>, vector<112x128xf32>
    tpu.vector_store %arg4[%swap3A_21, %swap3A_22], %broadcast_in_dim3A_20 {strides = array<i32>} : memref<10112x128xf32, #tpu.memory_space<vmem>>, vector<112x128xf32>,
    %broadcast_in_dim3A_24 = arith.constant 0.000000e+00 : f32
    %broadcast_in_dim3A_25 = vector.broadcast %broadcast_in_dim3A_24 : f32 to vector<10000x112xf32>
    %concatenate3A_26 = tpu.concatenate %dot_general3A_15, %dot_general3A_15, %broadcast_in_dim3A_25 in 1 : vector<10000x8xf32>, vector<10000x8xf32>, vector<10000x112xf32> -> vector<10000x128xf32>
    %swap3A_27 = arith.constant 0 : index
    %swap3A_28 = arith.constant 0 : index
    %swap3A_29 = vector.load %arg5[%swap3A_27, %swap3A_28] : memref<10112x128xf32, #tpu.memory_space<vmem>>, vector<10000x128xf32>
    tpu.vector_store %arg5[%swap3A_27, %swap3A_28], %concatenate3A_26 {strides = array<i32>} : memref<10112x128xf32, #tpu.memory_space<vmem>>, vector<10000x128xf32>,
    %broadcast_in_dim3A_30 = arith.constant 0.000000e+00 : f32
    %broadcast_in_dim3A_31 = vector.broadcast %broadcast_in_dim3A_30 : f32 to vector<112x128xf32>
    %swap3A_32 = arith.constant 10000 : index
    %swap3A_33 = arith.constant 0 : index
    %swap3A_34 = vector.load %arg5[%swap3A_32, %swap3A_33] : memref<10112x128xf32, #tpu.memory_space<vmem>>, vector<112x128xf32>
    tpu.vector_store %arg5[%swap3A_32, %swap3A_33], %broadcast_in_dim3A_31 {strides = array<i32>} : memref<10112x128xf32, #tpu.memory_space<vmem>>, vector<112x128xf32>,
    %reduce_max3A = arith.constant dense<0xFF800000> : vector<8xf32>
    %reduce_max3A_35 = vector.multi_reduction <maximumf>, %dot_general3A_10, %reduce_max3A [0] : vector<10000x8xf32> to vector<8xf32>
    %reduce_max3A_36 = arith.constant dense<0xFF800000> : vector<8xf32>
    %reduce_max3A_37 = vector.multi_reduction <maximumf>, %dot_general3A_15, %reduce_max3A_36 [0] : vector<10000x8xf32> to vector<8xf32>
    %add3A = arith.addf %reduce_max3A_35, %reduce_max3A_37 : vector<8xf32>
    %mul3A = arith.constant 2.000000e-01 : f32
    %mul3A_38 = vector.broadcast %mul3A : f32 to vector<8xf32>
    %mul3A_39 = arith.mulf %mul3A_38, %add3A : vector<8xf32>
    %max3A = arith.maximumf %add3A, %mul3A_39 : vector<8xf32>
    %concatenate3A_40 = tpu.concatenate %max3A, %max3A in 0 : vector<8xf32>, vector<8xf32> -> vector<16xf32>
    %broadcast_in_dim3A_41 = vector.shape_cast %concatenate3A_40 : vector<16xf32> to vector<1x16xf32>
    %swap3A_42 = arith.constant 0 : index
    %swap3A_43 = arith.constant 0 : index
    %swap3A_44 = vector.load %arg6[%swap3A_42, %swap3A_43] : memref<1x16xf32, #tpu.memory_space<vmem>>, vector<1x16xf32>
    tpu.vector_store %arg6[%swap3A_42, %swap3A_43], %broadcast_in_dim3A_41 {strides = array<i32>} : memref<1x16xf32, #tpu.memory_space<vmem>>, vector<1x16xf32>,
    return
  }
}

module attributes {stable_mosaic.version = 14 : i64} {
  func.func @_mid_body(%arg0: memref<20224x128xf32, #tpu.memory_space<vmem>>, %arg1: memref<10112x128xf32, #tpu.memory_space<vmem>>, %arg2: memref<10112x128xf32, #tpu.memory_space<vmem>>, %arg3: memref<1x16xf32, #tpu.memory_space<vmem>>, %arg4: memref<1x64xf32, #tpu.memory_space<vmem>>, %arg5: memref<64x16xf32, #tpu.memory_space<vmem>>, %arg6: memref<16x1xf32, #tpu.memory_space<vmem>>, %arg7: memref<16x1xf32, #tpu.memory_space<vmem>>, %arg8: memref<8x64xf32, #tpu.memory_space<vmem>>, %arg9: memref<10112x128xf32, #tpu.memory_space<vmem>>, %arg10: memref<10112x128xf32, #tpu.memory_space<vmem>>, %arg11: memref<1x16xf32, #tpu.memory_space<vmem>>) attributes {dimension_semantics = [], scalar_prefetch = 0 : i64, scratch_operands = 0 : i64, tpu.core_type = #tpu.core_type<tc>} {
    %get3A = arith.constant 0 : index
    %get3A_0 = arith.constant 0 : index
    %get3A_1 = vector.load %arg8[%get3A, %get3A_0] : memref<8x64xf32, #tpu.memory_space<vmem>>, vector<8x64xf32>
    %get3A_2 = arith.constant 0 : index
    %get3A_3 = arith.constant 0 : index
    %get3A_4 = vector.load %arg0[%get3A_2, %get3A_3] : memref<20224x128xf32, #tpu.memory_space<vmem>>, vector<10112x64xf32>
    %get3A_5 = arith.constant 10112 : index
    %get3A_6 = arith.constant 0 : index
    %get3A_7 = vector.load %arg0[%get3A_5, %get3A_6] : memref<20224x128xf32, #tpu.memory_space<vmem>>, vector<10112x64xf32>
    %add3A = arith.addf %get3A_4, %get3A_7 : vector<10112x64xf32>
    %get3A_8 = arith.constant 0 : index
    %get3A_9 = arith.constant 64 : index
    %get3A_10 = vector.load %arg0[%get3A_8, %get3A_9] : memref<20224x128xf32, #tpu.memory_space<vmem>>, vector<10112x8xf32>
    %get3A_11 = arith.constant 10112 : index
    %get3A_12 = arith.constant 64 : index
    %get3A_13 = vector.load %arg0[%get3A_11, %get3A_12] : memref<20224x128xf32, #tpu.memory_space<vmem>>, vector<10112x8xf32>
    %add3A_14 = arith.addf %get3A_10, %get3A_13 : vector<10112x8xf32>
    %get3A_15 = arith.constant 0 : index
    %get3A_16 = arith.constant 0 : index
    %get3A_17 = vector.load %arg1[%get3A_15, %get3A_16] : memref<10112x128xf32, #tpu.memory_space<vmem>>, vector<10112x64xf32>
    %get3A_18 = arith.constant 0 : index
    %get3A_19 = arith.constant 64 : index
    %get3A_20 = vector.load %arg1[%get3A_18, %get3A_19] : memref<10112x128xf32, #tpu.memory_space<vmem>>, vector<10112x8xf32>
    %get3A_21 = arith.constant 0 : index
    %get3A_22 = arith.constant 0 : index
    %get3A_23 = vector.load %arg2[%get3A_21, %get3A_22] : memref<10112x128xf32, #tpu.memory_space<vmem>>, vector<10112x8xf32>
    %get3A_24 = arith.constant 0 : index
    %get3A_25 = arith.constant 0 : index
    %get3A_26 = vector.load %arg3[%get3A_24, %get3A_25] : memref<1x16xf32, #tpu.memory_space<vmem>>, vector<1x8xf32>
    %add3A_27 = arith.addf %get3A_20, %get3A_23 : vector<10112x8xf32>
    %mul3A = arith.constant 2.000000e-01 : f32
    %mul3A_28 = vector.broadcast %mul3A : f32 to vector<10112x8xf32>
    %mul3A_29 = arith.mulf %mul3A_28, %add3A_27 : vector<10112x8xf32>
    %max3A = arith.maximumf %add3A_27, %mul3A_29 : vector<10112x8xf32>
    %sub3A = vector.broadcast %get3A_26 : vector<1x8xf32> to vector<10112x8xf32>
    %sub3A_30 = arith.subf %max3A, %sub3A : vector<10112x8xf32>
    %exp3A = math.exp %sub3A_30 : vector<10112x8xf32>
    %dot_general3A = arith.constant dense<0.000000e+00> : vector<10112x64xf32>
    %dot_general3A_31 = tpu.matmul %exp3A, %get3A_1, %dot_general3A {dimension_numbers = #tpu.dot_dimension_numbers<[1], [0], [0], [1], [0, 0, 1, 1], [], []>, transpose_lhs_hint = false} : vector<10112x8xf32>, vector<8x64xf32>, vector<10112x64xf32> -> vector<10112x64xf32>
    %mul3A_32 = arith.mulf %dot_general3A_31, %get3A_17 : vector<10112x64xf32>
    %add3A_33 = arith.addf %add3A, %mul3A_32 : vector<10112x64xf32>
    %add3A_34 = arith.addf %add3A_14, %exp3A : vector<10112x8xf32>
    %dot_general3A_35 = arith.constant dense<0.000000e+00> : vector<10112x64xf32>
    %dot_general3A_36 = tpu.matmul %add3A_34, %get3A_1, %dot_general3A_35 {dimension_numbers = #tpu.dot_dimension_numbers<[1], [0], [0], [1], [0, 0, 1, 1], [], []>, transpose_lhs_hint = false} : vector<10112x8xf32>, vector<8x64xf32>, vector<10112x64xf32> -> vector<10112x64xf32>
    %add3A_37 = arith.constant 1.000000e-16 : f32
    %add3A_38 = vector.broadcast %add3A_37 : f32 to vector<10112x64xf32>
    %add3A_39 = arith.addf %dot_general3A_36, %add3A_38 : vector<10112x64xf32>
    %div3A = arith.divf %add3A_33, %add3A_39 : vector<10112x64xf32>
    %get3A_40 = arith.constant 0 : index
    %get3A_41 = arith.constant 0 : index
    %get3A_42 = vector.load %arg4[%get3A_40, %get3A_41] : memref<1x64xf32, #tpu.memory_space<vmem>>, vector<1x64xf32>
    %add3A_43 = vector.broadcast %get3A_42 : vector<1x64xf32> to vector<10112x64xf32>
    %add3A_44 = arith.addf %div3A, %add3A_43 : vector<10112x64xf32>
    %gt3A = arith.constant 0.000000e+00 : f32
    %gt3A_45 = vector.broadcast %gt3A : f32 to vector<10112x64xf32>
    %gt3A_46 = arith.cmpf ogt, %add3A_44, %gt3A_45 : vector<10112x64xf32>
    %min3A = arith.constant 0.000000e+00 : f32
    %min3A_47 = vector.broadcast %min3A : f32 to vector<10112x64xf32>
    %min3A_48 = arith.minimumf %add3A_44, %min3A_47 : vector<10112x64xf32>
    %exp3A_49 = math.exp %min3A_48 : vector<10112x64xf32>
    %sub3A_50 = arith.constant 1.000000e+00 : f32
    %sub3A_51 = vector.broadcast %sub3A_50 : f32 to vector<10112x64xf32>
    %sub3A_52 = arith.subf %exp3A_49, %sub3A_51 : vector<10112x64xf32>
    %select_n3A = arith.select %gt3A_46, %add3A_44, %sub3A_52 : vector<10112x64xi1>, vector<10112x64xf32>
    %iota3A = tpu.iota {dimensions = array<i32: 0>} : vector<10112x64xi32>
    %lt3A = arith.constant 10000 : i32
    %lt3A_53 = vector.broadcast %lt3A : i32 to vector<10112x64xi32>
    %lt3A_54 = arith.cmpi slt, %iota3A, %lt3A_53 : vector<10112x64xi32>
    %jit3A = arith.constant 0.000000e+00 : f32
    %broadcast_in_dim3A = vector.broadcast %jit3A : f32 to vector<10112x64xf32>
    %select_n3A_55 = arith.select %lt3A_54, %select_n3A, %broadcast_in_dim3A : vector<10112x64xi1>, vector<10112x64xf32>
    %get3A_56 = arith.constant 0 : index
    %get3A_57 = arith.constant 0 : index
    %get3A_58 = vector.load %arg5[%get3A_56, %get3A_57] : memref<64x16xf32, #tpu.memory_space<vmem>>, vector<64x16xf32>
    %dot_general3A_59 = arith.constant dense<0.000000e+00> : vector<10112x16xf32>
    %dot_general3A_60 = tpu.matmul %select_n3A_55, %get3A_58, %dot_general3A_59 {dimension_numbers = #tpu.dot_dimension_numbers<[1], [0], [0], [1], [0, 0, 1, 1], [], []>, transpose_lhs_hint = false} : vector<10112x64xf32>, vector<64x16xf32>, vector<10112x16xf32> -> vector<10112x16xf32>
    %get3A_61 = arith.constant 0 : index
    %get3A_62 = arith.constant 0 : index
    %get3A_63 = vector.load %arg6[%get3A_61, %get3A_62] : memref<16x1xf32, #tpu.memory_space<vmem>>, vector<16x1xf32>
    %dot_general3A_64 = arith.constant dense<0.000000e+00> : vector<10112x1xf32>
    %dot_general3A_65 = tpu.matmul %dot_general3A_60, %get3A_63, %dot_general3A_64 {dimension_numbers = #tpu.dot_dimension_numbers<[1], [0], [0], [1], [0, 0, 1, 1], [], []>, transpose_lhs_hint = false} : vector<10112x16xf32>, vector<16x1xf32>, vector<10112x1xf32> -> vector<10112x1xf32>
    %get3A_66 = arith.constant 0 : index
    %get3A_67 = arith.constant 0 : index
    %get3A_68 = vector.load %arg7[%get3A_66, %get3A_67] : memref<16x1xf32, #tpu.memory_space<vmem>>, vector<16x1xf32>
    %dot_general3A_69 = arith.constant dense<0.000000e+00> : vector<10112x1xf32>
    %dot_general3A_70 = tpu.matmul %dot_general3A_60, %get3A_68, %dot_general3A_69 {dimension_numbers = #tpu.dot_dimension_numbers<[1], [0], [0], [1], [0, 0, 1, 1], [], []>, transpose_lhs_hint = false} : vector<10112x16xf32>, vector<16x1xf32>, vector<10112x1xf32> -> vector<10112x1xf32>
    %broadcast_in_dim3A_71 = vector.shape_cast %dot_general3A_65 : vector<10112x1xf32> to vector<10112x1xf32>
    %broadcast_in_dim3A_72 = vector.broadcast %broadcast_in_dim3A_71 : vector<10112x1xf32> to vector<10112x16xf32>
    %broadcast_in_dim3A_73 = vector.shape_cast %dot_general3A_70 : vector<10112x1xf32> to vector<10112x1xf32>
    %broadcast_in_dim3A_74 = vector.broadcast %broadcast_in_dim3A_73 : vector<10112x1xf32> to vector<10112x16xf32>
    %broadcast_in_dim3A_75 = arith.constant 0.000000e+00 : f32
    %broadcast_in_dim3A_76 = vector.broadcast %broadcast_in_dim3A_75 : f32 to vector<10112x80xf32>
    %concatenate3A = tpu.concatenate %dot_general3A_60, %broadcast_in_dim3A_72, %broadcast_in_dim3A_74, %broadcast_in_dim3A_76 in 1 : vector<10112x16xf32>, vector<10112x16xf32>, vector<10112x16xf32>, vector<10112x80xf32> -> vector<10112x128xf32>
    %swap3A = arith.constant 0 : index
    %swap3A_77 = arith.constant 0 : index
    %swap3A_78 = vector.load %arg9[%swap3A, %swap3A_77] : memref<10112x128xf32, #tpu.memory_space<vmem>>, vector<10112x128xf32>
    tpu.vector_store %arg9[%swap3A, %swap3A_77], %concatenate3A {strides = array<i32>} : memref<10112x128xf32, #tpu.memory_space<vmem>>, vector<10112x128xf32>,
    %broadcast_in_dim3A_79 = vector.shape_cast %dot_general3A_70 : vector<10112x1xf32> to vector<10112x1xf32>
    %broadcast_in_dim3A_80 = vector.broadcast %broadcast_in_dim3A_79 : vector<10112x1xf32> to vector<10112x16xf32>
    %broadcast_in_dim3A_81 = arith.constant 0.000000e+00 : f32
    %broadcast_in_dim3A_82 = vector.broadcast %broadcast_in_dim3A_81 : f32 to vector<10112x112xf32>
    %concatenate3A_83 = tpu.concatenate %broadcast_in_dim3A_80, %broadcast_in_dim3A_82 in 1 : vector<10112x16xf32>, vector<10112x112xf32> -> vector<10112x128xf32>
    %swap3A_84 = arith.constant 0 : index
    %swap3A_85 = arith.constant 0 : index
    %swap3A_86 = vector.load %arg10[%swap3A_84, %swap3A_85] : memref<10112x128xf32, #tpu.memory_space<vmem>>, vector<10112x128xf32>
    tpu.vector_store %arg10[%swap3A_84, %swap3A_85], %concatenate3A_83 {strides = array<i32>} : memref<10112x128xf32, #tpu.memory_space<vmem>>, vector<10112x128xf32>,
    %reduce_max3A = vector.shape_cast %dot_general3A_65 : vector<10112x1xf32> to vector<1x10112x1xf32>
    %reduce_max3A_87 = arith.constant dense<0xFF800000> : vector<1xf32>
    %reduce_max3A_88 = vector.multi_reduction <maximumf>, %reduce_max3A, %reduce_max3A_87 [1, 2] : vector<1x10112x1xf32> to vector<1xf32>
    %reduce_max3A_89 = vector.shape_cast %reduce_max3A_88 : vector<1xf32> to vector<1x1x1xf32>
    %reduce_max3A_90 = vector.extract %reduce_max3A_89[0, 0, 0] : f32 from vector<1x1x1xf32>
    %reduce_max3A_91 = vector.shape_cast %dot_general3A_70 : vector<10112x1xf32> to vector<1x10112x1xf32>
    %reduce_max3A_92 = arith.constant dense<0xFF800000> : vector<1xf32>
    %reduce_max3A_93 = vector.multi_reduction <maximumf>, %reduce_max3A_91, %reduce_max3A_92 [1, 2] : vector<1x10112x1xf32> to vector<1xf32>
    %reduce_max3A_94 = vector.shape_cast %reduce_max3A_93 : vector<1xf32> to vector<1x1x1xf32>
    %reduce_max3A_95 = vector.extract %reduce_max3A_94[0, 0, 0] : f32 from vector<1x1x1xf32>
    %add3A_96 = arith.addf %reduce_max3A_90, %reduce_max3A_95 : f32
    %mul3A_97 = arith.constant 2.000000e-01 : f32
    %mul3A_98 = arith.mulf %mul3A_97, %add3A_96 : f32
    %max3A_99 = arith.maximumf %add3A_96, %mul3A_98 : f32
    %broadcast_in_dim3A_100 = vector.broadcast %max3A_99 : f32 to vector<1x16xf32>
    %swap3A_101 = arith.constant 0 : index
    %swap3A_102 = arith.constant 0 : index
    %swap3A_103 = vector.load %arg11[%swap3A_101, %swap3A_102] : memref<1x16xf32, #tpu.memory_space<vmem>>, vector<1x16xf32>
    tpu.vector_store %arg11[%swap3A_101, %swap3A_102], %broadcast_in_dim3A_100 {strides = array<i32>} : memref<1x16xf32, #tpu.memory_space<vmem>>, vector<1x16xf32>,
    return
  }
}

module attributes {stable_mosaic.version = 14 : i64} {
  func.func @_post_body(%arg0: memref<20224x128xf32, #tpu.memory_space<vmem>>, %arg1: memref<10112x128xf32, #tpu.memory_space<vmem>>, %arg2: memref<1x16xf32, #tpu.memory_space<vmem>>, %arg3: memref<1x16xf32, #tpu.memory_space<vmem>>, %arg4: memref<10000x1xi32, #tpu.memory_space<vmem>>, %arg5: memref<64x16xf32, #tpu.memory_space<vmem>>) attributes {dimension_semantics = [], scalar_prefetch = 0 : i64, scratch_operands = 0 : i64, tpu.core_type = #tpu.core_type<tc>} {
    %get3A = arith.constant 0 : index
    %get3A_0 = arith.constant 0 : index
    %get3A_1 = vector.load %arg0[%get3A, %get3A_0] : memref<20224x128xf32, #tpu.memory_space<vmem>>, vector<10112x16xf32>
    %get3A_2 = arith.constant 10112 : index
    %get3A_3 = arith.constant 0 : index
    %get3A_4 = vector.load %arg0[%get3A_2, %get3A_3] : memref<20224x128xf32, #tpu.memory_space<vmem>>, vector<10112x16xf32>
    %add3A = arith.addf %get3A_1, %get3A_4 : vector<10112x16xf32>
    %get3A_5 = arith.constant 0 : index
    %get3A_6 = arith.constant 16 : index
    %get3A_7 = vector.load %arg0[%get3A_5, %get3A_6] : memref<20224x128xf32, #tpu.memory_space<vmem>>, vector<10112x1xf32>
    %get3A_8 = arith.constant 10112 : index
    %get3A_9 = arith.constant 16 : index
    %get3A_10 = vector.load %arg0[%get3A_8, %get3A_9] : memref<20224x128xf32, #tpu.memory_space<vmem>>, vector<10112x1xf32>
    %add3A_11 = arith.addf %get3A_7, %get3A_10 : vector<10112x1xf32>
    %get3A_12 = arith.constant 0 : index
    %get3A_13 = arith.constant 0 : index
    %get3A_14 = vector.load %arg1[%get3A_12, %get3A_13] : memref<10112x128xf32, #tpu.memory_space<vmem>>, vector<10112x16xf32>
    %get3A_15 = arith.constant 0 : index
    %get3A_16 = arith.constant 16 : index
    %get3A_17 = vector.load %arg1[%get3A_15, %get3A_16] : memref<10112x128xf32, #tpu.memory_space<vmem>>, vector<10112x1xf32>
    %get3A_18 = arith.constant 0 : index
    %get3A_19 = arith.constant 32 : index
    %get3A_20 = vector.load %arg1[%get3A_18, %get3A_19] : memref<10112x128xf32, #tpu.memory_space<vmem>>, vector<10112x1xf32>
    %add3A_21 = arith.addf %get3A_17, %get3A_20 : vector<10112x1xf32>
    %mul3A = arith.constant 2.000000e-01 : f32
    %mul3A_22 = vector.broadcast %mul3A : f32 to vector<10112x1xf32>
    %mul3A_23 = arith.mulf %mul3A_22, %add3A_21 : vector<10112x1xf32>
    %max3A = arith.maximumf %add3A_21, %mul3A_23 : vector<10112x1xf32>
    %get3A_24 = arith.constant 0 : index
    %get3A_25 = arith.constant 0 : index
    %get3A_26 = vector.load %arg2[%get3A_24, %get3A_25] : memref<1x16xf32, #tpu.memory_space<vmem>>, vector<1x1xf32>
    %sub3A = vector.broadcast %get3A_26 : vector<1x1xf32> to vector<10112x1xf32>
    %sub3A_27 = arith.subf %max3A, %sub3A : vector<10112x1xf32>
    %exp3A = math.exp %sub3A_27 : vector<10112x1xf32>
    %mul3A_28 = vector.broadcast %exp3A : vector<10112x1xf32> to vector<10112x16xf32>
    %mul3A_29 = arith.mulf %mul3A_28, %get3A_14 : vector<10112x16xf32>
    %add3A_30 = arith.addf %add3A, %mul3A_29 : vector<10112x16xf32>
    %add3A_31 = arith.addf %add3A_11, %exp3A : vector<10112x1xf32>
    %add3A_32 = arith.constant 1.000000e-16 : f32
    %add3A_33 = vector.broadcast %add3A_32 : f32 to vector<10112x1xf32>
    %add3A_34 = arith.addf %add3A_31, %add3A_33 : vector<10112x1xf32>
    %div3A = vector.broadcast %add3A_34 : vector<10112x1xf32> to vector<10112x16xf32>
    %div3A_35 = arith.divf %add3A_30, %div3A : vector<10112x16xf32>
    %get3A_36 = arith.constant 0 : index
    %get3A_37 = arith.constant 0 : index
    %get3A_38 = vector.load %arg3[%get3A_36, %get3A_37] : memref<1x16xf32, #tpu.memory_space<vmem>>, vector<1x16xf32>
    %add3A_39 = vector.broadcast %get3A_38 : vector<1x16xf32> to vector<10112x16xf32>
    %add3A_40 = arith.addf %div3A_35, %add3A_39 : vector<10112x16xf32>
    %slice3A = vector.extract_strided_slice %add3A_40 {offsets = [0, 0], sizes = [10000, 16], strides = [1, 1]} : vector<10112x16xf32> to vector<10000x16xf32>
    %iota3A = tpu.iota {dimensions = array<i32: 1>} : vector<10000x64xi32>
    %get3A_41 = arith.constant 0 : index
    %get3A_42 = arith.constant 0 : index
    %get3A_43 = vector.load %arg4[%get3A_41, %get3A_42] : memref<10000x1xi32, #tpu.memory_space<vmem>>, vector<10000x1xi32>
    %eq3A = vector.broadcast %get3A_43 : vector<10000x1xi32> to vector<10000x64xi32>
    %eq3A_44 = arith.cmpi eq, %eq3A, %iota3A : vector<10000x64xi32>
    %convert_element_type3A = arith.extui %eq3A_44 : vector<10000x64xi1> to vector<10000x64xi32>
    %convert_element_type3A_45 = arith.sitofp %convert_element_type3A : vector<10000x64xi32> to vector<10000x64xf32>
    %dot_general3A = arith.constant dense<0.000000e+00> : vector<64x16xf32>
    %dot_general3A_46 = tpu.matmul %convert_element_type3A_45, %slice3A, %dot_general3A {dimension_numbers = #tpu.dot_dimension_numbers<[0], [0], [1], [1], [0, 1, 1, 1], [], []>, transpose_lhs_hint = false} : vector<10000x64xf32>, vector<10000x16xf32>, vector<64x16xf32> -> vector<64x16xf32>
    %broadcast_in_dim3A = arith.constant 1.000000e+00 : f32
    %broadcast_in_dim3A_47 = vector.broadcast %broadcast_in_dim3A : f32 to vector<10000x1xf32>
    %dot_general3A_48 = arith.constant dense<0.000000e+00> : vector<64x1xf32>
    %dot_general3A_49 = tpu.matmul %convert_element_type3A_45, %broadcast_in_dim3A_47, %dot_general3A_48 {dimension_numbers = #tpu.dot_dimension_numbers<[0], [0], [1], [1], [0, 1, 1, 1], [], []>, transpose_lhs_hint = false} : vector<10000x64xf32>, vector<10000x1xf32>, vector<64x1xf32> -> vector<64x1xf32>
    %max3A_50 = arith.constant 1.000000e+00 : f32
    %max3A_51 = vector.broadcast %max3A_50 : f32 to vector<64x1xf32>
    %max3A_52 = arith.maximumf %dot_general3A_49, %max3A_51 : vector<64x1xf32>
    %div3A_53 = vector.broadcast %max3A_52 : vector<64x1xf32> to vector<64x16xf32>
    %div3A_54 = arith.divf %dot_general3A_46, %div3A_53 : vector<64x16xf32>
    %swap3A = arith.constant 0 : index
    %swap3A_55 = arith.constant 0 : index
    %swap3A_56 = vector.load %arg5[%swap3A, %swap3A_55] : memref<64x16xf32, #tpu.memory_space<vmem>>, vector<64x16xf32>
    tpu.vector_store %arg5[%swap3A, %swap3A_55], %div3A_54 {strides = array<i32>} : memref<64x16xf32, #tpu.memory_space<vmem>>, vector<64x16xf32>,
    return
  }
}

</mosaic_0001>

<sc_bundles>
// kernel: kernel.10.cloned.1.call-start
scs
__scs_entry_jumppad:
0x0: {  	(pc) =	sbr.rel $0x88, $3  }
0x1: {  	(tag) =	ssettag $0x0;
	lr =	simm.s32 $0x1  }
0x2: {  	[smem:$0x3F96] =	sst lr;
	_ =	strace $0xD0000000  }
0x3: {  	_ = 	snop  }
0x4: {  	_ = 	snop  }
0x5: {  	_ = 	snop  }
0x6: {  	_ = 	snop  }
0x7: {  	_ = 	snop  }
__scs_overlays_trampoline_lowered:
0x8: {  	[smem:$0x3FA5] =	sst s0  }
0x9: {  	[smem:$0x3FA6] =	sst s1  }
0xa: {  	[smem:$0x3FA7] =	sst s2  }
0xb: {  	[smem:$0x3FA8] =	sst s3  }
0xc: {  	[smem:$0x3FA9] =	sst s4  }
0xd: {  	[smem:$0x3FAA] =	sst s5  }
0xe: {  	[smem:$0x3FAB] =	sst s6  }
0xf: {  	[smem:$0x3FAC] =	sst s7  }
0x10: {  	[smem:$0x3FAD] =	sst s8  }
0x11: {  	[smem:$0x3FAE] =	sst s9;
	s0 =	simm.s32 @!p0 $0x0  }
0x12: {  	s1 =	sld [smem:$0x3F94];
	s0 =	simm.s32 @p0 $0x1  }
0x13: {  	[smem:$0x3FAF] =	sst s0;
	s0 =	simm.s32 @!p1 $0x0  }
0x14: {  	s2 =	sld [smem:$0x3F93];
	s0 =	simm.s32 @p1 $0x1  }
0x15: {  	[smem:$0x3FB0] =	sst s0;
	s0 =	simm.s32 @!p2 $0x0  }
0x16: {  	s3 =	sld [smem:$0x3FDB];
	s0 =	simm.s32 @p2 $0x1  }
0x17: {  	s4 =	simm.s32 $0x1BF5;
	[smem:$0x3FB2] =	sst s0  }
0x18: {  	s0 =	sld [smem:$0x3F95];
	_ =	swait.ge [sflag:s4], $0x0  }
0x19: {  	s7 =	sld [smem:$0x3F96]  }
0x1a: {  	s8 =	sadd.s32 $0xFFFFE003, lr  }
0x1b: {  	s9 =	sadd.s32 $0xFFFFFEF7, lr;
	s5 =	simm.s32 $0xFFFFFFFF;
	p2 =	slt.u32 s8, $0xFFFFF086  }
0x1c: {  	p1 =	slt.u32 s9, $0xF7A;
	s5 =	simm.s32 @!p2 $0x0  }
0x1d: {  	s5 =	simm.s32 @p1 $0x1;
	p0 =	seq.s32 s7, s2  }
0x1e: {  	s7 =	smul.u32 @!p0 $0xF7A, s2;
	p2 =	seq.s32 @!p0 s5, $0x0  }
0x1f: {  	s9 =	smul.u32 $0xF7A, s1;
	s8 =	simm.s32 @!p0 $0x1BF5;
	p2 =	por !p2, p0  }
0x20: {  	[sflag:s8] =	ssyncset.s32 @!p0 $0xFFFFF086;
	s6 =	sadd.s32 @!p0 s3, s7;
	s7 =	simm.s32 @!p0 $0x108  }
0x21: {  	s3 =	sadd.s32 s3, s9;
	s6 =	sadd.s32 @!p0 $0x88, s6;
	s7 =	simm.s32 @p2 $0x1082  }
0x22: {  	[simem:s7], [sflag:s8] =	dma.local @!p0 [hbm:s6], $0xF7A  }
0x23: {  	s9 =	sor.u32 $0xD0000000, s2;
	s6 =	simm.s32 $0x108;
	_ =	swait.ge @!p0 [sflag:s8], $0x0  }
0x24: {  	s3 =	sadd.s32 $0x88, s3;
	s6 =	simm.s32 @!p1 $0x1082;
	[sflag:s4] =	ssyncset.s32 $0xFFFFF086  }
0x25: {  	[simem:s6], [sflag:s4] =	dma.local [hbm:s3], $0xF7A  }
0x26: {  	[smem:$0x3F96] =	sst s1;
	(tag) =	ssettag s2;
	_ =	strace s9  }
0x27: {  	s1 =	sld [smem:$0x3FA6]  }
0x28: {  	s2 =	sld [smem:$0x3FA7]  }
0x29: {  	s4 =	sld [smem:$0x3FA9]  }
0x2a: {  	p0 =	seq.s32 s5, $0x0;
	s5 =	sld [smem:$0x3FAA]  }
0x2b: {  	s6 =	sld [smem:$0x3FAB]  }
0x2c: {  	s7 =	sld [smem:$0x3FAC]  }
0x2d: {  	s3 =	simm.s32 $0x108;
	s8 =	sld [smem:$0x3FAD]  }
0x2e: {  	s3 =	simm.s32 @!p0 $0x1082;
	s9 =	sld [smem:$0x3FAE]  }
0x2f: {  	lr =	sadd.s32 s0, s3;
	s0 =	sld [smem:$0x3FA5]  }
0x30: {  	s3 =	sld [smem:$0x3FA8]  }
0x31: {  	[smem:$0x3FB1] =	sst s10  }
0x32: {  	s10 =	sld [smem:$0x3FAF];
	_ =	sdelay $0x3  }
0x33: {  	p0 =	seq.s32 s10, $0x1;
	s10 =	sld [smem:$0x3FB1];
	_ =	sdelay $0x3  }
0x34: {  	[smem:$0x3FB1] =	sst s10  }
0x35: {  	s10 =	sld [smem:$0x3FB0];
	_ =	sdelay $0x3  }
0x36: {  	p1 =	seq.s32 s10, $0x1;
	s10 =	sld [smem:$0x3FB1];
	_ =	sdelay $0x3  }
0x37: {  	[smem:$0x3FB1] =	sst s10  }
0x38: {  	s10 =	sld [smem:$0x3FB2]  }
0x39: {  	_ = 	snop;
	(pc) =	sbr.ind lr, $3  }
0x3a: {  	_ = 	snop  }
0x3b: {  	_ = 	snop  }
0x3c: {  	p2 =	seq.s32 s10, $0x1;
	s10 =	sld [smem:$0x3FB1]  }
0x3d: {  	_ =	shalt  }
0x3e: {  	_ =	shalt  }
0x3f: {  	_ =	shalt  }
0x40: {  	_ =	shalt  }
0x41: {  	_ =	shalt  }
0x42: {  	_ =	shalt  }
0x43: {  	_ =	shalt  }
0x44: {  	_ =	shalt  }
0x45: {  	_ =	shalt  }
0x46: {  	_ =	shalt  }
0x47: {  	_ =	shalt  }
0x48: {  	_ =	shalt  }
0x49: {  	_ =	shalt  }
0x4a: {  	_ =	shalt  }
0x4b: {  	_ =	shalt  }
0x4c: {  	_ =	shalt  }
0x4d: {  	_ =	shalt  }
0x4e: {  	_ =	shalt  }
0x4f: {  	_ =	shalt  }
0x50: {  	_ =	shalt  }
0x51: {  	_ =	shalt  }
0x52: {  	_ =	shalt  }
0x53: {  	_ =	shalt  }
0x54: {  	_ =	shalt  }
0x55: {  	_ =	shalt  }
0x56: {  	_ =	shalt  }
0x57: {  	_ =	shalt  }
0x58: {  	_ =	shalt  }
0x59: {  	_ =	shalt  }
0x5a: {  	_ =	shalt  }
0x5b: {  	_ =	shalt  }
0x5c: {  	_ =	shalt  }
0x5d: {  	_ =	shalt  }
0x5e: {  	_ =	shalt  }
0x5f: {  	_ =	shalt  }
0x60: {  	_ =	shalt  }
0x61: {  	_ =	shalt  }
0x62: {  	_ =	shalt  }
0x63: {  	_ =	shalt  }
0x64: {  	_ =	shalt  }
0x65: {  	_ =	shalt  }
0x66: {  	_ =	shalt  }
0x67: {  	_ =	shalt  }
0x68: {  	_ =	shalt  }
0x69: {  	_ =	shalt  }
0x6a: {  	_ =	shalt  }
0x6b: {  	_ =	shalt  }
0x6c: {  	_ =	shalt  }
0x6d: {  	_ =	shalt  }
0x6e: {  	_ =	shalt  }
0x6f: {  	_ =	shalt  }
0x70: {  	_ =	shalt  }
0x71: {  	_ =	shalt  }
0x72: {  	_ =	shalt  }
0x73: {  	_ =	shalt  }
0x74: {  	_ =	shalt  }
0x75: {  	_ =	shalt  }
0x76: {  	_ =	shalt  }
0x77: {  	_ =	shalt  }
0x78: {  	_ =	shalt  }
0x79: {  	_ =	shalt  }
0x7a: {  	_ =	shalt  }
0x7b: {  	_ =	shalt  }
0x7c: {  	_ =	shalt  }
0x7d: {  	_ =	shalt  }
0x7e: {  	_ =	shalt  }
0x7f: {  	_ =	shalt  }
0x80: {  	_ =	shalt  }
0x81: {  	_ =	shalt  }
0x82: {  	_ =	shalt  }
0x83: {  	_ =	shalt  }
0x84: {  	_ =	shalt  }
0x85: {  	_ =	shalt  }
0x86: {  	_ =	shalt  }
0x87: {  	_ =	shalt  }
.Lfunc_end0:
.L_simem_size_0:
called_computation.1_lowered:
.L_overlay_start_0:
0x88: {  	s2 =	sld [smem:$0x3FD9]  }
0x89: {  	s3 =	sld [smem:$0x3FFE];
	_ =	sdelay $0x1  }
0x8a: {  	s1 =	srdreg.scid  }
0x8b: {  	s0 =	sand.u32 $0x1, s1  }
0x8c: {  	s17 =	sshll.u32 s0, $0xA;
	s2 =	sadd.s32 s3, s2  }
0x8d: {  	s2 =	sadd.s32 s2, s17  }
0x8e: {  	[smem:$0x3FBD] =	sst s2  }
0x8f: {  	_ = 	snop  }
0x90: {  	s2 =	sld [smem:$0x3FD0];
	(tm) =	ssettm $0x1  }
0x91: {  	s18 =	sld [smem:$0x3FFB];
	_ =	sdelay $0x3  }
0x92: {  	_ =	strace s18  }
0x93: {  	s3 =	sld [smem:$0x3FFC];
	_ =	sdelay $0x3  }
0x94: {  	_ =	strace s3  }
0x95: {  	s3 =	sld [smem:$0x3FFD];
	_ =	sdelay $0x3  }
0x96: {  	_ =	strace s3  }
0x97: {  	_ =	strace $0x8FFFFFFF  }
0x98: {  	s19 =	sld [smem:$0x3FDB];
	_ =	sdelay $0x1  }
0x99: {  	s4 =	simm.s32 $_scs_section_size  }
0x9a: {  	s5 =	simm.s32 $_size__tile_overlayer_lowered;
	s6 =	simm.s32 $_tile_overlayer_lowered  }
0x9b: {  	s22 =	simm.s32 $0x1BFF;
	s21 =	sshll.u32 s6, $0x1;
	s3 =	sadd.s32 s4, s19  }
0x9c: {  	s7 =	simm.s32 $0x0;
	s20 =	sshll.u32 s5, $0x1;
	s5 =	sadd.s32 s21, s3  }
0x9d: {  	[timem:s7], [sflag:s22] =	dma.local [hbm:s5], s20  }
0x9e: {  	_ =	swait.ge [sflag:s22], s20  }
0x9f: {  	s4 =	ssub.s32 $0x0, s20;
	[sflag:s22] =	ssyncset.done $0x0  }
0xa0: {  	[sflag:s22] =	ssyncadd.s32 s4;
	_ =	sdelay $0x1  }
0xa1: {  	s23 =	simm.s32 $0x1B8B  }
0xa2: {  	_ =	swait.ge [sflag:s23], $0x1  }
0xa3: {  	[sflag:s23] =	ssyncset.done $0x0  }
0xa4: {  	s25 =	simm.s32 $0x1B8E;
	s24 =	sld [smem:$0x3FFE];
	[sflag:s23] =	ssyncadd.s32 $0xFFFFFFFF  }
0xa5: {  	s26 =	simm.s32 $execute0_lowered;
	[smem:$0x3FD2] =	sst s25  }
0xa6: {  	s5 =	sshll.u32 s26, $0x1;
	_ =	strace $0x80000049;
	[dreg:$0x1] =	wrdreg $0xFFFFFFFF  }
0xa7: {  	s28 =	simm.s32 $_size_execute0_lowered;
	s3 =	sadd.s32 s3, s5;
	[dreg:$0x0] =	wrdreg $0x0  }
0xa8: {  	s5 =	sshll.u32 s28, $0x1;
	[dreg:$0x2] =	wrdreg s3  }
0xa9: {  	[dreg:$0x3] =	wrdreg s5  }
0xaa: {  	[dreg:$0x4] =	wrdreg $0xC0  }
0xab: {  	_ =	task [dreg:s7], $0x5FFFF  }
0xac: {  	[dreg:$0x1] =	wrdreg $0xFFFFFFFF  }
0xad: {  	[dreg:$0x0] =	wrdreg $0x60  }
0xae: {  	[dreg:$0x2] =	wrdreg s24  }
0xaf: {  	[dreg:$0x3] =	wrdreg s2  }
0xb0: {  	[dreg:$0x4] =	wrdreg $0xB6800  }
0xb1: {  	[dreg:$0x5] =	wrdreg $0x9  }
0xb2: {  	_ =	task.clear_ibuf [dreg:s7], $0x6FFFF;
	_ =	strace $0x90000049  }
0xb3: {  	s29 =	simm.s32 $0x9;
	_ =	strace $0x8000004B  }
0xb4: {  	_ =	swait.ge [sflag:s29], $0x1  }
0xb5: {  	[sflag:s29] =	ssyncadd.s32 $0xFFFFFFFF  }
0xb6: {  	_ =	strace $0x9000004B  }
0xb7: {  	_ =	sfence  }
0xb8: {  	s30 =	sld [smem:$0x0];
	_ =	sdelay $0x2  }
0xb9: {  	s31 =	sshll.u32 s1, $0xD;
	s1 =	sshrl.u32 s1, $0x2  }
0xba: {  	s3 =	sand.u32 $0x4000, s31;
	s1 =	sadd.s32 s1, s30  }
0xbb: {  	s0 =	sor.u32 s3, s0;
	s1 =	sshll.u32 s1, $0x11  }
0xbc: {  	s0 =	sor.u32 s1, s0  }
0xbd: {  	s0 =	sadd.s32 $0x8F2B, s0  }
0xbe: {  	[sflag:s0] =	ssyncadd.remote.s32 $0x1  }
0xbf: {  	_ =	sfence.sel $0xFFFF  }
0xc0: {  	[dreg:$0x0] =	wrdreg $0xFFFFFFFF;
	(pc) =	sbr.abs _section_cstart, $3  }
0xc1: {  	[dreg:$0x1] =	wrdreg $0xFFFFFFFF  }
0xc2: {  	_ =	task.clear_ibuf [dreg:s7], $0x2FFFF;
	_ =	strace $0x9FFFFFFF  }
0xc3: {  	(tm) =	ssettm $0x7FFFFFFF  }
tec
execute0_lowered:
.L_overlay_start_1:
0x0: {  	(tag) =	ssettag $0x1  }
0x1: {  	s0 =	rddreg [dreg:$0x0]  }
0x2: {  	s1 =	srdreg.scid;
	s3 =	rddreg [dreg:$0x2]  }
0x3: {  	s8 =	stileid.u32;
	s5 =	simm.s32 $0x0;
	s28 =	simm.s32 $0x80  }
0x4: {  	s29 =	simm.s32 $0x2600;
	s30 =	simm.s32 $0x100;
	s4 =	smul.u32 $0x13C00, s8  }
0x5: {  	s31 =	simm.s32 $0x4A00;
	s1 =	sand.u32 $0x1, s1;
	s17 =	smul.u32 $0x4F000, s8  }
0x6: {  	[smem:$0x7FF] =	sst s5;
	s5 =	sadd.s32 $0x27400, s0;
	s2 =	smul.u32 $0x13C000, s1  }
0x7: {  	s6 =	sadd.s32 $0x4EC00, s0;
	s7 =	sadd.s32 $0x4400, s0;
	s8 =	sshll.u32 s8, $0x1  }
0x8: {  	_ =	strace $0x8000004A;
	s2 =	sadd.s32 s4, s2;
	s4 =	sshrl.u32 s17, $0x2  }
0x9: {  	s18 =	ssub.s32 $0x2, s1;
	s1 =	sor.u32 s1, s8;
	s8 =	sadd.s32 s4, s3  }
0xa: {  	s9 =	sshrl.u32 s18, $0x1;
	s1 =	smul.u32 $0x8C00, s1;
	s4 =	sadd.s32 $0x2400, s8  }
0xb: {  	s2 =	sshrl.u32 s2, $0x3;
	s19 =	sadd.s32 $0x4800, s8;
	[dreg:$0x4] =	wrdreg s4  }
0xc: {  	s24 =	sshrl.u32 s1, $0x3;
	s20 =	sadd.s32 $0x6C00, s8;
	[dreg:$0x5] =	wrdreg s19  }
0xd: {  	s0 =	sadd.s32 s2, s0;
	s21 =	sadd.s32 $0x9000, s8;
	[dreg:$0x6] =	wrdreg s20  }
0xe: {  	s2 =	ssub.s32 s18, s9;
	s22 =	sadd.s32 $0xB400, s8;
	[dreg:$0x7] =	wrdreg s21  }
0xf: {  	s23 =	sadd.s32 $0xD800, s8;
	s25 =	sadd.s32 $0xFC00, s8;
	[dreg:$0x8] =	wrdreg s22  }
0x10: {  	s26 =	sadd.s32 $0x11800, s8;
	s17 =	sadd.s32 s7, s24;
	[dreg:$0x9] =	wrdreg s23  }
0x11: {  	s18 =	sor.u32 $0x100, s1;
	s24 =	simm.s32 $0x9200;
	[dreg:$0xa] =	wrdreg s25  }
0x12: {  	[dreg:$0xb] =	wrdreg s26;
	s19 =	sor.u32 $0x200, s1;
	s20 =	sadd.s32 $0x76400, s0  }
0x13: {  	s21 =	smax.u32 s2, $0x1;
	s23 =	simm.s32 $0x3;
	s25 =	simm.s32 $0x48  }
0x14: {  	s26 =	simm.s32 $0x200;
	s0 =	simm.s32 $0x180;
	s2 =	simm.s32 $0x6E00  }
0x15: {  	v0 =	vimm.f32 $0.0e+00;
	s4 =	simm.s32 $0x1;
	s22 =	simm.s32 $0x2;
	s1 =	simm.s32 $0x0  }
.LBB2_1:
0x16: {  	s9 =	rddreg [dreg:$0x1];
	s10 =	simm.s32 $0x0;
	s11 =	simm.s32 $0xB600  }
0x17: {  	[tilespmem:s11], [sflag:$0x3] =	stream.linear.gather [hbm4b:s9+s10], $0x80, $0x38;
	[tilespmem:$0x1F280] =	vst v63  }
0x18: {  	_ =	swait.ge [sflag:s23], $0x80  }
0x19: {  	[sflag:s23] =	ssyncset.done $0x0  }
0x1a: {  	s9 =	simm.s32 $0x0;
	s10 =	simm.s32 $0x200;
	[sflag:s23] =	ssyncadd.s32 $0xFFFFFF80  }
.LBB2_2:
0x1b: {  	p0 =	sne.s32 s10, $0x8E00;
	[tilespmem:s9+$0x9270] =	vst v0  }
0x1c: {  	[tilespmem:s9+$0x9200] =	vst v0  }
0x1d: {  	[tilespmem:s9+$0x9210] =	vst v0  }
.Ltmp0:
0x1e: {  	[tilespmem:s9+$0x9220] =	vst v0;
	(pc) =	sbr.rel @p0 .LBB2_2-.Ltmp0, $4  }
0x1f: {  	[tilespmem:s9+$0x9230] =	vst v0  }
0x20: {  	[tilespmem:s9+$0x9240] =	vst v0  }
0x21: {  	[tilespmem:s9+$0x9250] =	vst v0  }
0x22: {  	[tilespmem:s9+$0x9260] =	vst v0;
	s9 =	sshra.s32 s10, $0x2;
	s10 =	sadd.s32 $0x200, s10  }
0x23: {  	[tilespmem:s9+$0x9270] =	vst v0  }
0x24: {  	[tilespmem:s9+$0x9200] =	vst v0  }
0x25: {  	[tilespmem:s9+$0x9210] =	vst v0  }
0x26: {  	[tilespmem:s9+$0x9220] =	vst v0  }
0x27: {  	[tilespmem:s9+$0x9230] =	vst v0  }
0x28: {  	[tilespmem:s9+$0x9240] =	vst v0  }
0x29: {  	[tilespmem:s9+$0x9250] =	vst v0  }
0x2a: {  	[tilespmem:s9+$0x9260] =	vst v0  }
0x2b: {  	[spmem:s8] =	stream.linear.scatter [tilespmem:s24], [sflag:$0x3], $0x2400, $0x38;
	[tilespmem:$0x1F280] =	vst v63  }
0x2c: {  	_ =	swait.ge [sflag:s23], $0x2400  }
0x2d: {  	[sflag:s23] =	ssyncset.done $0x0  }
0x2e: {  	s16 =	rddreg [dreg:$0x4];
	[sflag:s23] =	ssyncadd.s32 $0xFFFFDC00  }
0x2f: {  	[spmem:s16] =	stream.linear.scatter [tilespmem:s24], [sflag:$0x3], $0x2400, $0x38;
	[tilespmem:$0x1F280] =	vst v63  }
0x30: {  	_ =	swait.ge [sflag:s23], $0x2400  }
0x31: {  	[sflag:s23] =	ssyncset.done $0x0  }
0x32: {  	s10 =	rddreg [dreg:$0x5];
	[sflag:s23] =	ssyncadd.s32 $0xFFFFDC00  }
0x33: {  	[spmem:s10] =	stream.linear.scatter [tilespmem:s24], [sflag:$0x3], $0x2400, $0x38;
	[tilespmem:$0x1F280] =	vst v63  }
0x34: {  	_ =	swait.ge [sflag:s23], $0x2400  }
0x35: {  	[sflag:s23] =	ssyncset.done $0x0  }
0x36: {  	s11 =	rddreg [dreg:$0x6];
	[sflag:s23] =	ssyncadd.s32 $0xFFFFDC00  }
0x37: {  	[spmem:s11] =	stream.linear.scatter [tilespmem:s24], [sflag:$0x3], $0x2400, $0x38;
	[tilespmem:$0x1F280] =	vst v63  }
0x38: {  	_ =	swait.ge [sflag:s23], $0x2400  }
0x39: {  	[sflag:s23] =	ssyncset.done $0x0  }
0x3a: {  	s12 =	rddreg [dreg:$0x7];
	[sflag:s23] =	ssyncadd.s32 $0xFFFFDC00  }
0x3b: {  	[spmem:s12] =	stream.linear.scatter [tilespmem:s24], [sflag:$0x3], $0x2400, $0x38;
	[tilespmem:$0x1F280] =	vst v63  }
0x3c: {  	_ =	swait.ge [sflag:s23], $0x2400  }
0x3d: {  	[sflag:s23] =	ssyncset.done $0x0  }
0x3e: {  	s13 =	rddreg [dreg:$0x8];
	[sflag:s23] =	ssyncadd.s32 $0xFFFFDC00  }
0x3f: {  	[spmem:s13] =	stream.linear.scatter [tilespmem:s24], [sflag:$0x3], $0x2400, $0x38;
	[tilespmem:$0x1F280] =	vst v63  }
0x40: {  	_ =	swait.ge [sflag:s23], $0x2400  }
0x41: {  	[sflag:s23] =	ssyncset.done $0x0  }
0x42: {  	s14 =	rddreg [dreg:$0x9];
	[sflag:s23] =	ssyncadd.s32 $0xFFFFDC00  }
0x43: {  	[spmem:s14] =	stream.linear.scatter [tilespmem:s24], [sflag:$0x3], $0x2400, $0x38;
	[tilespmem:$0x1F280] =	vst v63  }
0x44: {  	_ =	swait.ge [sflag:s23], $0x2400  }
0x45: {  	[sflag:s23] =	ssyncset.done $0x0  }
0x46: {  	s15 =	rddreg [dreg:$0xa];
	[sflag:s23] =	ssyncadd.s32 $0xFFFFDC00  }
0x47: {  	[spmem:s15] =	stream.linear.scatter [tilespmem:s24], [sflag:$0x3], $0x2400, $0x38;
	[tilespmem:$0x1F280] =	vst v63  }
0x48: {  	_ =	swait.ge [sflag:s23], $0x2400  }
0x49: {  	[sflag:s23] =	ssyncset.done $0x0  }
0x4a: {  	s16 =	rddreg [dreg:$0xb];
	[sflag:s23] =	ssyncadd.s32 $0xFFFFDC00  }
0x4b: {  	[spmem:s16] =	stream.linear.scatter [tilespmem:s24], [sflag:$0x3], $0x2400, $0x38;
	[tilespmem:$0x1F280] =	vst v63  }
0x4c: {  	_ =	swait.ge [sflag:s23], $0x2400  }
0x4d: {  	[sflag:s23] =	ssyncset.done $0x0  }
0x4e: {  	[sflag:s23] =	ssyncadd.s32 $0xFFFFDC00  }
0x4f: {  	s9 =	simm.s32 $0x0;
	[bflag:$0x0] =	sbarrier.arrive $0xFFFF  }
0x50: {  	[tilespmem:s9], [sflag:$0x3] =	stream.linear.gather [hbm4b:s17+s9], $0x100, $0x38;
	[tilespmem:$0x1F280] =	vst v63  }
0x51: {  	_ =	swait.ge [sflag:s23], $0x100  }
0x52: {  	[sflag:s23] =	ssyncset.done $0x0  }
0x53: {  	[sflag:s23] =	ssyncadd.s32 $0xFFFFFF00  }
0x54: {  	[tilespmem:s26], [sflag:$0x1] =	stream.indirect.gather [hbm4b:s5+s25], $0x80, s9, s25, $0xb8;
	[tilespmem:$0x1F280] =	vst v63  }
0x55: {  	s10 =	simm.s32 $0x0  }
0x56: {  	[tilespmem:s29], [sflag:$0x1] =	stream.indirect.gather [hbm4b:s6+s25], $0x80, s28, s25, $0xb8;
	[tilespmem:$0x1F280] =	vst v63  }
.LBB2_4:
0x57: {  	s11 =	sshll.u32 s10, $0x9  }
0x58: {  	s11 =	sadd.s32 s11, s18  }
0x59: {  	s11 =	sshrl.u32 s11, $0x3  }
0x5a: {  	s11 =	sadd.s32 s7, s11  }
0x5b: {  	[tilespmem:s30], [sflag:$0x3] =	stream.linear.gather [hbm4b:s11+s9], $0x100, $0x38;
	[tilespmem:$0x1F280] =	vst v63  }
0x5c: {  	_ =	swait.ge [sflag:s23], $0x100  }
0x5d: {  	[sflag:s23] =	ssyncset.done $0x0  }
0x5e: {  	[sflag:s23] =	ssyncadd.s32 $0xFFFFFF00  }
0x5f: {  	[tilespmem:s31], [sflag:$0x2] =	stream.indirect.gather [hbm4b:s5+s25], $0x80, s30, s25, $0xb8;
	[tilespmem:$0x1F280] =	vst v63  }
0x60: {  	_ = 	snop  }
0x61: {  	[tilespmem:s2], [sflag:$0x2] =	stream.indirect.gather [hbm4b:s6+s25], $0x80, s0, s25, $0xb8;
	[tilespmem:$0x1F280] =	vst v63  }
0x62: {  	_ =	swait.ge [sflag:s4], $0x2400  }
0x63: {  	[sflag:s4] =	ssyncset.done $0x0  }
0x64: {  	[sflag:s4] =	ssyncadd.s32 $0xFFFFDC00  }
0x65: {  	_ =	swait.ge [sflag:s4], $0x2400  }
0x66: {  	[sflag:s4] =	ssyncset.done $0x0  }
0x67: {  	s13 =	simm.s32 $0x0;
	[sflag:s4] =	ssyncadd.s32 $0xFFFFDC00  }
0x68: {  	v2 =	vld [tilespmem:s13+$0x210]  }
0x69: {  	s12 =	simm.s32 $0x80;
	v3 =	vld [tilespmem:s13+$0x2600]  }
0x6a: {  	v4 =	vld [tilespmem:s12+$0x210]  }
0x6b: {  	v5 =	vld [tilespmem:s12+$0x2600];
	_ =	sdelay $0x2  }
0x6c: {  	s11 =	simm.s32 $0x100;
	v1 =	vld [tilespmem:$0xB600];
	v2 =	vadd.f32 v3, v2  }
0x6d: {  	v3 =	vld [tilespmem:s11+$0x210]  }
0x6e: {  	v4 =	vadd.f32 v5, v4;
	v5 =	vld [tilespmem:s11+$0x2600];
	v6 =	vmul.f32 $2.000000030e-01, v2;
	_ =	sdelay $0x1  }
0x6f: {  	v2 =	vmax.f32 v2, v6  }
0x70: {  	v2 =	vsub.f32 v2, v1  }
0x71: {  	v7 =	vmul.f32 $2.000000030e-01, v4  }
0x72: {  	v5 =	vadd.f32 v5, v3;
	v3 =	vmul.f32 $1.442695020e+00, v2  }
0x73: {  	v4 =	vmax.f32 v4, v7  }
0x74: {  	v4 =	vsub.f32 v4, v1;
	(erf) = vpow2.f32 v3;
	_ =	sdelay $0x1  }
0x75: {  	s14 =	simm.s32 $0x180;
	v6 =	vmul.f32 $1.442695020e+00, v4  }
0x76: {  	v2 =	vld [tilespmem:s14+$0x210]  }
0x77: {  	v4 =	vld [tilespmem:s14+$0x2600];
	(erf) = vpow2.f32 v6  }
0x78: {  	v7 =	vmul.f32 $2.000000030e-01, v5;
	v3 =	vld [tilespmem:s13+$0x200];
	_ =	sdelay $0x1  }
0x79: {  	s15 =	simm.s32 $0x800;
	v5 =	vmax.f32 v5, v7  }
.LBB2_5:
0x7a: {  	s16 =	sshra.s32 s15, $0x2;
	v5 =	vsub.f32 v5, v1;
	p0 =	sne.s32 s15, $0x8E00  }
.Ltmp1:
0x7b: {  	s15 =	sadd.s32 $0x200, s15;
	v6 =	vadd.f32 v4, v2;
	v2 =	vld [tilespmem:s16+$0x210];
	v7 =	vpop (erf);
	(pc) =	sbr.rel @p0 .LBB2_5-.Ltmp1, $4  }
0x7c: {  	v4 =	vld [tilespmem:s16+$0x2600];
	v5 =	vmul.f32 $1.442695020e+00, v5;
	v8 =	vmul.f32 v7, v3;
	[tilespmem:s13+$0x9210] =	vst v7  }
0x7d: {  	v7 =	vmul.f32 $2.000000030e-01, v6;
	v3 =	vld [tilespmem:s12+$0x200]  }
0x7e: {  	(erf) = vpow2.f32 v5;
	[tilespmem:s13+$0x9200] =	vst v8;
	s13 =	smov.u32 s12;
	s12 =	smov.u32 s11;
	s11 =	smov.u32 s14  }
0x7f: {  	s14 =	smov.u32 s16;
	v5 =	vmax.f32 v6, v7  }
0x80: {  	_ = 	snop  }
0x81: {  	v5 =	vsub.f32 v5, v1;
	v2 =	vadd.f32 v4, v2;
	_ =	sdelay $0x1  }
0x82: {  	v4 =	vmul.f32 $1.442695020e+00, v5;
	v5 =	vmul.f32 $2.000000030e-01, v2  }
0x83: {  	v6 =	vpop (erf)  }
0x84: {  	[tilespmem:s13+$0x9210] =	vst v6;
	v2 =	vmax.f32 v2, v5  }
0x85: {  	(erf) = vpow2.f32 v4;
	v4 =	vld [tilespmem:s12+$0x200];
	v1 =	vsub.f32 v2, v1;
	v2 =	vmul.f32 v6, v3;
	_ =	sdelay $0x2  }
0x86: {  	v1 =	vmul.f32 $1.442695020e+00, v1  }
0x87: {  	[tilespmem:s13+$0x9200] =	vst v2;
	v2 =	vpop (erf)  }
0x88: {  	(erf) = vpow2.f32 v1;
	v1 =	vmul.f32 v2, v4;
	_ =	sdelay $0x2  }
0x89: {  	[tilespmem:s12+$0x9210] =	vst v2  }
0x8a: {  	v2 =	vld [tilespmem:s11+$0x200];
	[tilespmem:s12+$0x9200] =	vst v1;
	v1 =	vpop (erf)  }
0x8b: {  	[tilespmem:s11+$0x9210] =	vst v1  }
0x8c: {  	v3 =	vld [tilespmem:s14+$0x200];
	_ =	sdelay $0x2  }
0x8d: {  	v1 =	vmul.f32 v1, v2  }
0x8e: {  	v2 =	vpop (erf)  }
0x8f: {  	s15 =	sshll.u32 s10, $0x1;
	[tilespmem:s11+$0x9200] =	vst v1;
	v1 =	vmul.f32 v2, v3  }
0x90: {  	s11 =	smin.u32 s15, $0x89;
	[tilespmem:s14+$0x9210] =	vst v2  }
0x91: {  	s11 =	sshll.u32 s11, $0x8;
	[tilespmem:s14+$0x9200] =	vst v1  }
0x92: {  	[spmem:s3] =	stream.indirect.scatter.add.f32 [tilespmem:s24], [sflag:$0x3], $0x80, s28, s25, $0xb8;
	[tilespmem:$0x1F280] =	vst v63  }
0x93: {  	s11 =	sadd.s32 s11, s19;
	_ =	swait.ge [sflag:s23], $0x2400  }
0x94: {  	s11 =	sshrl.u32 s11, $0x3;
	[sflag:s23] =	ssyncset.done $0x0  }
0x95: {  	s16 =	simm.s32 $0x0;
	s11 =	sadd.s32 s7, s11;
	[sflag:s23] =	ssyncadd.s32 $0xFFFFDC00  }
0x96: {  	[tilespmem:s16], [sflag:$0x3] =	stream.linear.gather [hbm4b:s11+s16], $0x100, $0x38;
	[tilespmem:$0x1F280] =	vst v63  }
0x97: {  	_ =	swait.ge [sflag:s23], $0x100  }
0x98: {  	[sflag:s23] =	ssyncset.done $0x0  }
0x99: {  	[sflag:s23] =	ssyncadd.s32 $0xFFFFFF00  }
0x9a: {  	[tilespmem:s26], [sflag:$0x1] =	stream.indirect.gather [hbm4b:s5+s25], $0x80, s16, s25, $0xb8;
	[tilespmem:$0x1F280] =	vst v63  }
0x9b: {  	_ = 	snop  }
0x9c: {  	[tilespmem:s29], [sflag:$0x1] =	stream.indirect.gather [hbm4b:s6+s25], $0x80, s28, s25, $0xb8;
	[tilespmem:$0x1F280] =	vst v63  }
0x9d: {  	_ =	swait.ge [sflag:s22], $0x2400  }
0x9e: {  	[sflag:s22] =	ssyncset.done $0x0  }
0x9f: {  	[sflag:s22] =	ssyncadd.s32 $0xFFFFDC00  }
0xa0: {  	_ =	swait.ge [sflag:s22], $0x2400  }
0xa1: {  	[sflag:s22] =	ssyncset.done $0x0  }
0xa2: {  	s13 =	simm.s32 $0x0;
	[sflag:s22] =	ssyncadd.s32 $0xFFFFDC00  }
0xa3: {  	v2 =	vld [tilespmem:s13+$0x4A10]  }
0xa4: {  	s12 =	simm.s32 $0x80;
	v3 =	vld [tilespmem:s13+$0x6E00]  }
0xa5: {  	v4 =	vld [tilespmem:s12+$0x4A10]  }
0xa6: {  	v5 =	vld [tilespmem:s12+$0x6E00];
	_ =	sdelay $0x2  }
0xa7: {  	s11 =	simm.s32 $0x100;
	v1 =	vld [tilespmem:$0xB600];
	v2 =	vadd.f32 v3, v2  }
0xa8: {  	v3 =	vld [tilespmem:s11+$0x4A10]  }
0xa9: {  	v4 =	vadd.f32 v5, v4;
	v5 =	vld [tilespmem:s11+$0x6E00];
	v6 =	vmul.f32 $2.000000030e-01, v2;
	_ =	sdelay $0x1  }
0xaa: {  	v2 =	vmax.f32 v2, v6  }
0xab: {  	v2 =	vsub.f32 v2, v1  }
0xac: {  	v7 =	vmul.f32 $2.000000030e-01, v4  }
0xad: {  	v5 =	vadd.f32 v5, v3;
	v3 =	vmul.f32 $1.442695020e+00, v2  }
0xae: {  	v4 =	vmax.f32 v4, v7  }
0xaf: {  	v4 =	vsub.f32 v4, v1;
	(erf) = vpow2.f32 v3;
	_ =	sdelay $0x1  }
0xb0: {  	s14 =	simm.s32 $0x180;
	v6 =	vmul.f32 $1.442695020e+00, v4  }
0xb1: {  	v2 =	vld [tilespmem:s14+$0x4A10]  }
0xb2: {  	v4 =	vld [tilespmem:s14+$0x6E00];
	(erf) = vpow2.f32 v6  }
0xb3: {  	v7 =	vmul.f32 $2.000000030e-01, v5;
	v3 =	vld [tilespmem:s13+$0x4A00];
	_ =	sdelay $0x1  }
0xb4: {  	s15 =	simm.s32 $0x800;
	v5 =	vmax.f32 v5, v7  }
.LBB2_7:
0xb5: {  	s16 =	sshra.s32 s15, $0x2;
	v5 =	vsub.f32 v5, v1;
	p0 =	sne.s32 s15, $0x8E00  }
.Ltmp2:
0xb6: {  	s15 =	sadd.s32 $0x200, s15;
	v6 =	vadd.f32 v4, v2;
	v2 =	vld [tilespmem:s16+$0x4A10];
	v7 =	vpop (erf);
	(pc) =	sbr.rel @p0 .LBB2_7-.Ltmp2, $4  }
0xb7: {  	v4 =	vld [tilespmem:s16+$0x6E00];
	v5 =	vmul.f32 $1.442695020e+00, v5;
	v8 =	vmul.f32 v7, v3;
	[tilespmem:s13+$0x9210] =	vst v7  }
0xb8: {  	v7 =	vmul.f32 $2.000000030e-01, v6;
	v3 =	vld [tilespmem:s12+$0x4A00]  }
0xb9: {  	(erf) = vpow2.f32 v5;
	[tilespmem:s13+$0x9200] =	vst v8;
	s13 =	smov.u32 s12;
	s12 =	smov.u32 s11;
	s11 =	smov.u32 s14  }
0xba: {  	s14 =	smov.u32 s16;
	v5 =	vmax.f32 v6, v7  }
0xbb: {  	_ = 	snop  }
0xbc: {  	v2 =	vadd.f32 v4, v2  }
0xbd: {  	v5 =	vsub.f32 v5, v1  }
0xbe: {  	v62 =	vmul.f32 $2.000000030e-01, v2  }
0xbf: {  	v6 =	vpop (erf);
	v61 =	vmul.f32 $1.442695020e+00, v5  }
0xc0: {  	[tilespmem:s13+$0x9210] =	vst v6;
	v2 =	vmax.f32 v2, v62  }
0xc1: {  	v63 =	vld [tilespmem:s12+$0x4A00];
	(erf) = vpow2.f32 v61;
	v1 =	vsub.f32 v2, v1;
	v2 =	vmul.f32 v6, v3;
	_ =	sdelay $0x2  }
0xc2: {  	v1 =	vmul.f32 $1.442695020e+00, v1  }
0xc3: {  	[tilespmem:s13+$0x9200] =	vst v2;
	v2 =	vpop (erf)  }
0xc4: {  	(erf) = vpow2.f32 v1;
	v1 =	vmul.f32 v2, v63;
	_ =	sdelay $0x2  }
0xc5: {  	[tilespmem:s12+$0x9210] =	vst v2  }
0xc6: {  	v2 =	vld [tilespmem:s11+$0x4A00];
	[tilespmem:s12+$0x9200] =	vst v1;
	v1 =	vpop (erf)  }
0xc7: {  	[tilespmem:s11+$0x9210] =	vst v1  }
0xc8: {  	v3 =	vld [tilespmem:s14+$0x4A00];
	_ =	sdelay $0x2  }
0xc9: {  	v1 =	vmul.f32 v1, v2  }
0xca: {  	v2 =	vpop (erf)  }
0xcb: {  	s10 =	sadd.s32 $0x1, s10;
	[tilespmem:s11+$0x9200] =	vst v1;
	v1 =	vmul.f32 v2, v3  }
0xcc: {  	p0 =	sne.s32 s10, $0x46;
	[tilespmem:s14+$0x9210] =	vst v2  }
.Ltmp3:
0xcd: {  	[tilespmem:s14+$0x9200] =	vst v1;
	(pc) =	sbr.rel @p0 .LBB2_4-.Ltmp3, $4  }
0xce: {  	[spmem:s3] =	stream.indirect.scatter.add.f32 [tilespmem:s24], [sflag:$0x3], $0x80, s0, s25, $0xb8;
	[tilespmem:$0x1F280] =	vst v63  }
0xcf: {  	_ =	swait.ge [sflag:s23], $0x2400  }
0xd0: {  	[sflag:s23] =	ssyncset.done $0x0  }
0xd1: {  	[sflag:s23] =	ssyncadd.s32 $0xFFFFDC00  }
0xd2: {  	_ =	swait.ge [sflag:s4], $0x2400  }
0xd3: {  	[sflag:s4] =	ssyncset.done $0x0  }
0xd4: {  	[sflag:s4] =	ssyncadd.s32 $0xFFFFDC00  }
0xd5: {  	s9 =	stileid.u32;
	_ =	swait.ge [sflag:s4], $0x2400  }
0xd6: {  	s10 =	sshrl.u32 s8, $0x3;
	s1 =	sadd.s32 $0x1, s1;
	[sflag:s4] =	ssyncset.done $0x0  }
0xd7: {  	s9 =	sshll.u32 s9, $0x6;
	p0 =	sne.s32 s1, s21;
	[sflag:s4] =	ssyncadd.s32 $0xFFFFDC00  }
.Ltmp4:
0xd8: {  	s9 =	sor.u32 $0x1C03, s9;
	[bflag:$0x0] =	sbarrier.arrive $0xFFFF;
	(pc) =	sbr.rel @p0 .LBB2_1-.Ltmp4, $4  }
0xd9: {  	[hbm:s20], [sflag:s9] =	dma.local [spmem:s10], $0x2780  }
0xda: {  	_ =	swait.ge [sflag:s23], $0x2780  }
0xdb: {  	[sflag:s23] =	ssyncset.done $0x0  }
0xdc: {  	[sflag:s23] =	ssyncadd.s32 $0xFFFFD880  }
0xdd: {  	_ =	sfence.sel $0x180000  }
0xde: {  	[bflag:$0x0] =	sbarrier.arrive $0xFFFF  }
0xdf: {  	_ =	strace $0x9000004A  }
0xe0: {  	s0 =	stileid.u32;
	[bflag:$0x2] =	sbarrier.arrive $0xFFFF  }
0xe1: {  	p0 =	sne.s32 s0, $0x0;
	s0 =	rddreg [dreg:$0x3]  }
0xe2: {  	s0 =	sadd.s32 @!p0 $0x100000, s0  }
0xe3: {  	[sflag:s0] =	ssyncadd.tile.s32 @!p0 $0x1;
	_ =	shalt  }
.Lfunc_end2:
_tile_overlayer_lowered:
.L_overlay_start_2:
0xe4: {  	(tag) =	ssettag $0x2  }
0xe5: {  	s0 =	rddreg [dreg:$0x0];
	s2 =	stileid.u32  }
0xe6: {  	s1 =	rddreg [dreg:$0x1];
	p0 =	sne.s32 s2, $0x0  }
0xe7: {  	s3 =	rddreg [dreg:$0x2];
	[bflag:$0x3] =	sbarrier.arrive $0xFFFF;
	s2 =	simm.s32 @!p0 $0x1C03  }
0xe8: {  	[timem:s3], [sflag:s2] =	dma.local @!p0 [hbm:s0], s1  }
0xe9: {  	s0 =	simm.s32 @!p0 $0x3  }
0xea: {  	_ =	swait.ge @!p0 [sflag:s0], s1  }
0xeb: {  	s1 =	ssub.s32 @!p0 $0x0, s1;
	[sflag:s0] =	ssyncset.done @!p0 $0x0  }
0xec: {  	[sflag:s0] =	ssyncadd.s32 @!p0 s1  }
0xed: {  	[bflag:$0x3] =	sbarrier.arrive $0xFFFF  }
0xee: {  	_ =	shalt  }

// kernel: kernel.7.cloned.1.call-start
scs
__scs_entry_jumppad:
0x0: {  	(pc) =	sbr.rel $0x88, $3  }
0x1: {  	(tag) =	ssettag $0x0;
	lr =	simm.s32 $0x1  }
0x2: {  	[smem:$0x3F96] =	sst lr;
	_ =	strace $0xD0000000  }
0x3: {  	_ = 	snop  }
0x4: {  	_ = 	snop  }
0x5: {  	_ = 	snop  }
0x6: {  	_ = 	snop  }
0x7: {  	_ = 	snop  }
__scs_overlays_trampoline_lowered:
0x8: {  	[smem:$0x3FA5] =	sst s0  }
0x9: {  	[smem:$0x3FA6] =	sst s1  }
0xa: {  	[smem:$0x3FA7] =	sst s2  }
0xb: {  	[smem:$0x3FA8] =	sst s3  }
0xc: {  	[smem:$0x3FA9] =	sst s4  }
0xd: {  	[smem:$0x3FAA] =	sst s5  }
0xe: {  	[smem:$0x3FAB] =	sst s6  }
0xf: {  	[smem:$0x3FAC] =	sst s7  }
0x10: {  	[smem:$0x3FAD] =	sst s8  }
0x11: {  	[smem:$0x3FAE] =	sst s9;
	s0 =	simm.s32 @!p0 $0x0  }
0x12: {  	s1 =	sld [smem:$0x3F94];
	s0 =	simm.s32 @p0 $0x1  }
0x13: {  	[smem:$0x3FAF] =	sst s0;
	s0 =	simm.s32 @!p1 $0x0  }
0x14: {  	s2 =	sld [smem:$0x3F93];
	s0 =	simm.s32 @p1 $0x1  }
0x15: {  	[smem:$0x3FB0] =	sst s0;
	s0 =	simm.s32 @!p2 $0x0  }
0x16: {  	s3 =	sld [smem:$0x3FDB];
	s0 =	simm.s32 @p2 $0x1  }
0x17: {  	s4 =	simm.s32 $0x1BF5;
	[smem:$0x3FB2] =	sst s0  }
0x18: {  	s0 =	sld [smem:$0x3F95];
	_ =	swait.ge [sflag:s4], $0x0  }
0x19: {  	s7 =	sld [smem:$0x3F96]  }
0x1a: {  	s8 =	sadd.s32 $0xFFFFE003, lr  }
0x1b: {  	s9 =	sadd.s32 $0xFFFFFEF7, lr;
	s5 =	simm.s32 $0xFFFFFFFF;
	p2 =	slt.u32 s8, $0xFFFFF086  }
0x1c: {  	p1 =	slt.u32 s9, $0xF7A;
	s5 =	simm.s32 @!p2 $0x0  }
0x1d: {  	s5 =	simm.s32 @p1 $0x1;
	p0 =	seq.s32 s7, s2  }
0x1e: {  	s7 =	smul.u32 @!p0 $0xF7A, s2;
	p2 =	seq.s32 @!p0 s5, $0x0  }
0x1f: {  	s9 =	smul.u32 $0xF7A, s1;
	s8 =	simm.s32 @!p0 $0x1BF5;
	p2 =	por !p2, p0  }
0x20: {  	[sflag:s8] =	ssyncset.s32 @!p0 $0xFFFFF086;
	s6 =	sadd.s32 @!p0 s3, s7;
	s7 =	simm.s32 @!p0 $0x108  }
0x21: {  	s3 =	sadd.s32 s3, s9;
	s6 =	sadd.s32 @!p0 $0x88, s6;
	s7 =	simm.s32 @p2 $0x1082  }
0x22: {  	[simem:s7], [sflag:s8] =	dma.local @!p0 [hbm:s6], $0xF7A  }
0x23: {  	s9 =	sor.u32 $0xD0000000, s2;
	s6 =	simm.s32 $0x108;
	_ =	swait.ge @!p0 [sflag:s8], $0x0  }
0x24: {  	s3 =	sadd.s32 $0x88, s3;
	s6 =	simm.s32 @!p1 $0x1082;
	[sflag:s4] =	ssyncset.s32 $0xFFFFF086  }
0x25: {  	[simem:s6], [sflag:s4] =	dma.local [hbm:s3], $0xF7A  }
0x26: {  	[smem:$0x3F96] =	sst s1;
	(tag) =	ssettag s2;
	_ =	strace s9  }
0x27: {  	s1 =	sld [smem:$0x3FA6]  }
0x28: {  	s2 =	sld [smem:$0x3FA7]  }
0x29: {  	s4 =	sld [smem:$0x3FA9]  }
0x2a: {  	p0 =	seq.s32 s5, $0x0;
	s5 =	sld [smem:$0x3FAA]  }
0x2b: {  	s6 =	sld [smem:$0x3FAB]  }
0x2c: {  	s7 =	sld [smem:$0x3FAC]  }
0x2d: {  	s3 =	simm.s32 $0x108;
	s8 =	sld [smem:$0x3FAD]  }
0x2e: {  	s3 =	simm.s32 @!p0 $0x1082;
	s9 =	sld [smem:$0x3FAE]  }
0x2f: {  	lr =	sadd.s32 s0, s3;
	s0 =	sld [smem:$0x3FA5]  }
0x30: {  	s3 =	sld [smem:$0x3FA8]  }
0x31: {  	[smem:$0x3FB1] =	sst s10  }
0x32: {  	s10 =	sld [smem:$0x3FAF];
	_ =	sdelay $0x3  }
0x33: {  	p0 =	seq.s32 s10, $0x1;
	s10 =	sld [smem:$0x3FB1];
	_ =	sdelay $0x3  }
0x34: {  	[smem:$0x3FB1] =	sst s10  }
0x35: {  	s10 =	sld [smem:$0x3FB0];
	_ =	sdelay $0x3  }
0x36: {  	p1 =	seq.s32 s10, $0x1;
	s10 =	sld [smem:$0x3FB1];
	_ =	sdelay $0x3  }
0x37: {  	[smem:$0x3FB1] =	sst s10  }
0x38: {  	s10 =	sld [smem:$0x3FB2]  }
0x39: {  	_ = 	snop;
	(pc) =	sbr.ind lr, $3  }
0x3a: {  	_ = 	snop  }
0x3b: {  	_ = 	snop  }
0x3c: {  	p2 =	seq.s32 s10, $0x1;
	s10 =	sld [smem:$0x3FB1]  }
0x3d: {  	_ =	shalt  }
0x3e: {  	_ =	shalt  }
0x3f: {  	_ =	shalt  }
0x40: {  	_ =	shalt  }
0x41: {  	_ =	shalt  }
0x42: {  	_ =	shalt  }
0x43: {  	_ =	shalt  }
0x44: {  	_ =	shalt  }
0x45: {  	_ =	shalt  }
0x46: {  	_ =	shalt  }
0x47: {  	_ =	shalt  }
0x48: {  	_ =	shalt  }
0x49: {  	_ =	shalt  }
0x4a: {  	_ =	shalt  }
0x4b: {  	_ =	shalt  }
0x4c: {  	_ =	shalt  }
0x4d: {  	_ =	shalt  }
0x4e: {  	_ =	shalt  }
0x4f: {  	_ =	shalt  }
0x50: {  	_ =	shalt  }
0x51: {  	_ =	shalt  }
0x52: {  	_ =	shalt  }
0x53: {  	_ =	shalt  }
0x54: {  	_ =	shalt  }
0x55: {  	_ =	shalt  }
0x56: {  	_ =	shalt  }
0x57: {  	_ =	shalt  }
0x58: {  	_ =	shalt  }
0x59: {  	_ =	shalt  }
0x5a: {  	_ =	shalt  }
0x5b: {  	_ =	shalt  }
0x5c: {  	_ =	shalt  }
0x5d: {  	_ =	shalt  }
0x5e: {  	_ =	shalt  }
0x5f: {  	_ =	shalt  }
0x60: {  	_ =	shalt  }
0x61: {  	_ =	shalt  }
0x62: {  	_ =	shalt  }
0x63: {  	_ =	shalt  }
0x64: {  	_ =	shalt  }
0x65: {  	_ =	shalt  }
0x66: {  	_ =	shalt  }
0x67: {  	_ =	shalt  }
0x68: {  	_ =	shalt  }
0x69: {  	_ =	shalt  }
0x6a: {  	_ =	shalt  }
0x6b: {  	_ =	shalt  }
0x6c: {  	_ =	shalt  }
0x6d: {  	_ =	shalt  }
0x6e: {  	_ =	shalt  }
0x6f: {  	_ =	shalt  }
0x70: {  	_ =	shalt  }
0x71: {  	_ =	shalt  }
0x72: {  	_ =	shalt  }
0x73: {  	_ =	shalt  }
0x74: {  	_ =	shalt  }
0x75: {  	_ =	shalt  }
0x76: {  	_ =	shalt  }
0x77: {  	_ =	shalt  }
0x78: {  	_ =	shalt  }
0x79: {  	_ =	shalt  }
0x7a: {  	_ =	shalt  }
0x7b: {  	_ =	shalt  }
0x7c: {  	_ =	shalt  }
0x7d: {  	_ =	shalt  }
0x7e: {  	_ =	shalt  }
0x7f: {  	_ =	shalt  }
0x80: {  	_ =	shalt  }
0x81: {  	_ =	shalt  }
0x82: {  	_ =	shalt  }
0x83: {  	_ =	shalt  }
0x84: {  	_ =	shalt  }
0x85: {  	_ =	shalt  }
0x86: {  	_ =	shalt  }
0x87: {  	_ =	shalt  }
.Lfunc_end0:
.L_simem_size_0:
called_computation_lowered:
.L_overlay_start_0:
0x88: {  	s2 =	sld [smem:$0x3FD9]  }
0x89: {  	s3 =	sld [smem:$0x3FFE];
	_ =	sdelay $0x1  }
0x8a: {  	s1 =	srdreg.scid  }
0x8b: {  	s0 =	sand.u32 $0x1, s1  }
0x8c: {  	s17 =	sshll.u32 s0, $0xA;
	s2 =	sadd.s32 s3, s2  }
0x8d: {  	s2 =	sadd.s32 s2, s17  }
0x8e: {  	[smem:$0x3FBD] =	sst s2  }
0x8f: {  	_ = 	snop  }
0x90: {  	s2 =	sld [smem:$0x3FD0];
	(tm) =	ssettm $0x1  }
0x91: {  	s18 =	sld [smem:$0x3FFB];
	_ =	sdelay $0x3  }
0x92: {  	_ =	strace s18  }
0x93: {  	s3 =	sld [smem:$0x3FFC];
	_ =	sdelay $0x3  }
0x94: {  	_ =	strace s3  }
0x95: {  	s3 =	sld [smem:$0x3FFD];
	_ =	sdelay $0x3  }
0x96: {  	_ =	strace s3  }
0x97: {  	_ =	strace $0x8FFFFFFF  }
0x98: {  	s19 =	sld [smem:$0x3FDB];
	_ =	sdelay $0x1  }
0x99: {  	s4 =	simm.s32 $_scs_section_size  }
0x9a: {  	s5 =	simm.s32 $_size__tile_overlayer_lowered;
	s6 =	simm.s32 $_tile_overlayer_lowered  }
0x9b: {  	s22 =	simm.s32 $0x1BFF;
	s21 =	sshll.u32 s6, $0x1;
	s3 =	sadd.s32 s4, s19  }
0x9c: {  	s7 =	simm.s32 $0x0;
	s20 =	sshll.u32 s5, $0x1;
	s5 =	sadd.s32 s21, s3  }
0x9d: {  	[timem:s7], [sflag:s22] =	dma.local [hbm:s5], s20  }
0x9e: {  	_ =	swait.ge [sflag:s22], s20  }
0x9f: {  	s4 =	ssub.s32 $0x0, s20;
	[sflag:s22] =	ssyncset.done $0x0  }
0xa0: {  	[sflag:s22] =	ssyncadd.s32 s4;
	_ =	sdelay $0x1  }
0xa1: {  	s23 =	simm.s32 $0x1B8B  }
0xa2: {  	_ =	swait.ge [sflag:s23], $0x1  }
0xa3: {  	[sflag:s23] =	ssyncset.done $0x0  }
0xa4: {  	s25 =	simm.s32 $0x1B8E;
	s24 =	sld [smem:$0x3FFE];
	[sflag:s23] =	ssyncadd.s32 $0xFFFFFFFF  }
0xa5: {  	s26 =	simm.s32 $execute0_lowered;
	[smem:$0x3FD2] =	sst s25  }
0xa6: {  	s5 =	sshll.u32 s26, $0x1;
	_ =	strace $0x80000046;
	[dreg:$0x1] =	wrdreg $0xFFFFFFFF  }
0xa7: {  	s28 =	simm.s32 $_size_execute0_lowered;
	s3 =	sadd.s32 s3, s5;
	[dreg:$0x0] =	wrdreg $0x0  }
0xa8: {  	s5 =	sshll.u32 s28, $0x1;
	[dreg:$0x2] =	wrdreg s3  }
0xa9: {  	[dreg:$0x3] =	wrdreg s5  }
0xaa: {  	[dreg:$0x4] =	wrdreg $0xC0  }
0xab: {  	_ =	task [dreg:s7], $0x5FFFF  }
0xac: {  	[dreg:$0x1] =	wrdreg $0xFFFFFFFF  }
0xad: {  	[dreg:$0x0] =	wrdreg $0x60  }
0xae: {  	[dreg:$0x2] =	wrdreg s24  }
0xaf: {  	[dreg:$0x3] =	wrdreg s2  }
0xb0: {  	[dreg:$0x4] =	wrdreg $0xB6800  }
0xb1: {  	[dreg:$0x5] =	wrdreg $0x9  }
0xb2: {  	_ =	task.clear_ibuf [dreg:s7], $0x6FFFF;
	_ =	strace $0x90000046  }
0xb3: {  	s29 =	simm.s32 $0x9;
	_ =	strace $0x80000048  }
0xb4: {  	_ =	swait.ge [sflag:s29], $0x1  }
0xb5: {  	[sflag:s29] =	ssyncadd.s32 $0xFFFFFFFF  }
0xb6: {  	_ =	strace $0x90000048  }
0xb7: {  	_ =	sfence  }
0xb8: {  	s30 =	sld [smem:$0x0];
	_ =	sdelay $0x2  }
0xb9: {  	s31 =	sshll.u32 s1, $0xD;
	s1 =	sshrl.u32 s1, $0x2  }
0xba: {  	s3 =	sand.u32 $0x4000, s31;
	s1 =	sadd.s32 s1, s30  }
0xbb: {  	s0 =	sor.u32 s3, s0;
	s1 =	sshll.u32 s1, $0x11  }
0xbc: {  	s0 =	sor.u32 s1, s0  }
0xbd: {  	s0 =	sadd.s32 $0x8F2B, s0  }
0xbe: {  	[sflag:s0] =	ssyncadd.remote.s32 $0x1  }
0xbf: {  	_ =	sfence.sel $0xFFFF  }
0xc0: {  	[dreg:$0x0] =	wrdreg $0xFFFFFFFF;
	(pc) =	sbr.abs _section_cstart, $3  }
0xc1: {  	[dreg:$0x1] =	wrdreg $0xFFFFFFFF  }
0xc2: {  	_ =	task.clear_ibuf [dreg:s7], $0x2FFFF;
	_ =	strace $0x9FFFFFFF  }
0xc3: {  	(tm) =	ssettm $0x7FFFFFFF  }
tec
execute0_lowered:
.L_overlay_start_1:
0x0: {  	(tag) =	ssettag $0x1  }
0x1: {  	s0 =	rddreg [dreg:$0x0];
	s1 =	srdreg.scid  }
0x2: {  	s3 =	rddreg [dreg:$0x2];
	s8 =	stileid.u32  }
0x3: {  	s5 =	simm.s32 $0x0;
	s28 =	simm.s32 $0x80;
	s4 =	smul.u32 $0x13C00, s8  }
0x4: {  	s29 =	simm.s32 $0x2600;
	s1 =	sand.u32 $0x1, s1;
	s17 =	smul.u32 $0x4F000, s8  }
0x5: {  	s30 =	simm.s32 $0x100;
	s31 =	simm.s32 $0x4A00;
	s2 =	smul.u32 $0x13C000, s1  }
0x6: {  	[smem:$0x7FF] =	sst s5;
	s5 =	sadd.s32 $0x27400, s0;
	s6 =	sadd.s32 $0x4EC00, s0  }
0x7: {  	s8 =	sshll.u32 s8, $0x1;
	s2 =	sadd.s32 s4, s2;
	s4 =	sshrl.u32 s17, $0x2  }
0x8: {  	s18 =	ssub.s32 $0x2, s1;
	s1 =	sor.u32 s1, s8;
	s8 =	sadd.s32 s4, s3  }
0x9: {  	s7 =	sadd.s32 $0x4400, s0;
	_ =	strace $0x80000047;
	s4 =	sadd.s32 $0x2400, s8  }
0xa: {  	s9 =	sshrl.u32 s18, $0x1;
	s19 =	sadd.s32 $0x4800, s8;
	[dreg:$0x4] =	wrdreg s4  }
0xb: {  	s1 =	smul.u32 $0x8C00, s1;
	s20 =	sadd.s32 $0x6C00, s8;
	[dreg:$0x5] =	wrdreg s19  }
0xc: {  	s2 =	sshrl.u32 s2, $0x3;
	s21 =	sadd.s32 $0x9000, s8;
	[dreg:$0x6] =	wrdreg s20  }
0xd: {  	s24 =	sshrl.u32 s1, $0x3;
	s22 =	sadd.s32 $0xB400, s8;
	[dreg:$0x7] =	wrdreg s21  }
0xe: {  	s0 =	sadd.s32 s2, s0;
	s23 =	sadd.s32 $0xD800, s8;
	[dreg:$0x8] =	wrdreg s22  }
0xf: {  	s2 =	ssub.s32 s18, s9;
	s25 =	sadd.s32 $0xFC00, s8;
	[dreg:$0x9] =	wrdreg s23  }
0x10: {  	s26 =	sadd.s32 $0x11800, s8;
	s18 =	sor.u32 $0x100, s1;
	[dreg:$0xa] =	wrdreg s25  }
0x11: {  	[dreg:$0xb] =	wrdreg s26;
	s4 =	sadd.s32 s7, s24;
	s19 =	sor.u32 $0x200, s1  }
0x12: {  	s20 =	sadd.s32 $0x76400, s0;
	s21 =	smax.u32 s2, $0x1;
	s23 =	simm.s32 $0x3  }
0x13: {  	s24 =	simm.s32 $0x9200;
	s25 =	simm.s32 $0x48;
	s26 =	simm.s32 $0x200  }
0x14: {  	s0 =	simm.s32 $0x180;
	s2 =	simm.s32 $0x6E00;
	s22 =	simm.s32 $0x2  }
0x15: {  	v0 =	vimm.f32 $0.0e+00;
	s1 =	simm.s32 $0x0;
	[dreg:$0xc] =	wrdreg s4;
	s4 =	simm.s32 $0x1  }
.LBB2_1:
0x16: {  	s9 =	rddreg [dreg:$0x1];
	s10 =	simm.s32 $0x0;
	s11 =	simm.s32 $0xB600  }
0x17: {  	[tilespmem:s11], [sflag:$0x3] =	stream.linear.gather [hbm4b:s9+s10], $0x80, $0x38;
	[tilespmem:$0x1F280] =	vst v63  }
0x18: {  	_ =	swait.ge [sflag:s23], $0x80  }
0x19: {  	[sflag:s23] =	ssyncset.done $0x0  }
0x1a: {  	s9 =	simm.s32 $0x0;
	s10 =	simm.s32 $0x200;
	[sflag:s23] =	ssyncadd.s32 $0xFFFFFF80  }
.LBB2_2:
0x1b: {  	p0 =	sne.s32 s10, $0x8E00;
	[tilespmem:s9+$0x9270] =	vst v0  }
0x1c: {  	[tilespmem:s9+$0x9200] =	vst v0  }
0x1d: {  	[tilespmem:s9+$0x9210] =	vst v0  }
.Ltmp0:
0x1e: {  	[tilespmem:s9+$0x9220] =	vst v0;
	(pc) =	sbr.rel @p0 .LBB2_2-.Ltmp0, $4  }
0x1f: {  	[tilespmem:s9+$0x9230] =	vst v0  }
0x20: {  	[tilespmem:s9+$0x9240] =	vst v0  }
0x21: {  	[tilespmem:s9+$0x9250] =	vst v0  }
0x22: {  	[tilespmem:s9+$0x9260] =	vst v0;
	s9 =	sshra.s32 s10, $0x2;
	s10 =	sadd.s32 $0x200, s10  }
0x23: {  	[tilespmem:s9+$0x9270] =	vst v0  }
0x24: {  	[tilespmem:s9+$0x9200] =	vst v0  }
0x25: {  	[tilespmem:s9+$0x9210] =	vst v0  }
0x26: {  	[tilespmem:s9+$0x9220] =	vst v0  }
0x27: {  	[tilespmem:s9+$0x9230] =	vst v0  }
0x28: {  	[tilespmem:s9+$0x9240] =	vst v0  }
0x29: {  	[tilespmem:s9+$0x9250] =	vst v0  }
0x2a: {  	[tilespmem:s9+$0x9260] =	vst v0  }
0x2b: {  	[spmem:s8] =	stream.linear.scatter [tilespmem:s24], [sflag:$0x3], $0x2400, $0x38;
	[tilespmem:$0x1F280] =	vst v63  }
0x2c: {  	_ =	swait.ge [sflag:s23], $0x2400  }
0x2d: {  	[sflag:s23] =	ssyncset.done $0x0  }
0x2e: {  	s10 =	rddreg [dreg:$0x4];
	[sflag:s23] =	ssyncadd.s32 $0xFFFFDC00  }
0x2f: {  	[spmem:s10] =	stream.linear.scatter [tilespmem:s24], [sflag:$0x3], $0x2400, $0x38;
	[tilespmem:$0x1F280] =	vst v63  }
0x30: {  	_ =	swait.ge [sflag:s23], $0x2400  }
0x31: {  	[sflag:s23] =	ssyncset.done $0x0  }
0x32: {  	s11 =	rddreg [dreg:$0x5];
	[sflag:s23] =	ssyncadd.s32 $0xFFFFDC00  }
0x33: {  	[spmem:s11] =	stream.linear.scatter [tilespmem:s24], [sflag:$0x3], $0x2400, $0x38;
	[tilespmem:$0x1F280] =	vst v63  }
0x34: {  	_ =	swait.ge [sflag:s23], $0x2400  }
0x35: {  	[sflag:s23] =	ssyncset.done $0x0  }
0x36: {  	s12 =	rddreg [dreg:$0x6];
	[sflag:s23] =	ssyncadd.s32 $0xFFFFDC00  }
0x37: {  	[spmem:s12] =	stream.linear.scatter [tilespmem:s24], [sflag:$0x3], $0x2400, $0x38;
	[tilespmem:$0x1F280] =	vst v63  }
0x38: {  	_ =	swait.ge [sflag:s23], $0x2400  }
0x39: {  	[sflag:s23] =	ssyncset.done $0x0  }
0x3a: {  	s13 =	rddreg [dreg:$0x7];
	[sflag:s23] =	ssyncadd.s32 $0xFFFFDC00  }
0x3b: {  	[spmem:s13] =	stream.linear.scatter [tilespmem:s24], [sflag:$0x3], $0x2400, $0x38;
	[tilespmem:$0x1F280] =	vst v63  }
0x3c: {  	_ =	swait.ge [sflag:s23], $0x2400  }
0x3d: {  	[sflag:s23] =	ssyncset.done $0x0  }
0x3e: {  	s14 =	rddreg [dreg:$0x8];
	[sflag:s23] =	ssyncadd.s32 $0xFFFFDC00  }
0x3f: {  	[spmem:s14] =	stream.linear.scatter [tilespmem:s24], [sflag:$0x3], $0x2400, $0x38;
	[tilespmem:$0x1F280] =	vst v63  }
0x40: {  	_ =	swait.ge [sflag:s23], $0x2400  }
0x41: {  	[sflag:s23] =	ssyncset.done $0x0  }
0x42: {  	s15 =	rddreg [dreg:$0x9];
	[sflag:s23] =	ssyncadd.s32 $0xFFFFDC00  }
0x43: {  	[spmem:s15] =	stream.linear.scatter [tilespmem:s24], [sflag:$0x3], $0x2400, $0x38;
	[tilespmem:$0x1F280] =	vst v63  }
0x44: {  	_ =	swait.ge [sflag:s23], $0x2400  }
0x45: {  	[sflag:s23] =	ssyncset.done $0x0  }
0x46: {  	s16 =	rddreg [dreg:$0xa];
	[sflag:s23] =	ssyncadd.s32 $0xFFFFDC00  }
0x47: {  	[spmem:s16] =	stream.linear.scatter [tilespmem:s24], [sflag:$0x3], $0x2400, $0x38;
	[tilespmem:$0x1F280] =	vst v63  }
0x48: {  	_ =	swait.ge [sflag:s23], $0x2400  }
0x49: {  	[sflag:s23] =	ssyncset.done $0x0  }
0x4a: {  	s17 =	rddreg [dreg:$0xb];
	[sflag:s23] =	ssyncadd.s32 $0xFFFFDC00  }
0x4b: {  	[spmem:s17] =	stream.linear.scatter [tilespmem:s24], [sflag:$0x3], $0x2400, $0x38;
	[tilespmem:$0x1F280] =	vst v63  }
0x4c: {  	_ =	swait.ge [sflag:s23], $0x2400  }
0x4d: {  	[sflag:s23] =	ssyncset.done $0x0  }
0x4e: {  	[sflag:s23] =	ssyncadd.s32 $0xFFFFDC00  }
0x4f: {  	[bflag:$0x0] =	sbarrier.arrive $0xFFFF  }
0x50: {  	s9 =	simm.s32 $0x0;
	s10 =	rddreg [dreg:$0xc]  }
0x51: {  	[tilespmem:s9], [sflag:$0x3] =	stream.linear.gather [hbm4b:s10+s9], $0x100, $0x38;
	[tilespmem:$0x1F280] =	vst v63  }
0x52: {  	_ =	swait.ge [sflag:s23], $0x100  }
0x53: {  	[sflag:s23] =	ssyncset.done $0x0  }
0x54: {  	[sflag:s23] =	ssyncadd.s32 $0xFFFFFF00  }
0x55: {  	[tilespmem:s26], [sflag:$0x1] =	stream.indirect.gather [hbm4b:s5+s25], $0x80, s9, s25, $0xb8;
	[tilespmem:$0x1F280] =	vst v63  }
0x56: {  	s10 =	simm.s32 $0x0  }
0x57: {  	[tilespmem:s29], [sflag:$0x1] =	stream.indirect.gather [hbm4b:s6+s25], $0x80, s28, s25, $0xb8;
	[tilespmem:$0x1F280] =	vst v63  }
.LBB2_4:
0x58: {  	s11 =	sshll.u32 s10, $0x9  }
0x59: {  	s11 =	sadd.s32 s11, s18  }
0x5a: {  	s11 =	sshrl.u32 s11, $0x3  }
0x5b: {  	s11 =	sadd.s32 s7, s11  }
0x5c: {  	[tilespmem:s30], [sflag:$0x3] =	stream.linear.gather [hbm4b:s11+s9], $0x100, $0x38;
	[tilespmem:$0x1F280] =	vst v63  }
0x5d: {  	_ =	swait.ge [sflag:s23], $0x100  }
0x5e: {  	[sflag:s23] =	ssyncset.done $0x0  }
0x5f: {  	[sflag:s23] =	ssyncadd.s32 $0xFFFFFF00  }
0x60: {  	[tilespmem:s31], [sflag:$0x2] =	stream.indirect.gather [hbm4b:s5+s25], $0x80, s30, s25, $0xb8;
	[tilespmem:$0x1F280] =	vst v63  }
0x61: {  	_ = 	snop  }
0x62: {  	[tilespmem:s2], [sflag:$0x2] =	stream.indirect.gather [hbm4b:s6+s25], $0x80, s0, s25, $0xb8;
	[tilespmem:$0x1F280] =	vst v63  }
0x63: {  	_ =	swait.ge [sflag:s4], $0x2400  }
0x64: {  	[sflag:s4] =	ssyncset.done $0x0  }
0x65: {  	[sflag:s4] =	ssyncadd.s32 $0xFFFFDC00  }
0x66: {  	_ =	swait.ge [sflag:s4], $0x2400  }
0x67: {  	[sflag:s4] =	ssyncset.done $0x0  }
0x68: {  	s15 =	simm.s32 $0x0;
	[sflag:s4] =	ssyncadd.s32 $0xFFFFDC00  }
0x69: {  	v2 =	vld [tilespmem:s15+$0x240]  }
0x6a: {  	v3 =	vld [tilespmem:s15+$0x2600];
	_ =	sdelay $0x4  }
0x6b: {  	v1 =	vld [tilespmem:$0xB600];
	v2 =	vadd.f32 v3, v2;
	_ =	sdelay $0x1  }
0x6c: {  	s13 =	simm.s32 $0x80;
	v12 =	vld [tilespmem:s15+$0x200];
	v4 =	vmul.f32 $2.000000030e-01, v2  }
0x6d: {  	v7 =	vld [tilespmem:s13+$0x2600]  }
0x6e: {  	v3 =	vld [tilespmem:s13+$0x240];
	v2 =	vmax.f32 v2, v4  }
0x6f: {  	v16 =	vld [tilespmem:s15+$0x210];
	v2 =	vsub.f32 v2, v1  }
0x70: {  	s11 =	simm.s32 $0x100;
	v17 =	vld [tilespmem:s15+$0x220]  }
0x71: {  	v11 =	vld [tilespmem:s11+$0x240];
	v2 =	vmul.f32 $1.442695020e+00, v2  }
0x72: {  	v13 =	vld [tilespmem:s11+$0x2600]  }
0x73: {  	v9 =	vld [tilespmem:s13+$0x200];
	v7 =	vadd.f32 v7, v3;
	(erf) = vpow2.f32 v2  }
0x74: {  	v10 =	vld [tilespmem:s13+$0x210]  }
0x75: {  	v8 =	vld [tilespmem:s13+$0x220];
	v14 =	vmul.f32 $2.000000030e-01, v7  }
0x76: {  	v5 =	vld [tilespmem:s11+$0x200]  }
0x77: {  	s14 =	simm.s32 $0x180;
	v6 =	vld [tilespmem:s11+$0x210];
	v11 =	vadd.f32 v13, v11;
	v13 =	vmax.f32 v7, v14  }
0x78: {  	v15 =	vld [tilespmem:s14+$0x240];
	v20 =	vsub.f32 v13, v1  }
0x79: {  	v18 =	vld [tilespmem:s14+$0x2600];
	v14 =	vmul.f32 $2.000000030e-01, v11  }
0x7a: {  	v19 =	vld [tilespmem:s15+$0x230];
	v20 =	vmul.f32 $1.442695020e+00, v20  }
0x7b: {  	v4 =	vld [tilespmem:s11+$0x220];
	v11 =	vmax.f32 v11, v14  }
0x7c: {  	v3 =	vld [tilespmem:s14+$0x210];
	v11 =	vsub.f32 v11, v1;
	v21 =	vpop (erf);
	(erf) = vpow2.f32 v20  }
0x7d: {  	v2 =	vld [tilespmem:s14+$0x200]  }
0x7e: {  	s12 =	simm.s32 $0x200;
	v7 =	vld [tilespmem:s14+$0x220];
	v20 =	vmul.f32 $1.442695020e+00, v11  }
0x7f: {  	v18 =	vadd.f32 v18, v15;
	v13 =	vld [tilespmem:s12+$0x240]  }
0x80: {  	v14 =	vld [tilespmem:s12+$0x2600];
	[tilespmem:s15+$0x9240] =	vst v21;
	v19 =	vmul.f32 v19, v21;
	(erf) = vpow2.f32 v20  }
0x81: {  	v22 =	vmul.f32 $2.000000030e-01, v18;
	v23 =	vmul.f32 v21, v12;
	v15 =	vld [tilespmem:s13+$0x230]  }
0x82: {  	v16 =	vmul.f32 v21, v16;
	v11 =	vld [tilespmem:s12+$0x200];
	[tilespmem:s15+$0x9230] =	vst v19  }
0x83: {  	s16 =	simm.s32 $0xA00;
	v18 =	vmax.f32 v18, v22;
	v17 =	vmul.f32 v21, v17;
	v12 =	vld [tilespmem:s12+$0x210];
	[tilespmem:s15+$0x9200] =	vst v23  }
.LBB2_5:
0x84: {  	s17 =	sshra.s32 s16, $0x2;
	v18 =	vsub.f32 v18, v1;
	[tilespmem:s15+$0x9210] =	vst v16;
	v19 =	vmov v7;
	v7 =	vld [tilespmem:s12+$0x220];
	p0 =	sne.s32 s16, $0x8E00  }
.Ltmp1:
0x85: {  	s16 =	sadd.s32 $0x200, s16;
	v20 =	vadd.f32 v14, v13;
	v13 =	vld [tilespmem:s17+$0x240];
	v21 =	vpop (erf);
	[tilespmem:s15+$0x9220] =	vst v17;
	(pc) =	sbr.rel @p0 .LBB2_5-.Ltmp1, $4  }
0x86: {  	s15 =	smov.u32 s13;
	v14 =	vld [tilespmem:s17+$0x2600];
	v16 =	vmul.f32 $1.442695020e+00, v18;
	v17 =	vmul.f32 v15, v21;
	[tilespmem:s13+$0x9240] =	vst v21;
	s13 =	smov.u32 s11;
	s11 =	smov.u32 s14  }
0x87: {  	v22 =	vmul.f32 v21, v9;
	v9 =	vmovc v5;
	v5 =	vmovc v2;
	s14 =	smov.u32 s12;
	s12 =	smov.u32 s17;
	v18 =	vmul.f32 $2.000000030e-01, v20;
	v15 =	vld [tilespmem:s13+$0x230];
	v2 =	vmov v11  }
0x88: {  	v11 =	vld [tilespmem:s12+$0x200];
	(erf) = vpow2.f32 v16;
	v16 =	vmul.f32 v21, v10;
	[tilespmem:s15+$0x9230] =	vst v17;
	v10 =	vmovc v6;
	v6 =	vmovc v3;
	v3 =	vmov v12  }
0x89: {  	v17 =	vmul.f32 v21, v8;
	v8 =	vmovc v4;
	v4 =	vmov v19;
	v12 =	vld [tilespmem:s12+$0x210];
	v18 =	vmax.f32 v20, v18;
	[tilespmem:s15+$0x9200] =	vst v22  }
0x8a: {  	v18 =	vsub.f32 v18, v1  }
0x8b: {  	v19 =	vld [tilespmem:s12+$0x220];
	[tilespmem:s15+$0x9210] =	vst v16;
	v13 =	vadd.f32 v14, v13  }
0x8c: {  	v14 =	vpop (erf);
	[tilespmem:s15+$0x9220] =	vst v17;
	v16 =	vmul.f32 $1.442695020e+00, v18  }
0x8d: {  	v15 =	vmul.f32 v15, v14;
	[tilespmem:s13+$0x9240] =	vst v14;
	v17 =	vmul.f32 $2.000000030e-01, v13  }
0x8e: {  	v9 =	vmul.f32 v14, v9;
	v18 =	vld [tilespmem:s11+$0x230]  }
0x8f: {  	v10 =	vmul.f32 v14, v10;
	(erf) = vpow2.f32 v16;
	[tilespmem:s13+$0x9230] =	vst v15;
	v13 =	vmax.f32 v13, v17  }
0x90: {  	v8 =	vmul.f32 v14, v8;
	[tilespmem:s13+$0x9200] =	vst v9;
	v1 =	vsub.f32 v13, v1  }
0x91: {  	[tilespmem:s13+$0x9210] =	vst v10  }
0x92: {  	[tilespmem:s13+$0x9220] =	vst v8;
	v9 =	vpop (erf);
	v1 =	vmul.f32 $1.442695020e+00, v1  }
0x93: {  	v8 =	vmul.f32 v18, v9;
	[tilespmem:s11+$0x9240] =	vst v9;
	v5 =	vmul.f32 v9, v5  }
0x94: {  	v10 =	vld [tilespmem:s14+$0x230];
	(erf) = vpow2.f32 v1;
	v1 =	vmul.f32 v9, v6  }
0x95: {  	v4 =	vmul.f32 v9, v4;
	[tilespmem:s11+$0x9230] =	vst v8  }
0x96: {  	[tilespmem:s11+$0x9200] =	vst v5  }
0x97: {  	[tilespmem:s11+$0x9220] =	vst v4  }
0x98: {  	[tilespmem:s11+$0x9210] =	vst v1;
	v1 =	vpop (erf)  }
0x99: {  	[tilespmem:s14+$0x9240] =	vst v1;
	v4 =	vmul.f32 v10, v1;
	v2 =	vmul.f32 v1, v2  }
0x9a: {  	v5 =	vld [tilespmem:s12+$0x230]  }
0x9b: {  	v3 =	vmul.f32 v1, v3;
	[tilespmem:s14+$0x9230] =	vst v4  }
0x9c: {  	v1 =	vmul.f32 v1, v7;
	[tilespmem:s14+$0x9200] =	vst v2  }
0x9d: {  	[tilespmem:s14+$0x9210] =	vst v3;
	v2 =	vpop (erf)  }
0x9e: {  	[tilespmem:s14+$0x9220] =	vst v1;
	v3 =	vmul.f32 v2, v11  }
0x9f: {  	[tilespmem:s12+$0x9240] =	vst v2;
	v1 =	vmul.f32 v5, v2  }
0xa0: {  	v4 =	vmul.f32 v2, v12;
	[tilespmem:s12+$0x9200] =	vst v3  }
0xa1: {  	s16 =	sshll.u32 s10, $0x1;
	[tilespmem:s12+$0x9230] =	vst v1;
	v1 =	vmul.f32 v2, v19  }
0xa2: {  	s11 =	smin.u32 s16, $0x89;
	[tilespmem:s12+$0x9210] =	vst v4  }
0xa3: {  	s11 =	sshll.u32 s11, $0x8;
	[tilespmem:s12+$0x9220] =	vst v1  }
0xa4: {  	[spmem:s3] =	stream.indirect.scatter.add.f32 [tilespmem:s24], [sflag:$0x3], $0x80, s28, s25, $0xb8;
	[tilespmem:$0x1F280] =	vst v63  }
0xa5: {  	s11 =	sadd.s32 s11, s19;
	_ =	swait.ge [sflag:s23], $0x2400  }
0xa6: {  	s11 =	sshrl.u32 s11, $0x3;
	[sflag:s23] =	ssyncset.done $0x0  }
0xa7: {  	s17 =	simm.s32 $0x0;
	s11 =	sadd.s32 s7, s11;
	[sflag:s23] =	ssyncadd.s32 $0xFFFFDC00  }
0xa8: {  	[tilespmem:s17], [sflag:$0x3] =	stream.linear.gather [hbm4b:s11+s17], $0x100, $0x38;
	[tilespmem:$0x1F280] =	vst v63  }
0xa9: {  	_ =	swait.ge [sflag:s23], $0x100  }
0xaa: {  	[sflag:s23] =	ssyncset.done $0x0  }
0xab: {  	[sflag:s23] =	ssyncadd.s32 $0xFFFFFF00  }
0xac: {  	[tilespmem:s26], [sflag:$0x1] =	stream.indirect.gather [hbm4b:s5+s25], $0x80, s17, s25, $0xb8;
	[tilespmem:$0x1F280] =	vst v63  }
0xad: {  	_ = 	snop  }
0xae: {  	[tilespmem:s29], [sflag:$0x1] =	stream.indirect.gather [hbm4b:s6+s25], $0x80, s28, s25, $0xb8;
	[tilespmem:$0x1F280] =	vst v63  }
0xaf: {  	_ =	swait.ge [sflag:s22], $0x2400  }
0xb0: {  	[sflag:s22] =	ssyncset.done $0x0  }
0xb1: {  	[sflag:s22] =	ssyncadd.s32 $0xFFFFDC00  }
0xb2: {  	_ =	swait.ge [sflag:s22], $0x2400  }
0xb3: {  	[sflag:s22] =	ssyncset.done $0x0  }
0xb4: {  	s15 =	simm.s32 $0x0;
	[sflag:s22] =	ssyncadd.s32 $0xFFFFDC00  }
0xb5: {  	v2 =	vld [tilespmem:s15+$0x4A40]  }
0xb6: {  	v3 =	vld [tilespmem:s15+$0x6E00];
	_ =	sdelay $0x2  }
0xb7: {  	v1 =	vld [tilespmem:$0xB600]  }
0xb8: {  	s13 =	simm.s32 $0x80;
	v12 =	vld [tilespmem:s15+$0x4A00]  }
0xb9: {  	v7 =	vld [tilespmem:s13+$0x6E00];
	v2 =	vadd.f32 v3, v2  }
0xba: {  	v3 =	vld [tilespmem:s13+$0x4A40]  }
0xbb: {  	v16 =	vld [tilespmem:s15+$0x4A10];
	v4 =	vmul.f32 $2.000000030e-01, v2  }
0xbc: {  	s11 =	simm.s32 $0x100;
	v17 =	vld [tilespmem:s15+$0x4A20]  }
0xbd: {  	v11 =	vld [tilespmem:s11+$0x4A40];
	v2 =	vmax.f32 v2, v4  }
0xbe: {  	v13 =	vld [tilespmem:s11+$0x6E00];
	v2 =	vsub.f32 v2, v1  }
0xbf: {  	v9 =	vld [tilespmem:s13+$0x4A00];
	v7 =	vadd.f32 v7, v3  }
0xc0: {  	v10 =	vld [tilespmem:s13+$0x4A10];
	v2 =	vmul.f32 $1.442695020e+00, v2  }
0xc1: {  	v8 =	vld [tilespmem:s13+$0x4A20];
	v14 =	vmul.f32 $2.000000030e-01, v7  }
0xc2: {  	v5 =	vld [tilespmem:s11+$0x4A00];
	(erf) = vpow2.f32 v2  }
0xc3: {  	s14 =	simm.s32 $0x180;
	v6 =	vld [tilespmem:s11+$0x4A10];
	v11 =	vadd.f32 v13, v11;
	v13 =	vmax.f32 v7, v14  }
0xc4: {  	v15 =	vld [tilespmem:s14+$0x4A40];
	v20 =	vsub.f32 v13, v1  }
0xc5: {  	v18 =	vld [tilespmem:s14+$0x6E00];
	v14 =	vmul.f32 $2.000000030e-01, v11  }
0xc6: {  	v19 =	vld [tilespmem:s15+$0x4A30];
	v20 =	vmul.f32 $1.442695020e+00, v20  }
0xc7: {  	v4 =	vld [tilespmem:s11+$0x4A20];
	v11 =	vmax.f32 v11, v14  }
0xc8: {  	v3 =	vld [tilespmem:s14+$0x4A10];
	v11 =	vsub.f32 v11, v1;
	(erf) = vpow2.f32 v20  }
0xc9: {  	v2 =	vld [tilespmem:s14+$0x4A00]  }
0xca: {  	s12 =	simm.s32 $0x200;
	v7 =	vld [tilespmem:s14+$0x4A20];
	v20 =	vmul.f32 $1.442695020e+00, v11  }
0xcb: {  	v18 =	vadd.f32 v18, v15;
	v13 =	vld [tilespmem:s12+$0x4A40];
	v21 =	vpop (erf)  }
0xcc: {  	v14 =	vld [tilespmem:s12+$0x6E00];
	(erf) = vpow2.f32 v20;
	[tilespmem:s15+$0x9240] =	vst v21;
	v19 =	vmul.f32 v19, v21  }
0xcd: {  	v22 =	vmul.f32 $2.000000030e-01, v18;
	v23 =	vmul.f32 v21, v12;
	v15 =	vld [tilespmem:s13+$0x4A30]  }
0xce: {  	v16 =	vmul.f32 v21, v16;
	v11 =	vld [tilespmem:s12+$0x4A00];
	[tilespmem:s15+$0x9230] =	vst v19  }
0xcf: {  	s16 =	simm.s32 $0xA00;
	v18 =	vmax.f32 v18, v22;
	v17 =	vmul.f32 v21, v17;
	v12 =	vld [tilespmem:s12+$0x4A10];
	[tilespmem:s15+$0x9200] =	vst v23  }
.LBB2_7:
0xd0: {  	s17 =	sshra.s32 s16, $0x2;
	v18 =	vsub.f32 v18, v1;
	[tilespmem:s15+$0x9210] =	vst v16;
	v19 =	vmov v7;
	v7 =	vld [tilespmem:s12+$0x4A20];
	p0 =	sne.s32 s16, $0x8E00  }
.Ltmp2:
0xd1: {  	s16 =	sadd.s32 $0x200, s16;
	v20 =	vadd.f32 v14, v13;
	v13 =	vld [tilespmem:s17+$0x4A40];
	v21 =	vpop (erf);
	[tilespmem:s15+$0x9220] =	vst v17;
	(pc) =	sbr.rel @p0 .LBB2_7-.Ltmp2, $4  }
0xd2: {  	s15 =	smov.u32 s13;
	v14 =	vld [tilespmem:s17+$0x6E00];
	v16 =	vmul.f32 $1.442695020e+00, v18;
	v17 =	vmul.f32 v15, v21;
	[tilespmem:s13+$0x9240] =	vst v21;
	s13 =	smov.u32 s11;
	s11 =	smov.u32 s14  }
0xd3: {  	v22 =	vmul.f32 v21, v9;
	v9 =	vmovc v5;
	v5 =	vmovc v2;
	s14 =	smov.u32 s12;
	s12 =	smov.u32 s17;
	v18 =	vmul.f32 $2.000000030e-01, v20;
	v15 =	vld [tilespmem:s13+$0x4A30];
	v2 =	vmov v11  }
0xd4: {  	v11 =	vld [tilespmem:s12+$0x4A00];
	(erf) = vpow2.f32 v16;
	v16 =	vmul.f32 v21, v10;
	[tilespmem:s15+$0x9230] =	vst v17;
	v10 =	vmovc v6;
	v6 =	vmovc v3;
	v3 =	vmov v12  }
0xd5: {  	v17 =	vmul.f32 v21, v8;
	v8 =	vmovc v4;
	v4 =	vmov v19;
	v12 =	vld [tilespmem:s12+$0x4A10];
	v18 =	vmax.f32 v20, v18;
	[tilespmem:s15+$0x9200] =	vst v22  }
0xd6: {  	_ = 	snop  }
0xd7: {  	v19 =	vld [tilespmem:s12+$0x4A20];
	v18 =	vsub.f32 v18, v1;
	[tilespmem:s15+$0x9210] =	vst v16;
	v56 =	vpop (erf);
	v13 =	vadd.f32 v14, v13  }
0xd8: {  	[tilespmem:s15+$0x9220] =	vst v17;
	v9 =	vmul.f32 v56, v9  }
0xd9: {  	v57 =	vmul.f32 $1.442695020e+00, v18;
	[tilespmem:s13+$0x9240] =	vst v56;
	v58 =	vmul.f32 $2.000000030e-01, v13  }
0xda: {  	v10 =	vmul.f32 v56, v10;
	v59 =	vld [tilespmem:s11+$0x4A30]  }
0xdb: {  	v8 =	vmul.f32 v56, v8;
	[tilespmem:s13+$0x9200] =	vst v9;
	(erf) = vpow2.f32 v57;
	v13 =	vmax.f32 v13, v58  }
0xdc: {  	v15 =	vmul.f32 v15, v56;
	[tilespmem:s13+$0x9210] =	vst v10;
	v1 =	vsub.f32 v13, v1  }
0xdd: {  	[tilespmem:s13+$0x9220] =	vst v8  }
0xde: {  	[tilespmem:s13+$0x9230] =	vst v15;
	v60 =	vpop (erf);
	v1 =	vmul.f32 $1.442695020e+00, v1  }
0xdf: {  	v61 =	vmul.f32 v59, v60;
	[tilespmem:s11+$0x9240] =	vst v60;
	v5 =	vmul.f32 v60, v5  }
0xe0: {  	v10 =	vld [tilespmem:s14+$0x4A30];
	(erf) = vpow2.f32 v1;
	v1 =	vmul.f32 v60, v6  }
0xe1: {  	v4 =	vmul.f32 v60, v4;
	[tilespmem:s11+$0x9230] =	vst v61  }
0xe2: {  	[tilespmem:s11+$0x9200] =	vst v5  }
0xe3: {  	[tilespmem:s11+$0x9220] =	vst v4  }
0xe4: {  	[tilespmem:s11+$0x9210] =	vst v1;
	v1 =	vpop (erf)  }
0xe5: {  	[tilespmem:s14+$0x9240] =	vst v1;
	v62 =	vmul.f32 v10, v1;
	v2 =	vmul.f32 v1, v2  }
0xe6: {  	v5 =	vld [tilespmem:s12+$0x4A30]  }
0xe7: {  	v3 =	vmul.f32 v1, v3;
	[tilespmem:s14+$0x9230] =	vst v62  }
0xe8: {  	v1 =	vmul.f32 v1, v7;
	[tilespmem:s14+$0x9200] =	vst v2  }
0xe9: {  	[tilespmem:s14+$0x9210] =	vst v3;
	v2 =	vpop (erf)  }
0xea: {  	[tilespmem:s14+$0x9220] =	vst v1;
	v3 =	vmul.f32 v2, v11  }
0xeb: {  	[tilespmem:s12+$0x9240] =	vst v2;
	v1 =	vmul.f32 v5, v2  }
0xec: {  	v63 =	vmul.f32 v2, v12;
	[tilespmem:s12+$0x9200] =	vst v3  }
0xed: {  	s10 =	sadd.s32 $0x1, s10;
	[tilespmem:s12+$0x9230] =	vst v1;
	v1 =	vmul.f32 v2, v19  }
0xee: {  	p0 =	sne.s32 s10, $0x46;
	[tilespmem:s12+$0x9210] =	vst v63  }
.Ltmp3:
0xef: {  	[tilespmem:s12+$0x9220] =	vst v1;
	(pc) =	sbr.rel @p0 .LBB2_4-.Ltmp3, $4  }
0xf0: {  	[spmem:s3] =	stream.indirect.scatter.add.f32 [tilespmem:s24], [sflag:$0x3], $0x80, s0, s25, $0xb8;
	[tilespmem:$0x1F280] =	vst v63  }
0xf1: {  	_ =	swait.ge [sflag:s23], $0x2400  }
0xf2: {  	[sflag:s23] =	ssyncset.done $0x0  }
0xf3: {  	[sflag:s23] =	ssyncadd.s32 $0xFFFFDC00  }
0xf4: {  	_ =	swait.ge [sflag:s4], $0x2400  }
0xf5: {  	[sflag:s4] =	ssyncset.done $0x0  }
0xf6: {  	[sflag:s4] =	ssyncadd.s32 $0xFFFFDC00  }
0xf7: {  	s9 =	stileid.u32;
	_ =	swait.ge [sflag:s4], $0x2400  }
0xf8: {  	s10 =	sshrl.u32 s8, $0x3;
	s1 =	sadd.s32 $0x1, s1;
	[sflag:s4] =	ssyncset.done $0x0  }
0xf9: {  	s9 =	sshll.u32 s9, $0x6;
	p0 =	sne.s32 s1, s21;
	[sflag:s4] =	ssyncadd.s32 $0xFFFFDC00  }
.Ltmp4:
0xfa: {  	s9 =	sor.u32 $0x1C03, s9;
	[bflag:$0x0] =	sbarrier.arrive $0xFFFF;
	(pc) =	sbr.rel @p0 .LBB2_1-.Ltmp4, $4  }
0xfb: {  	[hbm:s20], [sflag:s9] =	dma.local [spmem:s10], $0x2780  }
0xfc: {  	_ =	swait.ge [sflag:s23], $0x2780  }
0xfd: {  	[sflag:s23] =	ssyncset.done $0x0  }
0xfe: {  	[sflag:s23] =	ssyncadd.s32 $0xFFFFD880  }
0xff: {  	_ =	sfence.sel $0x180000  }
0x100: {  	[bflag:$0x0] =	sbarrier.arrive $0xFFFF  }
0x101: {  	_ =	strace $0x90000047  }
0x102: {  	s0 =	stileid.u32;
	[bflag:$0x2] =	sbarrier.arrive $0xFFFF  }
0x103: {  	p0 =	sne.s32 s0, $0x0;
	s0 =	rddreg [dreg:$0x3]  }
0x104: {  	s0 =	sadd.s32 @!p0 $0x100000, s0  }
0x105: {  	[sflag:s0] =	ssyncadd.tile.s32 @!p0 $0x1;
	_ =	shalt  }
.Lfunc_end2:
_tile_overlayer_lowered:
.L_overlay_start_2:
0x106: {  	(tag) =	ssettag $0x2  }
0x107: {  	s0 =	rddreg [dreg:$0x0];
	s2 =	stileid.u32  }
0x108: {  	s1 =	rddreg [dreg:$0x1];
	p0 =	sne.s32 s2, $0x0  }
0x109: {  	s3 =	rddreg [dreg:$0x2];
	[bflag:$0x3] =	sbarrier.arrive $0xFFFF;
	s2 =	simm.s32 @!p0 $0x1C03  }
0x10a: {  	[timem:s3], [sflag:s2] =	dma.local @!p0 [hbm:s0], s1  }
0x10b: {  	s0 =	simm.s32 @!p0 $0x3  }
0x10c: {  	_ =	swait.ge @!p0 [sflag:s0], s1  }
0x10d: {  	s1 =	ssub.s32 @!p0 $0x0, s1;
	[sflag:s0] =	ssyncset.done @!p0 $0x0  }
0x10e: {  	[sflag:s0] =	ssyncadd.s32 @!p0 s1  }
0x10f: {  	[bflag:$0x3] =	sbarrier.arrive $0xFFFF  }
0x110: {  	_ =	shalt  }

</sc_bundles>
